<compile_context>
chip_gen: v7x
topology: tpu7x:2x2x1
jax: 0.10.2.dev20260603
libtpu: 0.0.44.dev20260713+nightly
codegen_flags: <defaults>
</compile_context>

<pallas_src>
import functools

import jax
import jax.numpy as jnp
from jax import lax
from jax.experimental import pallas as pl
from jax.experimental.pallas import tpu as pltpu
from jax.experimental.pallas import tpu_sc as plsc

N = 10000
E = 320000
F = 128
NPAD = 10240
EPAD = 327680
NTILES = 16
RPT = NPAD // NTILES
EPT = EPAD // NTILES
CH = 128
NCHUNK = EPT // CH
SLABS = 4
CPS = NCHUNK // SLABS
LANES = 16


def _sc_degrees_body(idx2, wflat, zflat, deg2,
                     iall, wall, acc1d, stage_buf, res, shared, sem):
    c = lax.axis_index("c")
    s = lax.axis_index("s")
    pltpu.sync_copy(zflat, acc1d)
    pltpu.sync_copy(idx2.at[c, pl.ds(s * EPT, EPT)], iall)
    pltpu.sync_copy(wflat.at[pl.ds(s * EPT, EPT)], wall)

    UNROLL = 8

    def body(k, carry):
        base = k * (LANES * UNROLL)
        for j in range(UNROLL):
            plsc.addupdate_scatter(
                acc1d, [iall[pl.ds(base + j * LANES, LANES)]],
                wall[pl.ds(base + j * LANES, LANES)])
        return carry

    lax.fori_loop(0, EPT // (LANES * UNROLL), body, 0)

    pltpu.sync_copy(acc1d, shared.at[s, :])
    plsc.subcore_barrier()
    for r in range(NTILES):
        pltpu.sync_copy(shared.at[r, pl.ds(s * RPT, RPT)],
                        stage_buf.at[pl.ds(r * RPT, RPT)])

    def red_body(j, carry):
        tot = stage_buf[pl.ds(j * LANES, LANES)]
        for r in range(1, NTILES):
            tot = tot + stage_buf[pl.ds(r * RPT + j * LANES, LANES)]
        res[pl.ds(j * LANES, LANES)] = tot
        return carry

    lax.fori_loop(0, RPT // LANES, red_body, 0)
    pltpu.sync_copy(res, deg2.at[c, pl.ds(s * RPT, RPT)])


def _sc_spmm_body(a_o, a_i, gidx3, sidx4, zeros128, t12,
                  gall, sall, rows0, rows1, acc, sem0, sem1):
        c = lax.axis_index("c")
        s = lax.axis_index("s")
        pltpu.sync_copy(zeros128, rows0)
        for r in range(RPT // CH):
            pltpu.sync_copy(rows0, acc.at[pl.ds(s * RPT + r * CH, CH), :])
        plsc.subcore_barrier()

        def run(table):
            HF = CH // 2

            def fire(i, buf, sem):
                pltpu.async_copy(table.at[gall.at[pl.ds(i * CH, HF)]],
                                 buf.at[pl.ds(0, HF), :], sem)
                pltpu.async_copy(table.at[gall.at[pl.ds(i * CH + HF, HF)]],
                                 buf.at[pl.ds(HF, HF), :], sem)

            def slab_body(t, carry0):
                pltpu.sync_copy(
                    gidx3.at[c, s, pl.ds(t * CPS * CH, CPS * CH)], gall)
                pltpu.sync_copy(sidx4.at[c, s, pl.ds(t * CPS, CPS)], sall)
                fire(0, rows0, sem0)
                fire(1, rows1, sem1)

                def body2(k, carry):
                    i0 = 2 * k
                    pltpu.make_async_copy(table.at[gall.at[pl.ds(0, CH)]],
                                          rows0, sem0).wait()
                    pltpu.sync_copy(rows0, acc.at[sall.at[i0]], add=True)

                    @pl.when(i0 + 2 < CPS)
                    def _():
                        fire(i0 + 2, rows0, sem0)

                    pltpu.make_async_copy(table.at[gall.at[pl.ds(0, CH)]],
                                          rows1, sem1).wait()
                    pltpu.sync_copy(rows1, acc.at[sall.at[i0 + 1]], add=True)

                    @pl.when(i0 + 3 < CPS)
                    def _():
                        fire(i0 + 3, rows1, sem1)

                    return carry

                lax.fori_loop(0, CPS // 2, body2, 0)
                return carry0

            lax.fori_loop(0, SLABS, slab_body, 0)

        @pl.when(c == 0)
        def _():
            run(a_o)

        @pl.when(c == 1)
        def _():
            run(a_i)

        plsc.subcore_barrier()
        pltpu.sync_copy(acc.at[pl.ds(s * RPT, RPT), :],
                        t12.at[c, pl.ds(s * RPT, RPT), :])


@functools.lru_cache(maxsize=None)
def _sc_kernels():
    mesh = plsc.VectorSubcoreMesh(core_axis_name="c", subcore_axis_name="s")
    deg = pl.kernel(
        _sc_degrees_body,
        out_type=jax.ShapeDtypeStruct((2, NPAD), jnp.float32),
        mesh=mesh,
        scratch_types=[
            pltpu.VMEM((EPT,), jnp.int32),
            pltpu.VMEM((EPT,), jnp.float32),
            pltpu.VMEM((NPAD,), jnp.float32),
            pltpu.VMEM((NTILES * RPT,), jnp.float32),
            pltpu.VMEM((RPT,), jnp.float32),
            pltpu.VMEM_SHARED((NTILES, NPAD), jnp.float32),
            pltpu.SemaphoreType.DMA,
        ],
        compiler_params=pltpu.CompilerParams(needs_layout_passes=False),
    )

    spmm = pl.kernel(
        _sc_spmm_body,
        out_type=jax.ShapeDtypeStruct((2, NPAD, F), jnp.float32),
        mesh=mesh,
        scratch_types=[
            pltpu.VMEM((CPS * CH,), jnp.int32),
            pltpu.VMEM((CPS, CH), jnp.int32),
            pltpu.VMEM((CH, F), jnp.float32),
            pltpu.VMEM((CH, F), jnp.float32),
            pltpu.VMEM_SHARED((NPAD, F), jnp.float32),
            pltpu.SemaphoreType.DMA,
            pltpu.SemaphoreType.DMA,
        ],
    )

    return deg, spmm


_ROWS = 1024


def _prescale_body(vo_ref, vi_ref, degt_ref, ao_ref, ai_ref):
    ro = 1.0 / jnp.maximum(degt_ref[...][:, 0:1], 1e-12)
    ri = 1.0 / jnp.maximum(degt_ref[...][:, 1:2], 1e-12)
    ao_ref[...] = vo_ref[...] * ro
    ai_ref[...] = vi_ref[...] * ri


def _prescale(v_o, v_i, degt):
    grid = NPAD // _ROWS
    row_spec = pl.BlockSpec((_ROWS, F), lambda i: (i, 0))
    return pl.pallas_call(
        _prescale_body,
        grid=(grid,),
        in_specs=[
            row_spec, row_spec,
            pl.BlockSpec((_ROWS, 2), lambda i: (i, 0)),
        ],
        out_specs=[row_spec, row_spec],
        out_shape=[
            jax.ShapeDtypeStruct((NPAD, F), jnp.float32),
            jax.ShapeDtypeStruct((NPAD, F), jnp.float32),
        ],
    )(v_o, v_i, degt)


def _final_body(x_ref, t1o_ref, t1i_ref, p2o_ref, p2i_ref,
                wz_ref, wh_ref, bz_ref, bh_ref, wcls_ref, bcls_ref,
                out_ref):
    xb = x_ref[...]
    t1o = t1o_ref[...]
    t1i = t1i_ref[...]
    p2o = p2o_ref[...]
    p2i = p2i_ref[...]

    def conv(W, b):
        wx = W[0, 0, :F] + W[1, 0, :F] - W[0, 2, :F] - W[1, 2, :F]
        h = jnp.dot(xb, wx, preferred_element_type=jnp.float32)
        h += jnp.dot(t1o, W[0, 1, :F], preferred_element_type=jnp.float32)
        h += jnp.dot(t1i, W[1, 1, :F], preferred_element_type=jnp.float32)
        h += 2.0 * jnp.dot(p2o, W[0, 2, :F], preferred_element_type=jnp.float32)
        h += 2.0 * jnp.dot(p2i, W[1, 2, :F], preferred_element_type=jnp.float32)
        return h + b

    z = jax.nn.sigmoid(conv(wz_ref[...], bz_ref[...]))
    ht = jnp.tanh(conv(wh_ref[...], bh_ref[...]))
    act = jax.nn.relu((1.0 - z) * ht)
    out_ref[...] = (jnp.dot(act, wcls_ref[...], preferred_element_type=jnp.float32)
                    + bcls_ref[...])


def _final(x_pad, t1o, t1i, p2o, p2i, W_z, W_h, b_z, b_h, W_cls, b_cls):
    grid = NPAD // _ROWS
    row_spec = pl.BlockSpec((_ROWS, F), lambda i: (i, 0))
    return pl.pallas_call(
        _final_body,
        grid=(grid,),
        in_specs=[
            row_spec, row_spec, row_spec, row_spec, row_spec,
            pl.BlockSpec((2, 3, 2 * F, F), lambda i: (0, 0, 0, 0)),
            pl.BlockSpec((2, 3, 2 * F, F), lambda i: (0, 0, 0, 0)),
            pl.BlockSpec((1, F), lambda i: (0, 0)),
            pl.BlockSpec((1, F), lambda i: (0, 0)),
            pl.BlockSpec((F, 1), lambda i: (0, 0)),
            pl.BlockSpec((1, 1), lambda i: (0, 0)),
        ],
        out_specs=pl.BlockSpec((_ROWS, 1), lambda i: (i, 0)),
        out_shape=jax.ShapeDtypeStruct((NPAD, 1), jnp.float32),
    )(x_pad, t1o, t1i, p2o, p2i, W_z, W_h, b_z, b_h, W_cls, b_cls)


def kernel(x, edge_index, edge_weight, W_z, b_z, W_r, b_r, W_h, b_h,
           W_cls, b_cls):
    del W_r, b_r
    x_pad = jnp.pad(x, ((0, NPAD - N), (0, 0)))
    pad_idx = jnp.full((EPAD - E,), NPAD - 1, jnp.int32)
    srcp = jnp.concatenate([edge_index[0], pad_idx])
    dstp = jnp.concatenate([edge_index[1], pad_idx])
    wflat = jnp.pad(edge_weight, (0, EPAD - E))
    zflat = jnp.zeros((NPAD,), jnp.float32)
    zeros128 = jnp.zeros((CH, F), jnp.float32)
    idx2 = jnp.stack([srcp, dstp])
    gidx3 = idx2.reshape(2, NTILES, EPT)
    sidx4 = jnp.stack([dstp, srcp]).reshape(2, NTILES, NCHUNK, CH)

    sc_degrees, sc_spmm = _sc_kernels()
    deg2 = sc_degrees(idx2, wflat, zflat)
    degt = deg2.T
    a_o, a_i = _prescale(x_pad, x_pad, degt)
    t12 = sc_spmm(a_o, a_i, gidx3, sidx4, zeros128)
    b_o, b_i = _prescale(t12[0], t12[1], degt)
    p12 = sc_spmm(b_o, b_i, gidx3, sidx4, zeros128)

    out = _final(x_pad, t12[0], t12[1], p12[0], p12[1],
                 W_z, W_h, b_z.reshape(1, F), b_h.reshape(1, F),
                 W_cls, b_cls.reshape(1, 1))
    return out[:N]

# --- scband reference (transcript-rebuilt; emitter-appended) ---
"""Pipeline reference for scband-recurrent-gcn-dcrnn-80504866996301 (READ-ONLY COPY).

The authoritative reference and input builder live on the scoring server;
editing this copy changes nothing except your own understanding.
"""

import jax, jax.numpy as jnp
import numpy as np

N = 10000
E = 320000
F = 128
K = 3

def setup_inputs(seed: int = 0) -> dict:
    key = jax.random.key(seed)
    ks = jax.random.split(key, 8)
    s = 0.05
    inp = {}
    inp["x"] = jax.random.normal(ks[0], (N, F), dtype=jnp.float32)
    inp["edge_index"] = jax.random.randint(ks[1], (2, E), 0, N, dtype=jnp.int32)
    inp["edge_weight"] = jax.random.uniform(ks[2], (E,), dtype=jnp.float32) + 0.1
    inp["W_z"] = jax.random.normal(ks[3], (2, K, 2 * F, F), dtype=jnp.float32) * s
    inp["b_z"] = jnp.zeros((F,), dtype=jnp.float32)
    inp["W_r"] = jax.random.normal(ks[4], (2, K, 2 * F, F), dtype=jnp.float32) * s
    inp["b_r"] = jnp.zeros((F,), dtype=jnp.float32)
    inp["W_h"] = jax.random.normal(ks[5], (2, K, 2 * F, F), dtype=jnp.float32) * s
    inp["b_h"] = jnp.zeros((F,), dtype=jnp.float32)
    inp["W_cls"] = jax.random.normal(ks[6], (F, 1), dtype=jnp.float32) * s
    inp["b_cls"] = jnp.zeros((1,), dtype=jnp.float32)
    return inp

def _dconv(Xc, src, dst, norm_out, norm_in, weight, bias):
    n = Xc.shape[0]
    def prop(x, s_idx, d_idx, norm):
        return jax.ops.segment_sum(norm[:, None] * jnp.take(x, s_idx, axis=0), d_idx, num_segments=n)
    # k = 0 term (identity for both diffusion directions)
    H = Xc @ weight[0, 0] + Xc @ weight[1, 0]
    # k = 1 term: one-hop diffusion, forward (out-degree norm) and reverse (in-degree norm)
    Tx_1_o = prop(Xc, src, dst, norm_out)
    Tx_1_i = prop(Xc, dst, src, norm_in)
    H = H + Tx_1_o @ weight[0, 1] + Tx_1_i @ weight[1, 1]
    Tx_0_o = Xc
    Tx_0_i = Xc
    for k in range(2, weight.shape[1]):
        Tx_2_o = 2.0 * prop(Tx_1_o, src, dst, norm_out) - Tx_0_o
        Tx_2_i = 2.0 * prop(Tx_1_i, dst, src, norm_in) - Tx_0_i
        H = H + Tx_2_o @ weight[0, k] + Tx_2_i @ weight[1, k]
        Tx_0_o, Tx_1_o = Tx_1_o, Tx_2_o
        Tx_0_i, Tx_1_i = Tx_1_i, Tx_2_i
    return H + bias

def reference(x, edge_index, edge_weight, W_z, b_z, W_r, b_r, W_h, b_h, W_cls, b_cls):
    n = x.shape[0]
    src = edge_index[0]
    dst = edge_index[1]
    deg_out = jax.ops.segment_sum(edge_weight, src, num_segments=n)
    deg_in = jax.ops.segment_sum(edge_weight, dst, num_segments=n)
    deg_out = jnp.maximum(deg_out, 1e-12)
    deg_in = jnp.maximum(deg_in, 1e-12)
    norm_out = jnp.take(1.0 / deg_out, src, axis=0)
    norm_in = jnp.take(1.0 / deg_in, dst, axis=0)
    # DCRNN GRU cell with hidden state initialized to zeros
    Hs = jnp.zeros((n, W_z.shape[-1]), dtype=x.dtype)
    XH = jnp.concatenate([x, Hs], axis=1)
    Z = jax.nn.sigmoid(_dconv(XH, src, dst, norm_out, norm_in, W_z, b_z))
    R = jax.nn.sigmoid(_dconv(XH, src, dst, norm_out, norm_in, W_r, b_r))
    XRH = jnp.concatenate([x, R * Hs], axis=1)
    H_tilde = jnp.tanh(_dconv(XRH, src, dst, norm_out, norm_in, W_h, b_h))
    Hn = Z * Hs + (1.0 - Z) * H_tilde
    h = jax.nn.relu(Hn)
    return h @ W_cls + b_cls

if __name__ == "__main__":
    import jax
    _d = setup_inputs()
    print(jax.jit(kernel)(*tuple(_d.values())))

</pallas_src>

<mosaic_0001>
#map = affine_map<(d0, d1) -> (0, 0)>
#map1 = affine_map<(d0, d1) -> (0, 0, 0)>
#map2 = affine_map<(d0, d1) -> (0, 0, 0, 0)>
module attributes {stable_mosaic.version = 14 : i64} {
  func.func @_sc_spmm_body(%arg0: i32, %arg1: i32, %arg2: memref<10240x128xf32, #tpu.memory_space<hbm>>, %arg3: memref<10240x128xf32, #tpu.memory_space<hbm>>, %arg4: memref<2x16x20480xi32, #tpu.memory_space<hbm>>, %arg5: memref<2x16x160x128xi32, #tpu.memory_space<hbm>>, %arg6: memref<128x128xf32, #tpu.memory_space<hbm>>, %arg7: memref<2x10240x128xf32, #tpu.memory_space<hbm>>, %arg8: memref<5120xi32, #tpu.memory_space<vmem>>, %arg9: memref<40x128xi32, #tpu.memory_space<vmem>>, %arg10: memref<128x128xf32, #tpu.memory_space<vmem>>, %arg11: memref<128x128xf32, #tpu.memory_space<vmem>>, %arg12: memref<10240x128xf32, #tpu.memory_space<vmem_shared>>, %arg13: memref<!tpu.dma_semaphore, #tpu.memory_space<semaphore_mem>>, %arg14: memref<!tpu.dma_semaphore, #tpu.memory_space<semaphore_mem>>) attributes {dimension_semantics = [#tpu.dimension_semantics<core_parallel>, #tpu.dimension_semantics<subcore_parallel>], iteration_bounds = array<i64: 2, 16>, scalar_prefetch = 0 : i64, scratch_operands = 7 : i64, tpu.core_type = #tpu.core_type<sc_vector_subcore>, window_params = [{transform_indices = #map}, {transform_indices = #map}, {transform_indices = #map1}, {transform_indices = #map2}, {transform_indices = #map}, {transform_indices = #map1}]} {
    "tpu.region"() ({
      %run_scoped3A = tpu.sem_alloc : memref<!tpu.dma_semaphore, #tpu.memory_space<semaphore_mem>>
      tpu.enqueue_dma source(%arg6 : memref<128x128xf32, #tpu.memory_space<hbm>>) target(%arg10 : memref<128x128xf32, #tpu.memory_space<vmem>>) target_semaphore(%run_scoped3A : memref<!tpu.dma_semaphore, #tpu.memory_space<semaphore_mem>>)
      tpu.wait_dma2 semaphore(%run_scoped3A : memref<!tpu.dma_semaphore, #tpu.memory_space<semaphore_mem>>) src(%arg6 : memref<128x128xf32, #tpu.memory_space<hbm>>) dst(%arg10 : memref<128x128xf32, #tpu.memory_space<vmem>>)
      tpu.yield
    }) : () -> ()
    %mul3A = arith.constant 640 : i32
    %mul3A_0 = arith.muli %arg1, %mul3A : i32
    %add3A = arith.constant 0 : i32
    %add3A_1 = arith.addi %mul3A_0, %add3A : i32
    "tpu.region"() ({
      %run_scoped3A = tpu.sem_alloc : memref<!tpu.dma_semaphore, #tpu.memory_space<semaphore_mem>>
      %dma_start3A = arith.constant 0 : i32
      %dma_start3A_30 = tpu.memref_slice %arg12[%add3A_1, %dma_start3A] : memref<10240x128xf32, #tpu.memory_space<vmem_shared>> -> memref<128x128xf32, #tpu.memory_space<vmem_shared>>
      %dma_start3A_31 = arith.constant 0 : i32
      %dma_start3A_32 = tpu.memref_slice %arg12[%add3A_1, %dma_start3A_31] : memref<10240x128xf32, #tpu.memory_space<vmem_shared>> -> memref<128x128xf32, #tpu.memory_space<vmem_shared>>
      tpu.enqueue_dma source(%arg10 : memref<128x128xf32, #tpu.memory_space<vmem>>) target(%dma_start3A_32 : memref<128x128xf32, #tpu.memory_space<vmem_shared>>) target_semaphore(%run_scoped3A : memref<!tpu.dma_semaphore, #tpu.memory_space<semaphore_mem>>)
      %dma_wait3A = arith.constant 0 : i32
      %dma_wait3A_33 = tpu.memref_slice %arg12[%add3A_1, %dma_wait3A] : memref<10240x128xf32, #tpu.memory_space<vmem_shared>> -> memref<128x128xf32, #tpu.memory_space<vmem_shared>>
      %dma_wait3A_34 = arith.constant 0 : i32
      %dma_wait3A_35 = tpu.memref_slice %arg12[%add3A_1, %dma_wait3A_34] : memref<10240x128xf32, #tpu.memory_space<vmem_shared>> -> memref<128x128xf32, #tpu.memory_space<vmem_shared>>
      tpu.wait_dma2 semaphore(%run_scoped3A : memref<!tpu.dma_semaphore, #tpu.memory_space<semaphore_mem>>) src(%arg10 : memref<128x128xf32, #tpu.memory_space<vmem>>) dst(%dma_wait3A_35 : memref<128x128xf32, #tpu.memory_space<vmem_shared>>)
      tpu.yield
    }) : () -> ()
    %mul3A_2 = arith.constant 640 : i32
    %mul3A_3 = arith.muli %arg1, %mul3A_2 : i32
    %add3A_4 = arith.constant 128 : i32
    %add3A_5 = arith.addi %mul3A_3, %add3A_4 : i32
    "tpu.region"() ({
      %run_scoped3A = tpu.sem_alloc : memref<!tpu.dma_semaphore, #tpu.memory_space<semaphore_mem>>
      %dma_start3A = arith.constant 0 : i32
      %dma_start3A_30 = tpu.memref_slice %arg12[%add3A_5, %dma_start3A] : memref<10240x128xf32, #tpu.memory_space<vmem_shared>> -> memref<128x128xf32, #tpu.memory_space<vmem_shared>>
      %dma_start3A_31 = arith.constant 0 : i32
      %dma_start3A_32 = tpu.memref_slice %arg12[%add3A_5, %dma_start3A_31] : memref<10240x128xf32, #tpu.memory_space<vmem_shared>> -> memref<128x128xf32, #tpu.memory_space<vmem_shared>>
      tpu.enqueue_dma source(%arg10 : memref<128x128xf32, #tpu.memory_space<vmem>>) target(%dma_start3A_32 : memref<128x128xf32, #tpu.memory_space<vmem_shared>>) target_semaphore(%run_scoped3A : memref<!tpu.dma_semaphore, #tpu.memory_space<semaphore_mem>>)
      %dma_wait3A = arith.constant 0 : i32
      %dma_wait3A_33 = tpu.memref_slice %arg12[%add3A_5, %dma_wait3A] : memref<10240x128xf32, #tpu.memory_space<vmem_shared>> -> memref<128x128xf32, #tpu.memory_space<vmem_shared>>
      %dma_wait3A_34 = arith.constant 0 : i32
      %dma_wait3A_35 = tpu.memref_slice %arg12[%add3A_5, %dma_wait3A_34] : memref<10240x128xf32, #tpu.memory_space<vmem_shared>> -> memref<128x128xf32, #tpu.memory_space<vmem_shared>>
      tpu.wait_dma2 semaphore(%run_scoped3A : memref<!tpu.dma_semaphore, #tpu.memory_space<semaphore_mem>>) src(%arg10 : memref<128x128xf32, #tpu.memory_space<vmem>>) dst(%dma_wait3A_35 : memref<128x128xf32, #tpu.memory_space<vmem_shared>>)
      tpu.yield
    }) : () -> ()
    %mul3A_6 = arith.constant 640 : i32
    %mul3A_7 = arith.muli %arg1, %mul3A_6 : i32
    %add3A_8 = arith.constant 256 : i32
    %add3A_9 = arith.addi %mul3A_7, %add3A_8 : i32
    "tpu.region"() ({
      %run_scoped3A = tpu.sem_alloc : memref<!tpu.dma_semaphore, #tpu.memory_space<semaphore_mem>>
      %dma_start3A = arith.constant 0 : i32
      %dma_start3A_30 = tpu.memref_slice %arg12[%add3A_9, %dma_start3A] : memref<10240x128xf32, #tpu.memory_space<vmem_shared>> -> memref<128x128xf32, #tpu.memory_space<vmem_shared>>
      %dma_start3A_31 = arith.constant 0 : i32
      %dma_start3A_32 = tpu.memref_slice %arg12[%add3A_9, %dma_start3A_31] : memref<10240x128xf32, #tpu.memory_space<vmem_shared>> -> memref<128x128xf32, #tpu.memory_space<vmem_shared>>
      tpu.enqueue_dma source(%arg10 : memref<128x128xf32, #tpu.memory_space<vmem>>) target(%dma_start3A_32 : memref<128x128xf32, #tpu.memory_space<vmem_shared>>) target_semaphore(%run_scoped3A : memref<!tpu.dma_semaphore, #tpu.memory_space<semaphore_mem>>)
      %dma_wait3A = arith.constant 0 : i32
      %dma_wait3A_33 = tpu.memref_slice %arg12[%add3A_9, %dma_wait3A] : memref<10240x128xf32, #tpu.memory_space<vmem_shared>> -> memref<128x128xf32, #tpu.memory_space<vmem_shared>>
      %dma_wait3A_34 = arith.constant 0 : i32
      %dma_wait3A_35 = tpu.memref_slice %arg12[%add3A_9, %dma_wait3A_34] : memref<10240x128xf32, #tpu.memory_space<vmem_shared>> -> memref<128x128xf32, #tpu.memory_space<vmem_shared>>
      tpu.wait_dma2 semaphore(%run_scoped3A : memref<!tpu.dma_semaphore, #tpu.memory_space<semaphore_mem>>) src(%arg10 : memref<128x128xf32, #tpu.memory_space<vmem>>) dst(%dma_wait3A_35 : memref<128x128xf32, #tpu.memory_space<vmem_shared>>)
      tpu.yield
    }) : () -> ()
    %mul3A_10 = arith.constant 640 : i32
    %mul3A_11 = arith.muli %arg1, %mul3A_10 : i32
    %add3A_12 = arith.constant 384 : i32
    %add3A_13 = arith.addi %mul3A_11, %add3A_12 : i32
    "tpu.region"() ({
      %run_scoped3A = tpu.sem_alloc : memref<!tpu.dma_semaphore, #tpu.memory_space<semaphore_mem>>
      %dma_start3A = arith.constant 0 : i32
      %dma_start3A_30 = tpu.memref_slice %arg12[%add3A_13, %dma_start3A] : memref<10240x128xf32, #tpu.memory_space<vmem_shared>> -> memref<128x128xf32, #tpu.memory_space<vmem_shared>>
      %dma_start3A_31 = arith.constant 0 : i32
      %dma_start3A_32 = tpu.memref_slice %arg12[%add3A_13, %dma_start3A_31] : memref<10240x128xf32, #tpu.memory_space<vmem_shared>> -> memref<128x128xf32, #tpu.memory_space<vmem_shared>>
      tpu.enqueue_dma source(%arg10 : memref<128x128xf32, #tpu.memory_space<vmem>>) target(%dma_start3A_32 : memref<128x128xf32, #tpu.memory_space<vmem_shared>>) target_semaphore(%run_scoped3A : memref<!tpu.dma_semaphore, #tpu.memory_space<semaphore_mem>>)
      %dma_wait3A = arith.constant 0 : i32
      %dma_wait3A_33 = tpu.memref_slice %arg12[%add3A_13, %dma_wait3A] : memref<10240x128xf32, #tpu.memory_space<vmem_shared>> -> memref<128x128xf32, #tpu.memory_space<vmem_shared>>
      %dma_wait3A_34 = arith.constant 0 : i32
      %dma_wait3A_35 = tpu.memref_slice %arg12[%add3A_13, %dma_wait3A_34] : memref<10240x128xf32, #tpu.memory_space<vmem_shared>> -> memref<128x128xf32, #tpu.memory_space<vmem_shared>>
      tpu.wait_dma2 semaphore(%run_scoped3A : memref<!tpu.dma_semaphore, #tpu.memory_space<semaphore_mem>>) src(%arg10 : memref<128x128xf32, #tpu.memory_space<vmem>>) dst(%dma_wait3A_35 : memref<128x128xf32, #tpu.memory_space<vmem_shared>>)
      tpu.yield
    }) : () -> ()
    %mul3A_14 = arith.constant 640 : i32
    %mul3A_15 = arith.muli %arg1, %mul3A_14 : i32
    %add3A_16 = arith.constant 512 : i32
    %add3A_17 = arith.addi %mul3A_15, %add3A_16 : i32
    "tpu.region"() ({
      %run_scoped3A = tpu.sem_alloc : memref<!tpu.dma_semaphore, #tpu.memory_space<semaphore_mem>>
      %dma_start3A = arith.constant 0 : i32
      %dma_start3A_30 = tpu.memref_slice %arg12[%add3A_17, %dma_start3A] : memref<10240x128xf32, #tpu.memory_space<vmem_shared>> -> memref<128x128xf32, #tpu.memory_space<vmem_shared>>
      %dma_start3A_31 = arith.constant 0 : i32
      %dma_start3A_32 = tpu.memref_slice %arg12[%add3A_17, %dma_start3A_31] : memref<10240x128xf32, #tpu.memory_space<vmem_shared>> -> memref<128x128xf32, #tpu.memory_space<vmem_shared>>
      tpu.enqueue_dma source(%arg10 : memref<128x128xf32, #tpu.memory_space<vmem>>) target(%dma_start3A_32 : memref<128x128xf32, #tpu.memory_space<vmem_shared>>) target_semaphore(%run_scoped3A : memref<!tpu.dma_semaphore, #tpu.memory_space<semaphore_mem>>)
      %dma_wait3A = arith.constant 0 : i32
      %dma_wait3A_33 = tpu.memref_slice %arg12[%add3A_17, %dma_wait3A] : memref<10240x128xf32, #tpu.memory_space<vmem_shared>> -> memref<128x128xf32, #tpu.memory_space<vmem_shared>>
      %dma_wait3A_34 = arith.constant 0 : i32
      %dma_wait3A_35 = tpu.memref_slice %arg12[%add3A_17, %dma_wait3A_34] : memref<10240x128xf32, #tpu.memory_space<vmem_shared>> -> memref<128x128xf32, #tpu.memory_space<vmem_shared>>
      tpu.wait_dma2 semaphore(%run_scoped3A : memref<!tpu.dma_semaphore, #tpu.memory_space<semaphore_mem>>) src(%arg10 : memref<128x128xf32, #tpu.memory_space<vmem>>) dst(%dma_wait3A_35 : memref<128x128xf32, #tpu.memory_space<vmem_shared>>)
      tpu.yield
    }) : () -> ()
    %barrier3A = arith.constant 0 : index
    tpu.barrier barrier_id(%barrier3A)
    %eq3A = arith.constant 0 : i32
    %eq3A_18 = arith.cmpi eq, %arg0, %eq3A : i32
    %convert_element_type3A = arith.extui %eq3A_18 : i1 to i32
    %cond3A = arith.constant 0 : i32
    %cond3A_19 = arith.cmpi ne, %convert_element_type3A, %cond3A : i32
    scf.if %cond3A_19 {
      %scan3A = arith.constant 0 : i32
      %scan3A_30 = arith.constant 0 : i32
      %scan3A_31 = arith.constant 4 : i32
      %scan3A_32 = arith.addi %scan3A_30, %scan3A_31 : i32
      %scan3A_33 = arith.constant 1 : i32
      scf.for %scan3A_35 = %scan3A_30 to %scan3A_32 step %scan3A_33  : i32 {
        %mul3A_36 = arith.constant 40 : i32
        %mul3A_37 = arith.muli %scan3A_35, %mul3A_36 : i32
        %mul3A_38 = arith.constant 128 : i32
        %mul3A_39 = arith.muli %mul3A_37, %mul3A_38 : i32
        "tpu.region"() ({
          %run_scoped3A = tpu.sem_alloc : memref<!tpu.dma_semaphore, #tpu.memory_space<semaphore_mem>>
          %dma_start3A_79 = tpu.memref_slice %arg4[%arg0, %arg1, %mul3A_39] : memref<2x16x20480xi32, #tpu.memory_space<hbm>> -> memref<1x1x5120xi32, #tpu.memory_space<hbm>>
          %dma_start3A_80 = tpu.memref_squeeze %dma_start3A_79 : memref<1x1x5120xi32, #tpu.memory_space<hbm>> -> memref<5120xi32, #tpu.memory_space<hbm>>
          %dma_start3A_81 = tpu.memref_slice %arg4[%arg0, %arg1, %mul3A_39] : memref<2x16x20480xi32, #tpu.memory_space<hbm>> -> memref<1x1x5120xi32, #tpu.memory_space<hbm>>
          %dma_start3A_82 = tpu.memref_squeeze %dma_start3A_81 : memref<1x1x5120xi32, #tpu.memory_space<hbm>> -> memref<5120xi32, #tpu.memory_space<hbm>>
          tpu.enqueue_dma source(%dma_start3A_82 : memref<5120xi32, #tpu.memory_space<hbm>>) target(%arg8 : memref<5120xi32, #tpu.memory_space<vmem>>) target_semaphore(%run_scoped3A : memref<!tpu.dma_semaphore, #tpu.memory_space<semaphore_mem>>)
          %dma_wait3A = tpu.memref_slice %arg4[%arg0, %arg1, %mul3A_39] : memref<2x16x20480xi32, #tpu.memory_space<hbm>> -> memref<1x1x5120xi32, #tpu.memory_space<hbm>>
          %dma_wait3A_83 = tpu.memref_squeeze %dma_wait3A : memref<1x1x5120xi32, #tpu.memory_space<hbm>> -> memref<5120xi32, #tpu.memory_space<hbm>>
          %dma_wait3A_84 = tpu.memref_slice %arg4[%arg0, %arg1, %mul3A_39] : memref<2x16x20480xi32, #tpu.memory_space<hbm>> -> memref<1x1x5120xi32, #tpu.memory_space<hbm>>
          %dma_wait3A_85 = tpu.memref_squeeze %dma_wait3A_84 : memref<1x1x5120xi32, #tpu.memory_space<hbm>> -> memref<5120xi32, #tpu.memory_space<hbm>>
          tpu.wait_dma2 semaphore(%run_scoped3A : memref<!tpu.dma_semaphore, #tpu.memory_space<semaphore_mem>>) src(%dma_wait3A_85 : memref<5120xi32, #tpu.memory_space<hbm>>) dst(%arg8 : memref<5120xi32, #tpu.memory_space<vmem>>)
          tpu.yield
        }) : () -> ()
        %mul3A_40 = arith.constant 40 : i32
        %mul3A_41 = arith.muli %scan3A_35, %mul3A_40 : i32
        "tpu.region"() ({
          %run_scoped3A = tpu.sem_alloc : memref<!tpu.dma_semaphore, #tpu.memory_space<semaphore_mem>>
          %dma_start3A_79 = arith.constant 0 : i32
          %dma_start3A_80 = tpu.memref_slice %arg5[%arg0, %arg1, %mul3A_41, %dma_start3A_79] : memref<2x16x160x128xi32, #tpu.memory_space<hbm>> -> memref<1x1x40x128xi32, #tpu.memory_space<hbm>>
          %dma_start3A_81 = tpu.memref_squeeze %dma_start3A_80 : memref<1x1x40x128xi32, #tpu.memory_space<hbm>> -> memref<40x128xi32, #tpu.memory_space<hbm>>
          %dma_start3A_82 = arith.constant 0 : i32
          %dma_start3A_83 = tpu.memref_slice %arg5[%arg0, %arg1, %mul3A_41, %dma_start3A_82] : memref<2x16x160x128xi32, #tpu.memory_space<hbm>> -> memref<1x1x40x128xi32, #tpu.memory_space<hbm>>
          %dma_start3A_84 = tpu.memref_squeeze %dma_start3A_83 : memref<1x1x40x128xi32, #tpu.memory_space<hbm>> -> memref<40x128xi32, #tpu.memory_space<hbm>>
          tpu.enqueue_dma source(%dma_start3A_84 : memref<40x128xi32, #tpu.memory_space<hbm>>) target(%arg9 : memref<40x128xi32, #tpu.memory_space<vmem>>) target_semaphore(%run_scoped3A : memref<!tpu.dma_semaphore, #tpu.memory_space<semaphore_mem>>)
          %dma_wait3A = arith.constant 0 : i32
          %dma_wait3A_85 = tpu.memref_slice %arg5[%arg0, %arg1, %mul3A_41, %dma_wait3A] : memref<2x16x160x128xi32, #tpu.memory_space<hbm>> -> memref<1x1x40x128xi32, #tpu.memory_space<hbm>>
          %dma_wait3A_86 = tpu.memref_squeeze %dma_wait3A_85 : memref<1x1x40x128xi32, #tpu.memory_space<hbm>> -> memref<40x128xi32, #tpu.memory_space<hbm>>
          %dma_wait3A_87 = arith.constant 0 : i32
          %dma_wait3A_88 = tpu.memref_slice %arg5[%arg0, %arg1, %mul3A_41, %dma_wait3A_87] : memref<2x16x160x128xi32, #tpu.memory_space<hbm>> -> memref<1x1x40x128xi32, #tpu.memory_space<hbm>>
          %dma_wait3A_89 = tpu.memref_squeeze %dma_wait3A_88 : memref<1x1x40x128xi32, #tpu.memory_space<hbm>> -> memref<40x128xi32, #tpu.memory_space<hbm>>
          tpu.wait_dma2 semaphore(%run_scoped3A : memref<!tpu.dma_semaphore, #tpu.memory_space<semaphore_mem>>) src(%dma_wait3A_89 : memref<40x128xi32, #tpu.memory_space<hbm>>) dst(%arg9 : memref<40x128xi32, #tpu.memory_space<vmem>>)
          tpu.yield
        }) : () -> ()
        %dma_start3A = arith.constant 0 : i32
        %dma_start3A_42 = arith.constant 0 : i32
        %dma_start3A_43 = tpu.memref_slice %arg10[%dma_start3A, %dma_start3A_42] : memref<128x128xf32, #tpu.memory_space<vmem>> -> memref<64x128xf32, #tpu.memory_space<vmem>>
        %dma_start3A_44 = arith.constant 0 : i32
        %dma_start3A_45 = tpu.memref_slice %arg8[%dma_start3A_44] : memref<5120xi32, #tpu.memory_space<vmem>> -> memref<64xi32, #tpu.memory_space<vmem>>
        %dma_start3A_46 = arith.constant 0 : i32
        %dma_start3A_47 = arith.constant 0 : i32
        %dma_start3A_48 = tpu.memref_slice %arg2[%dma_start3A_46, %dma_start3A_47] : memref<10240x128xf32, #tpu.memory_space<hbm>> -> memref<10240x128xf32, #tpu.memory_space<hbm>>
        tpu.enqueue_indirect_dma source(%dma_start3A_48 : memref<10240x128xf32, #tpu.memory_space<hbm>>) target(%dma_start3A_43 : memref<64x128xf32, #tpu.memory_space<vmem>>) offsets(%dma_start3A_45 : memref<64xi32, #tpu.memory_space<vmem>>) semaphore(%arg13 : memref<!tpu.dma_semaphore, #tpu.memory_space<semaphore_mem>>)
        %dma_start3A_49 = arith.constant 64 : i32
        %dma_start3A_50 = arith.constant 0 : i32
        %dma_start3A_51 = tpu.memref_slice %arg10[%dma_start3A_49, %dma_start3A_50] : memref<128x128xf32, #tpu.memory_space<vmem>> -> memref<64x128xf32, #tpu.memory_space<vmem>>
        %dma_start3A_52 = arith.constant 64 : i32
        %dma_start3A_53 = tpu.memref_slice %arg8[%dma_start3A_52] : memref<5120xi32, #tpu.memory_space<vmem>> -> memref<64xi32, #tpu.memory_space<vmem>>
        %dma_start3A_54 = arith.constant 0 : i32
        %dma_start3A_55 = arith.constant 0 : i32
        %dma_start3A_56 = tpu.memref_slice %arg2[%dma_start3A_54, %dma_start3A_55] : memref<10240x128xf32, #tpu.memory_space<hbm>> -> memref<10240x128xf32, #tpu.memory_space<hbm>>
        tpu.enqueue_indirect_dma source(%dma_start3A_56 : memref<10240x128xf32, #tpu.memory_space<hbm>>) target(%dma_start3A_51 : memref<64x128xf32, #tpu.memory_space<vmem>>) offsets(%dma_start3A_53 : memref<64xi32, #tpu.memory_space<vmem>>) semaphore(%arg13 : memref<!tpu.dma_semaphore, #tpu.memory_space<semaphore_mem>>)
        %dma_start3A_57 = arith.constant 0 : i32
        %dma_start3A_58 = arith.constant 0 : i32
        %dma_start3A_59 = tpu.memref_slice %arg11[%dma_start3A_57, %dma_start3A_58] : memref<128x128xf32, #tpu.memory_space<vmem>> -> memref<64x128xf32, #tpu.memory_space<vmem>>
        %dma_start3A_60 = arith.constant 128 : i32
        %dma_start3A_61 = tpu.memref_slice %arg8[%dma_start3A_60] : memref<5120xi32, #tpu.memory_space<vmem>> -> memref<64xi32, #tpu.memory_space<vmem>>
        %dma_start3A_62 = arith.constant 0 : i32
        %dma_start3A_63 = arith.constant 0 : i32
        %dma_start3A_64 = tpu.memref_slice %arg2[%dma_start3A_62, %dma_start3A_63] : memref<10240x128xf32, #tpu.memory_space<hbm>> -> memref<10240x128xf32, #tpu.memory_space<hbm>>
        tpu.enqueue_indirect_dma source(%dma_start3A_64 : memref<10240x128xf32, #tpu.memory_space<hbm>>) target(%dma_start3A_59 : memref<64x128xf32, #tpu.memory_space<vmem>>) offsets(%dma_start3A_61 : memref<64xi32, #tpu.memory_space<vmem>>) semaphore(%arg14 : memref<!tpu.dma_semaphore, #tpu.memory_space<semaphore_mem>>)
        %dma_start3A_65 = arith.constant 64 : i32
        %dma_start3A_66 = arith.constant 0 : i32
        %dma_start3A_67 = tpu.memref_slice %arg11[%dma_start3A_65, %dma_start3A_66] : memref<128x128xf32, #tpu.memory_space<vmem>> -> memref<64x128xf32, #tpu.memory_space<vmem>>
        %dma_start3A_68 = arith.constant 192 : i32
        %dma_start3A_69 = tpu.memref_slice %arg8[%dma_start3A_68] : memref<5120xi32, #tpu.memory_space<vmem>> -> memref<64xi32, #tpu.memory_space<vmem>>
        %dma_start3A_70 = arith.constant 0 : i32
        %dma_start3A_71 = arith.constant 0 : i32
        %dma_start3A_72 = tpu.memref_slice %arg2[%dma_start3A_70, %dma_start3A_71] : memref<10240x128xf32, #tpu.memory_space<hbm>> -> memref<10240x128xf32, #tpu.memory_space<hbm>>
        tpu.enqueue_indirect_dma source(%dma_start3A_72 : memref<10240x128xf32, #tpu.memory_space<hbm>>) target(%dma_start3A_67 : memref<64x128xf32, #tpu.memory_space<vmem>>) offsets(%dma_start3A_69 : memref<64xi32, #tpu.memory_space<vmem>>) semaphore(%arg14 : memref<!tpu.dma_semaphore, #tpu.memory_space<semaphore_mem>>)
        %scan3A_73 = arith.constant 0 : i32
        %scan3A_74 = arith.constant 0 : i32
        %scan3A_75 = arith.constant 20 : i32
        %scan3A_76 = arith.addi %scan3A_74, %scan3A_75 : i32
        %scan3A_77 = arith.constant 1 : i32
        scf.for %scan3A_79 = %scan3A_74 to %scan3A_76 step %scan3A_77  : i32 {
          %mul3A_80 = arith.constant 2 : i32
          %mul3A_81 = arith.muli %mul3A_80, %scan3A_79 : i32
          %dma_wait3A = arith.constant 0 : i32
          %dma_wait3A_82 = tpu.memref_slice %arg8[%dma_wait3A] : memref<5120xi32, #tpu.memory_space<vmem>> -> memref<128xi32, #tpu.memory_space<vmem>>
          %dma_wait3A_83 = arith.constant 0 : i32
          %dma_wait3A_84 = arith.constant 0 : i32
          %dma_wait3A_85 = tpu.memref_slice %arg2[%dma_wait3A_83, %dma_wait3A_84] : memref<10240x128xf32, #tpu.memory_space<hbm>> -> memref<10240x128xf32, #tpu.memory_space<hbm>>
          tpu.wait_indirect_dma semaphore(%arg13 : memref<!tpu.dma_semaphore, #tpu.memory_space<semaphore_mem>>) src(%dma_wait3A_85 : memref<10240x128xf32, #tpu.memory_space<hbm>>) dst(%arg10 : memref<128x128xf32, #tpu.memory_space<vmem>>)
          "tpu.region"() ({
            %run_scoped3A = tpu.sem_alloc : memref<!tpu.dma_semaphore, #tpu.memory_space<semaphore_mem>>
            %dma_start3A_106 = arith.constant 0 : i32
            %dma_start3A_107 = tpu.memref_slice %arg9[%mul3A_81, %dma_start3A_106] : memref<40x128xi32, #tpu.memory_space<vmem>> -> memref<1x128xi32, #tpu.memory_space<vmem>>
            %dma_start3A_108 = tpu.memref_squeeze %dma_start3A_107 : memref<1x128xi32, #tpu.memory_space<vmem>> -> memref<128xi32, #tpu.memory_space<vmem>>
            %dma_start3A_109 = arith.constant 0 : i32
            %dma_start3A_110 = arith.constant 0 : i32
            %dma_start3A_111 = tpu.memref_slice %arg12[%dma_start3A_109, %dma_start3A_110] : memref<10240x128xf32, #tpu.memory_space<vmem_shared>> -> memref<10240x128xf32, #tpu.memory_space<vmem_shared>>
            tpu.enqueue_indirect_dma source(%arg10 : memref<128x128xf32, #tpu.memory_space<vmem>>) target(%dma_start3A_111 : memref<10240x128xf32, #tpu.memory_space<vmem_shared>>) offsets(%dma_start3A_108 : memref<128xi32, #tpu.memory_space<vmem>>) semaphore(%run_scoped3A : memref<!tpu.dma_semaphore, #tpu.memory_space<semaphore_mem>>) {add = true}
            %dma_wait3A_112 = arith.constant 0 : i32
            %dma_wait3A_113 = tpu.memref_slice %arg9[%mul3A_81, %dma_wait3A_112] : memref<40x128xi32, #tpu.memory_space<vmem>> -> memref<1x128xi32, #tpu.memory_space<vmem>>
            %dma_wait3A_114 = tpu.memref_squeeze %dma_wait3A_113 : memref<1x128xi32, #tpu.memory_space<vmem>> -> memref<128xi32, #tpu.memory_space<vmem>>
            %dma_wait3A_115 = arith.constant 0 : i32
            %dma_wait3A_116 = arith.constant 0 : i32
            %dma_wait3A_117 = tpu.memref_slice %arg12[%dma_wait3A_115, %dma_wait3A_116] : memref<10240x128xf32, #tpu.memory_space<vmem_shared>> -> memref<10240x128xf32, #tpu.memory_space<vmem_shared>>
            tpu.wait_indirect_dma semaphore(%run_scoped3A : memref<!tpu.dma_semaphore, #tpu.memory_space<semaphore_mem>>) src(%arg10 : memref<128x128xf32, #tpu.memory_space<vmem>>) dst(%dma_wait3A_117 : memref<10240x128xf32, #tpu.memory_space<vmem_shared>>)
            tpu.yield
          }) : () -> ()
          %add3A_86 = arith.constant 2 : i32
          %add3A_87 = arith.addi %mul3A_81, %add3A_86 : i32
          %lt3A = arith.constant 40 : i32
          %lt3A_88 = arith.cmpi slt, %add3A_87, %lt3A : i32
          %convert_element_type3A_89 = arith.extui %lt3A_88 : i1 to i32
          %cond3A_90 = arith.constant 0 : i32
          %cond3A_91 = arith.cmpi ne, %convert_element_type3A_89, %cond3A_90 : i32
          scf.if %cond3A_91 {
            %add3A_106 = arith.constant 2 : i32
            %add3A_107 = arith.addi %mul3A_81, %add3A_106 : i32
            %mul3A_108 = arith.constant 128 : i32
            %mul3A_109 = arith.muli %add3A_107, %mul3A_108 : i32
            %dma_start3A_110 = arith.constant 0 : i32
            %dma_start3A_111 = arith.constant 0 : i32
            %dma_start3A_112 = tpu.memref_slice %arg10[%dma_start3A_110, %dma_start3A_111] : memref<128x128xf32, #tpu.memory_space<vmem>> -> memref<64x128xf32, #tpu.memory_space<vmem>>
            %dma_start3A_113 = tpu.memref_slice %arg8[%mul3A_109] : memref<5120xi32, #tpu.memory_space<vmem>> -> memref<64xi32, #tpu.memory_space<vmem>>
            %dma_start3A_114 = arith.constant 0 : i32
            %dma_start3A_115 = arith.constant 0 : i32
            %dma_start3A_116 = tpu.memref_slice %arg2[%dma_start3A_114, %dma_start3A_115] : memref<10240x128xf32, #tpu.memory_space<hbm>> -> memref<10240x128xf32, #tpu.memory_space<hbm>>
            tpu.enqueue_indirect_dma source(%dma_start3A_116 : memref<10240x128xf32, #tpu.memory_space<hbm>>) target(%dma_start3A_112 : memref<64x128xf32, #tpu.memory_space<vmem>>) offsets(%dma_start3A_113 : memref<64xi32, #tpu.memory_space<vmem>>) semaphore(%arg13 : memref<!tpu.dma_semaphore, #tpu.memory_space<semaphore_mem>>)
            %mul3A_117 = arith.constant 128 : i32
            %mul3A_118 = arith.muli %add3A_107, %mul3A_117 : i32
            %add3A_119 = arith.constant 64 : i32
            %add3A_120 = arith.addi %mul3A_118, %add3A_119 : i32
            %dma_start3A_121 = arith.constant 64 : i32
            %dma_start3A_122 = arith.constant 0 : i32
            %dma_start3A_123 = tpu.memref_slice %arg10[%dma_start3A_121, %dma_start3A_122] : memref<128x128xf32, #tpu.memory_space<vmem>> -> memref<64x128xf32, #tpu.memory_space<vmem>>
            %dma_start3A_124 = tpu.memref_slice %arg8[%add3A_120] : memref<5120xi32, #tpu.memory_space<vmem>> -> memref<64xi32, #tpu.memory_space<vmem>>
            %dma_start3A_125 = arith.constant 0 : i32
            %dma_start3A_126 = arith.constant 0 : i32
            %dma_start3A_127 = tpu.memref_slice %arg2[%dma_start3A_125, %dma_start3A_126] : memref<10240x128xf32, #tpu.memory_space<hbm>> -> memref<10240x128xf32, #tpu.memory_space<hbm>>
            tpu.enqueue_indirect_dma source(%dma_start3A_127 : memref<10240x128xf32, #tpu.memory_space<hbm>>) target(%dma_start3A_123 : memref<64x128xf32, #tpu.memory_space<vmem>>) offsets(%dma_start3A_124 : memref<64xi32, #tpu.memory_space<vmem>>) semaphore(%arg13 : memref<!tpu.dma_semaphore, #tpu.memory_space<semaphore_mem>>)
          } else {
          }
          %dma_wait3A_92 = arith.constant 0 : i32
          %dma_wait3A_93 = tpu.memref_slice %arg8[%dma_wait3A_92] : memref<5120xi32, #tpu.memory_space<vmem>> -> memref<128xi32, #tpu.memory_space<vmem>>
          %dma_wait3A_94 = arith.constant 0 : i32
          %dma_wait3A_95 = arith.constant 0 : i32
          %dma_wait3A_96 = tpu.memref_slice %arg2[%dma_wait3A_94, %dma_wait3A_95] : memref<10240x128xf32, #tpu.memory_space<hbm>> -> memref<10240x128xf32, #tpu.memory_space<hbm>>
          tpu.wait_indirect_dma semaphore(%arg14 : memref<!tpu.dma_semaphore, #tpu.memory_space<semaphore_mem>>) src(%dma_wait3A_96 : memref<10240x128xf32, #tpu.memory_space<hbm>>) dst(%arg11 : memref<128x128xf32, #tpu.memory_space<vmem>>)
          %add3A_97 = arith.constant 1 : i32
          %add3A_98 = arith.addi %mul3A_81, %add3A_97 : i32
          "tpu.region"() ({
            %run_scoped3A = tpu.sem_alloc : memref<!tpu.dma_semaphore, #tpu.memory_space<semaphore_mem>>
            %dma_start3A_106 = arith.constant 0 : i32
            %dma_start3A_107 = tpu.memref_slice %arg9[%add3A_98, %dma_start3A_106] : memref<40x128xi32, #tpu.memory_space<vmem>> -> memref<1x128xi32, #tpu.memory_space<vmem>>
            %dma_start3A_108 = tpu.memref_squeeze %dma_start3A_107 : memref<1x128xi32, #tpu.memory_space<vmem>> -> memref<128xi32, #tpu.memory_space<vmem>>
            %dma_start3A_109 = arith.constant 0 : i32
            %dma_start3A_110 = arith.constant 0 : i32
            %dma_start3A_111 = tpu.memref_slice %arg12[%dma_start3A_109, %dma_start3A_110] : memref<10240x128xf32, #tpu.memory_space<vmem_shared>> -> memref<10240x128xf32, #tpu.memory_space<vmem_shared>>
            tpu.enqueue_indirect_dma source(%arg11 : memref<128x128xf32, #tpu.memory_space<vmem>>) target(%dma_start3A_111 : memref<10240x128xf32, #tpu.memory_space<vmem_shared>>) offsets(%dma_start3A_108 : memref<128xi32, #tpu.memory_space<vmem>>) semaphore(%run_scoped3A : memref<!tpu.dma_semaphore, #tpu.memory_space<semaphore_mem>>) {add = true}
            %dma_wait3A_112 = arith.constant 0 : i32
            %dma_wait3A_113 = tpu.memref_slice %arg9[%add3A_98, %dma_wait3A_112] : memref<40x128xi32, #tpu.memory_space<vmem>> -> memref<1x128xi32, #tpu.memory_space<vmem>>
            %dma_wait3A_114 = tpu.memref_squeeze %dma_wait3A_113 : memref<1x128xi32, #tpu.memory_space<vmem>> -> memref<128xi32, #tpu.memory_space<vmem>>
            %dma_wait3A_115 = arith.constant 0 : i32
            %dma_wait3A_116 = arith.constant 0 : i32
            %dma_wait3A_117 = tpu.memref_slice %arg12[%dma_wait3A_115, %dma_wait3A_116] : memref<10240x128xf32, #tpu.memory_space<vmem_shared>> -> memref<10240x128xf32, #tpu.memory_space<vmem_shared>>
            tpu.wait_indirect_dma semaphore(%run_scoped3A : memref<!tpu.dma_semaphore, #tpu.memory_space<semaphore_mem>>) src(%arg11 : memref<128x128xf32, #tpu.memory_space<vmem>>) dst(%dma_wait3A_117 : memref<10240x128xf32, #tpu.memory_space<vmem_shared>>)
            tpu.yield
          }) : () -> ()
          %add3A_99 = arith.constant 3 : i32
          %add3A_100 = arith.addi %mul3A_81, %add3A_99 : i32
          %lt3A_101 = arith.constant 40 : i32
          %lt3A_102 = arith.cmpi slt, %add3A_100, %lt3A_101 : i32
          %convert_element_type3A_103 = arith.extui %lt3A_102 : i1 to i32
          %cond3A_104 = arith.constant 0 : i32
          %cond3A_105 = arith.cmpi ne, %convert_element_type3A_103, %cond3A_104 : i32
          scf.if %cond3A_105 {
            %add3A_106 = arith.constant 3 : i32
            %add3A_107 = arith.addi %mul3A_81, %add3A_106 : i32
            %mul3A_108 = arith.constant 128 : i32
            %mul3A_109 = arith.muli %add3A_107, %mul3A_108 : i32
            %dma_start3A_110 = arith.constant 0 : i32
            %dma_start3A_111 = arith.constant 0 : i32
            %dma_start3A_112 = tpu.memref_slice %arg11[%dma_start3A_110, %dma_start3A_111] : memref<128x128xf32, #tpu.memory_space<vmem>> -> memref<64x128xf32, #tpu.memory_space<vmem>>
            %dma_start3A_113 = tpu.memref_slice %arg8[%mul3A_109] : memref<5120xi32, #tpu.memory_space<vmem>> -> memref<64xi32, #tpu.memory_space<vmem>>
            %dma_start3A_114 = arith.constant 0 : i32
            %dma_start3A_115 = arith.constant 0 : i32
            %dma_start3A_116 = tpu.memref_slice %arg2[%dma_start3A_114, %dma_start3A_115] : memref<10240x128xf32, #tpu.memory_space<hbm>> -> memref<10240x128xf32, #tpu.memory_space<hbm>>
            tpu.enqueue_indirect_dma source(%dma_start3A_116 : memref<10240x128xf32, #tpu.memory_space<hbm>>) target(%dma_start3A_112 : memref<64x128xf32, #tpu.memory_space<vmem>>) offsets(%dma_start3A_113 : memref<64xi32, #tpu.memory_space<vmem>>) semaphore(%arg14 : memref<!tpu.dma_semaphore, #tpu.memory_space<semaphore_mem>>)
            %mul3A_117 = arith.constant 128 : i32
            %mul3A_118 = arith.muli %add3A_107, %mul3A_117 : i32
            %add3A_119 = arith.constant 64 : i32
            %add3A_120 = arith.addi %mul3A_118, %add3A_119 : i32
            %dma_start3A_121 = arith.constant 64 : i32
            %dma_start3A_122 = arith.constant 0 : i32
            %dma_start3A_123 = tpu.memref_slice %arg11[%dma_start3A_121, %dma_start3A_122] : memref<128x128xf32, #tpu.memory_space<vmem>> -> memref<64x128xf32, #tpu.memory_space<vmem>>
            %dma_start3A_124 = tpu.memref_slice %arg8[%add3A_120] : memref<5120xi32, #tpu.memory_space<vmem>> -> memref<64xi32, #tpu.memory_space<vmem>>
            %dma_start3A_125 = arith.constant 0 : i32
            %dma_start3A_126 = arith.constant 0 : i32
            %dma_start3A_127 = tpu.memref_slice %arg2[%dma_start3A_125, %dma_start3A_126] : memref<10240x128xf32, #tpu.memory_space<hbm>> -> memref<10240x128xf32, #tpu.memory_space<hbm>>
            tpu.enqueue_indirect_dma source(%dma_start3A_127 : memref<10240x128xf32, #tpu.memory_space<hbm>>) target(%dma_start3A_123 : memref<64x128xf32, #tpu.memory_space<vmem>>) offsets(%dma_start3A_124 : memref<64xi32, #tpu.memory_space<vmem>>) semaphore(%arg14 : memref<!tpu.dma_semaphore, #tpu.memory_space<semaphore_mem>>)
          } else {
          }
        }
        %scan3A_78 = arith.constant 20 : i32
      }
      %scan3A_34 = arith.constant 4 : i32
    } else {
    }
    %eq3A_20 = arith.constant 1 : i32
    %eq3A_21 = arith.cmpi eq, %arg0, %eq3A_20 : i32
    %convert_element_type3A_22 = arith.extui %eq3A_21 : i1 to i32
    %cond3A_23 = arith.constant 0 : i32
    %cond3A_24 = arith.cmpi ne, %convert_element_type3A_22, %cond3A_23 : i32
    scf.if %cond3A_24 {
      %scan3A = arith.constant 0 : i32
      %scan3A_30 = arith.constant 0 : i32
      %scan3A_31 = arith.constant 4 : i32
      %scan3A_32 = arith.addi %scan3A_30, %scan3A_31 : i32
      %scan3A_33 = arith.constant 1 : i32
      scf.for %scan3A_35 = %scan3A_30 to %scan3A_32 step %scan3A_33  : i32 {
        %mul3A_36 = arith.constant 40 : i32
        %mul3A_37 = arith.muli %scan3A_35, %mul3A_36 : i32
        %mul3A_38 = arith.constant 128 : i32
        %mul3A_39 = arith.muli %mul3A_37, %mul3A_38 : i32
        "tpu.region"() ({
          %run_scoped3A = tpu.sem_alloc : memref<!tpu.dma_semaphore, #tpu.memory_space<semaphore_mem>>
          %dma_start3A_79 = tpu.memref_slice %arg4[%arg0, %arg1, %mul3A_39] : memref<2x16x20480xi32, #tpu.memory_space<hbm>> -> memref<1x1x5120xi32, #tpu.memory_space<hbm>>
          %dma_start3A_80 = tpu.memref_squeeze %dma_start3A_79 : memref<1x1x5120xi32, #tpu.memory_space<hbm>> -> memref<5120xi32, #tpu.memory_space<hbm>>
          %dma_start3A_81 = tpu.memref_slice %arg4[%arg0, %arg1, %mul3A_39] : memref<2x16x20480xi32, #tpu.memory_space<hbm>> -> memref<1x1x5120xi32, #tpu.memory_space<hbm>>
          %dma_start3A_82 = tpu.memref_squeeze %dma_start3A_81 : memref<1x1x5120xi32, #tpu.memory_space<hbm>> -> memref<5120xi32, #tpu.memory_space<hbm>>
          tpu.enqueue_dma source(%dma_start3A_82 : memref<5120xi32, #tpu.memory_space<hbm>>) target(%arg8 : memref<5120xi32, #tpu.memory_space<vmem>>) target_semaphore(%run_scoped3A : memref<!tpu.dma_semaphore, #tpu.memory_space<semaphore_mem>>)
          %dma_wait3A = tpu.memref_slice %arg4[%arg0, %arg1, %mul3A_39] : memref<2x16x20480xi32, #tpu.memory_space<hbm>> -> memref<1x1x5120xi32, #tpu.memory_space<hbm>>
          %dma_wait3A_83 = tpu.memref_squeeze %dma_wait3A : memref<1x1x5120xi32, #tpu.memory_space<hbm>> -> memref<5120xi32, #tpu.memory_space<hbm>>
          %dma_wait3A_84 = tpu.memref_slice %arg4[%arg0, %arg1, %mul3A_39] : memref<2x16x20480xi32, #tpu.memory_space<hbm>> -> memref<1x1x5120xi32, #tpu.memory_space<hbm>>
          %dma_wait3A_85 = tpu.memref_squeeze %dma_wait3A_84 : memref<1x1x5120xi32, #tpu.memory_space<hbm>> -> memref<5120xi32, #tpu.memory_space<hbm>>
          tpu.wait_dma2 semaphore(%run_scoped3A : memref<!tpu.dma_semaphore, #tpu.memory_space<semaphore_mem>>) src(%dma_wait3A_85 : memref<5120xi32, #tpu.memory_space<hbm>>) dst(%arg8 : memref<5120xi32, #tpu.memory_space<vmem>>)
          tpu.yield
        }) : () -> ()
        %mul3A_40 = arith.constant 40 : i32
        %mul3A_41 = arith.muli %scan3A_35, %mul3A_40 : i32
        "tpu.region"() ({
          %run_scoped3A = tpu.sem_alloc : memref<!tpu.dma_semaphore, #tpu.memory_space<semaphore_mem>>
          %dma_start3A_79 = arith.constant 0 : i32
          %dma_start3A_80 = tpu.memref_slice %arg5[%arg0, %arg1, %mul3A_41, %dma_start3A_79] : memref<2x16x160x128xi32, #tpu.memory_space<hbm>> -> memref<1x1x40x128xi32, #tpu.memory_space<hbm>>
          %dma_start3A_81 = tpu.memref_squeeze %dma_start3A_80 : memref<1x1x40x128xi32, #tpu.memory_space<hbm>> -> memref<40x128xi32, #tpu.memory_space<hbm>>
          %dma_start3A_82 = arith.constant 0 : i32
          %dma_start3A_83 = tpu.memref_slice %arg5[%arg0, %arg1, %mul3A_41, %dma_start3A_82] : memref<2x16x160x128xi32, #tpu.memory_space<hbm>> -> memref<1x1x40x128xi32, #tpu.memory_space<hbm>>
          %dma_start3A_84 = tpu.memref_squeeze %dma_start3A_83 : memref<1x1x40x128xi32, #tpu.memory_space<hbm>> -> memref<40x128xi32, #tpu.memory_space<hbm>>
          tpu.enqueue_dma source(%dma_start3A_84 : memref<40x128xi32, #tpu.memory_space<hbm>>) target(%arg9 : memref<40x128xi32, #tpu.memory_space<vmem>>) target_semaphore(%run_scoped3A : memref<!tpu.dma_semaphore, #tpu.memory_space<semaphore_mem>>)
          %dma_wait3A = arith.constant 0 : i32
          %dma_wait3A_85 = tpu.memref_slice %arg5[%arg0, %arg1, %mul3A_41, %dma_wait3A] : memref<2x16x160x128xi32, #tpu.memory_space<hbm>> -> memref<1x1x40x128xi32, #tpu.memory_space<hbm>>
          %dma_wait3A_86 = tpu.memref_squeeze %dma_wait3A_85 : memref<1x1x40x128xi32, #tpu.memory_space<hbm>> -> memref<40x128xi32, #tpu.memory_space<hbm>>
          %dma_wait3A_87 = arith.constant 0 : i32
          %dma_wait3A_88 = tpu.memref_slice %arg5[%arg0, %arg1, %mul3A_41, %dma_wait3A_87] : memref<2x16x160x128xi32, #tpu.memory_space<hbm>> -> memref<1x1x40x128xi32, #tpu.memory_space<hbm>>
          %dma_wait3A_89 = tpu.memref_squeeze %dma_wait3A_88 : memref<1x1x40x128xi32, #tpu.memory_space<hbm>> -> memref<40x128xi32, #tpu.memory_space<hbm>>
          tpu.wait_dma2 semaphore(%run_scoped3A : memref<!tpu.dma_semaphore, #tpu.memory_space<semaphore_mem>>) src(%dma_wait3A_89 : memref<40x128xi32, #tpu.memory_space<hbm>>) dst(%arg9 : memref<40x128xi32, #tpu.memory_space<vmem>>)
          tpu.yield
        }) : () -> ()
        %dma_start3A = arith.constant 0 : i32
        %dma_start3A_42 = arith.constant 0 : i32
        %dma_start3A_43 = tpu.memref_slice %arg10[%dma_start3A, %dma_start3A_42] : memref<128x128xf32, #tpu.memory_space<vmem>> -> memref<64x128xf32, #tpu.memory_space<vmem>>
        %dma_start3A_44 = arith.constant 0 : i32
        %dma_start3A_45 = tpu.memref_slice %arg8[%dma_start3A_44] : memref<5120xi32, #tpu.memory_space<vmem>> -> memref<64xi32, #tpu.memory_space<vmem>>
        %dma_start3A_46 = arith.constant 0 : i32
        %dma_start3A_47 = arith.constant 0 : i32
        %dma_start3A_48 = tpu.memref_slice %arg3[%dma_start3A_46, %dma_start3A_47] : memref<10240x128xf32, #tpu.memory_space<hbm>> -> memref<10240x128xf32, #tpu.memory_space<hbm>>
        tpu.enqueue_indirect_dma source(%dma_start3A_48 : memref<10240x128xf32, #tpu.memory_space<hbm>>) target(%dma_start3A_43 : memref<64x128xf32, #tpu.memory_space<vmem>>) offsets(%dma_start3A_45 : memref<64xi32, #tpu.memory_space<vmem>>) semaphore(%arg13 : memref<!tpu.dma_semaphore, #tpu.memory_space<semaphore_mem>>)
        %dma_start3A_49 = arith.constant 64 : i32
        %dma_start3A_50 = arith.constant 0 : i32
        %dma_start3A_51 = tpu.memref_slice %arg10[%dma_start3A_49, %dma_start3A_50] : memref<128x128xf32, #tpu.memory_space<vmem>> -> memref<64x128xf32, #tpu.memory_space<vmem>>
        %dma_start3A_52 = arith.constant 64 : i32
        %dma_start3A_53 = tpu.memref_slice %arg8[%dma_start3A_52] : memref<5120xi32, #tpu.memory_space<vmem>> -> memref<64xi32, #tpu.memory_space<vmem>>
        %dma_start3A_54 = arith.constant 0 : i32
        %dma_start3A_55 = arith.constant 0 : i32
        %dma_start3A_56 = tpu.memref_slice %arg3[%dma_start3A_54, %dma_start3A_55] : memref<10240x128xf32, #tpu.memory_space<hbm>> -> memref<10240x128xf32, #tpu.memory_space<hbm>>
        tpu.enqueue_indirect_dma source(%dma_start3A_56 : memref<10240x128xf32, #tpu.memory_space<hbm>>) target(%dma_start3A_51 : memref<64x128xf32, #tpu.memory_space<vmem>>) offsets(%dma_start3A_53 : memref<64xi32, #tpu.memory_space<vmem>>) semaphore(%arg13 : memref<!tpu.dma_semaphore, #tpu.memory_space<semaphore_mem>>)
        %dma_start3A_57 = arith.constant 0 : i32
        %dma_start3A_58 = arith.constant 0 : i32
        %dma_start3A_59 = tpu.memref_slice %arg11[%dma_start3A_57, %dma_start3A_58] : memref<128x128xf32, #tpu.memory_space<vmem>> -> memref<64x128xf32, #tpu.memory_space<vmem>>
        %dma_start3A_60 = arith.constant 128 : i32
        %dma_start3A_61 = tpu.memref_slice %arg8[%dma_start3A_60] : memref<5120xi32, #tpu.memory_space<vmem>> -> memref<64xi32, #tpu.memory_space<vmem>>
        %dma_start3A_62 = arith.constant 0 : i32
        %dma_start3A_63 = arith.constant 0 : i32
        %dma_start3A_64 = tpu.memref_slice %arg3[%dma_start3A_62, %dma_start3A_63] : memref<10240x128xf32, #tpu.memory_space<hbm>> -> memref<10240x128xf32, #tpu.memory_space<hbm>>
        tpu.enqueue_indirect_dma source(%dma_start3A_64 : memref<10240x128xf32, #tpu.memory_space<hbm>>) target(%dma_start3A_59 : memref<64x128xf32, #tpu.memory_space<vmem>>) offsets(%dma_start3A_61 : memref<64xi32, #tpu.memory_space<vmem>>) semaphore(%arg14 : memref<!tpu.dma_semaphore, #tpu.memory_space<semaphore_mem>>)
        %dma_start3A_65 = arith.constant 64 : i32
        %dma_start3A_66 = arith.constant 0 : i32
        %dma_start3A_67 = tpu.memref_slice %arg11[%dma_start3A_65, %dma_start3A_66] : memref<128x128xf32, #tpu.memory_space<vmem>> -> memref<64x128xf32, #tpu.memory_space<vmem>>
        %dma_start3A_68 = arith.constant 192 : i32
        %dma_start3A_69 = tpu.memref_slice %arg8[%dma_start3A_68] : memref<5120xi32, #tpu.memory_space<vmem>> -> memref<64xi32, #tpu.memory_space<vmem>>
        %dma_start3A_70 = arith.constant 0 : i32
        %dma_start3A_71 = arith.constant 0 : i32
        %dma_start3A_72 = tpu.memref_slice %arg3[%dma_start3A_70, %dma_start3A_71] : memref<10240x128xf32, #tpu.memory_space<hbm>> -> memref<10240x128xf32, #tpu.memory_space<hbm>>
        tpu.enqueue_indirect_dma source(%dma_start3A_72 : memref<10240x128xf32, #tpu.memory_space<hbm>>) target(%dma_start3A_67 : memref<64x128xf32, #tpu.memory_space<vmem>>) offsets(%dma_start3A_69 : memref<64xi32, #tpu.memory_space<vmem>>) semaphore(%arg14 : memref<!tpu.dma_semaphore, #tpu.memory_space<semaphore_mem>>)
        %scan3A_73 = arith.constant 0 : i32
        %scan3A_74 = arith.constant 0 : i32
        %scan3A_75 = arith.constant 20 : i32
        %scan3A_76 = arith.addi %scan3A_74, %scan3A_75 : i32
        %scan3A_77 = arith.constant 1 : i32
        scf.for %scan3A_79 = %scan3A_74 to %scan3A_76 step %scan3A_77  : i32 {
          %mul3A_80 = arith.constant 2 : i32
          %mul3A_81 = arith.muli %mul3A_80, %scan3A_79 : i32
          %dma_wait3A = arith.constant 0 : i32
          %dma_wait3A_82 = tpu.memref_slice %arg8[%dma_wait3A] : memref<5120xi32, #tpu.memory_space<vmem>> -> memref<128xi32, #tpu.memory_space<vmem>>
          %dma_wait3A_83 = arith.constant 0 : i32
          %dma_wait3A_84 = arith.constant 0 : i32
          %dma_wait3A_85 = tpu.memref_slice %arg3[%dma_wait3A_83, %dma_wait3A_84] : memref<10240x128xf32, #tpu.memory_space<hbm>> -> memref<10240x128xf32, #tpu.memory_space<hbm>>
          tpu.wait_indirect_dma semaphore(%arg13 : memref<!tpu.dma_semaphore, #tpu.memory_space<semaphore_mem>>) src(%dma_wait3A_85 : memref<10240x128xf32, #tpu.memory_space<hbm>>) dst(%arg10 : memref<128x128xf32, #tpu.memory_space<vmem>>)
          "tpu.region"() ({
            %run_scoped3A = tpu.sem_alloc : memref<!tpu.dma_semaphore, #tpu.memory_space<semaphore_mem>>
            %dma_start3A_106 = arith.constant 0 : i32
            %dma_start3A_107 = tpu.memref_slice %arg9[%mul3A_81, %dma_start3A_106] : memref<40x128xi32, #tpu.memory_space<vmem>> -> memref<1x128xi32, #tpu.memory_space<vmem>>
            %dma_start3A_108 = tpu.memref_squeeze %dma_start3A_107 : memref<1x128xi32, #tpu.memory_space<vmem>> -> memref<128xi32, #tpu.memory_space<vmem>>
            %dma_start3A_109 = arith.constant 0 : i32
            %dma_start3A_110 = arith.constant 0 : i32
            %dma_start3A_111 = tpu.memref_slice %arg12[%dma_start3A_109, %dma_start3A_110] : memref<10240x128xf32, #tpu.memory_space<vmem_shared>> -> memref<10240x128xf32, #tpu.memory_space<vmem_shared>>
            tpu.enqueue_indirect_dma source(%arg10 : memref<128x128xf32, #tpu.memory_space<vmem>>) target(%dma_start3A_111 : memref<10240x128xf32, #tpu.memory_space<vmem_shared>>) offsets(%dma_start3A_108 : memref<128xi32, #tpu.memory_space<vmem>>) semaphore(%run_scoped3A : memref<!tpu.dma_semaphore, #tpu.memory_space<semaphore_mem>>) {add = true}
            %dma_wait3A_112 = arith.constant 0 : i32
            %dma_wait3A_113 = tpu.memref_slice %arg9[%mul3A_81, %dma_wait3A_112] : memref<40x128xi32, #tpu.memory_space<vmem>> -> memref<1x128xi32, #tpu.memory_space<vmem>>
            %dma_wait3A_114 = tpu.memref_squeeze %dma_wait3A_113 : memref<1x128xi32, #tpu.memory_space<vmem>> -> memref<128xi32, #tpu.memory_space<vmem>>
            %dma_wait3A_115 = arith.constant 0 : i32
            %dma_wait3A_116 = arith.constant 0 : i32
            %dma_wait3A_117 = tpu.memref_slice %arg12[%dma_wait3A_115, %dma_wait3A_116] : memref<10240x128xf32, #tpu.memory_space<vmem_shared>> -> memref<10240x128xf32, #tpu.memory_space<vmem_shared>>
            tpu.wait_indirect_dma semaphore(%run_scoped3A : memref<!tpu.dma_semaphore, #tpu.memory_space<semaphore_mem>>) src(%arg10 : memref<128x128xf32, #tpu.memory_space<vmem>>) dst(%dma_wait3A_117 : memref<10240x128xf32, #tpu.memory_space<vmem_shared>>)
            tpu.yield
          }) : () -> ()
          %add3A_86 = arith.constant 2 : i32
          %add3A_87 = arith.addi %mul3A_81, %add3A_86 : i32
          %lt3A = arith.constant 40 : i32
          %lt3A_88 = arith.cmpi slt, %add3A_87, %lt3A : i32
          %convert_element_type3A_89 = arith.extui %lt3A_88 : i1 to i32
          %cond3A_90 = arith.constant 0 : i32
          %cond3A_91 = arith.cmpi ne, %convert_element_type3A_89, %cond3A_90 : i32
          scf.if %cond3A_91 {
            %add3A_106 = arith.constant 2 : i32
            %add3A_107 = arith.addi %mul3A_81, %add3A_106 : i32
            %mul3A_108 = arith.constant 128 : i32
            %mul3A_109 = arith.muli %add3A_107, %mul3A_108 : i32
            %dma_start3A_110 = arith.constant 0 : i32
            %dma_start3A_111 = arith.constant 0 : i32
            %dma_start3A_112 = tpu.memref_slice %arg10[%dma_start3A_110, %dma_start3A_111] : memref<128x128xf32, #tpu.memory_space<vmem>> -> memref<64x128xf32, #tpu.memory_space<vmem>>
            %dma_start3A_113 = tpu.memref_slice %arg8[%mul3A_109] : memref<5120xi32, #tpu.memory_space<vmem>> -> memref<64xi32, #tpu.memory_space<vmem>>
            %dma_start3A_114 = arith.constant 0 : i32
            %dma_start3A_115 = arith.constant 0 : i32
            %dma_start3A_116 = tpu.memref_slice %arg3[%dma_start3A_114, %dma_start3A_115] : memref<10240x128xf32, #tpu.memory_space<hbm>> -> memref<10240x128xf32, #tpu.memory_space<hbm>>
            tpu.enqueue_indirect_dma source(%dma_start3A_116 : memref<10240x128xf32, #tpu.memory_space<hbm>>) target(%dma_start3A_112 : memref<64x128xf32, #tpu.memory_space<vmem>>) offsets(%dma_start3A_113 : memref<64xi32, #tpu.memory_space<vmem>>) semaphore(%arg13 : memref<!tpu.dma_semaphore, #tpu.memory_space<semaphore_mem>>)
            %mul3A_117 = arith.constant 128 : i32
            %mul3A_118 = arith.muli %add3A_107, %mul3A_117 : i32
            %add3A_119 = arith.constant 64 : i32
            %add3A_120 = arith.addi %mul3A_118, %add3A_119 : i32
            %dma_start3A_121 = arith.constant 64 : i32
            %dma_start3A_122 = arith.constant 0 : i32
            %dma_start3A_123 = tpu.memref_slice %arg10[%dma_start3A_121, %dma_start3A_122] : memref<128x128xf32, #tpu.memory_space<vmem>> -> memref<64x128xf32, #tpu.memory_space<vmem>>
            %dma_start3A_124 = tpu.memref_slice %arg8[%add3A_120] : memref<5120xi32, #tpu.memory_space<vmem>> -> memref<64xi32, #tpu.memory_space<vmem>>
            %dma_start3A_125 = arith.constant 0 : i32
            %dma_start3A_126 = arith.constant 0 : i32
            %dma_start3A_127 = tpu.memref_slice %arg3[%dma_start3A_125, %dma_start3A_126] : memref<10240x128xf32, #tpu.memory_space<hbm>> -> memref<10240x128xf32, #tpu.memory_space<hbm>>
            tpu.enqueue_indirect_dma source(%dma_start3A_127 : memref<10240x128xf32, #tpu.memory_space<hbm>>) target(%dma_start3A_123 : memref<64x128xf32, #tpu.memory_space<vmem>>) offsets(%dma_start3A_124 : memref<64xi32, #tpu.memory_space<vmem>>) semaphore(%arg13 : memref<!tpu.dma_semaphore, #tpu.memory_space<semaphore_mem>>)
          } else {
          }
          %dma_wait3A_92 = arith.constant 0 : i32
          %dma_wait3A_93 = tpu.memref_slice %arg8[%dma_wait3A_92] : memref<5120xi32, #tpu.memory_space<vmem>> -> memref<128xi32, #tpu.memory_space<vmem>>
          %dma_wait3A_94 = arith.constant 0 : i32
          %dma_wait3A_95 = arith.constant 0 : i32
          %dma_wait3A_96 = tpu.memref_slice %arg3[%dma_wait3A_94, %dma_wait3A_95] : memref<10240x128xf32, #tpu.memory_space<hbm>> -> memref<10240x128xf32, #tpu.memory_space<hbm>>
          tpu.wait_indirect_dma semaphore(%arg14 : memref<!tpu.dma_semaphore, #tpu.memory_space<semaphore_mem>>) src(%dma_wait3A_96 : memref<10240x128xf32, #tpu.memory_space<hbm>>) dst(%arg11 : memref<128x128xf32, #tpu.memory_space<vmem>>)
          %add3A_97 = arith.constant 1 : i32
          %add3A_98 = arith.addi %mul3A_81, %add3A_97 : i32
          "tpu.region"() ({
            %run_scoped3A = tpu.sem_alloc : memref<!tpu.dma_semaphore, #tpu.memory_space<semaphore_mem>>
            %dma_start3A_106 = arith.constant 0 : i32
            %dma_start3A_107 = tpu.memref_slice %arg9[%add3A_98, %dma_start3A_106] : memref<40x128xi32, #tpu.memory_space<vmem>> -> memref<1x128xi32, #tpu.memory_space<vmem>>
            %dma_start3A_108 = tpu.memref_squeeze %dma_start3A_107 : memref<1x128xi32, #tpu.memory_space<vmem>> -> memref<128xi32, #tpu.memory_space<vmem>>
            %dma_start3A_109 = arith.constant 0 : i32
            %dma_start3A_110 = arith.constant 0 : i32
            %dma_start3A_111 = tpu.memref_slice %arg12[%dma_start3A_109, %dma_start3A_110] : memref<10240x128xf32, #tpu.memory_space<vmem_shared>> -> memref<10240x128xf32, #tpu.memory_space<vmem_shared>>
            tpu.enqueue_indirect_dma source(%arg11 : memref<128x128xf32, #tpu.memory_space<vmem>>) target(%dma_start3A_111 : memref<10240x128xf32, #tpu.memory_space<vmem_shared>>) offsets(%dma_start3A_108 : memref<128xi32, #tpu.memory_space<vmem>>) semaphore(%run_scoped3A : memref<!tpu.dma_semaphore, #tpu.memory_space<semaphore_mem>>) {add = true}
            %dma_wait3A_112 = arith.constant 0 : i32
            %dma_wait3A_113 = tpu.memref_slice %arg9[%add3A_98, %dma_wait3A_112] : memref<40x128xi32, #tpu.memory_space<vmem>> -> memref<1x128xi32, #tpu.memory_space<vmem>>
            %dma_wait3A_114 = tpu.memref_squeeze %dma_wait3A_113 : memref<1x128xi32, #tpu.memory_space<vmem>> -> memref<128xi32, #tpu.memory_space<vmem>>
            %dma_wait3A_115 = arith.constant 0 : i32
            %dma_wait3A_116 = arith.constant 0 : i32
            %dma_wait3A_117 = tpu.memref_slice %arg12[%dma_wait3A_115, %dma_wait3A_116] : memref<10240x128xf32, #tpu.memory_space<vmem_shared>> -> memref<10240x128xf32, #tpu.memory_space<vmem_shared>>
            tpu.wait_indirect_dma semaphore(%run_scoped3A : memref<!tpu.dma_semaphore, #tpu.memory_space<semaphore_mem>>) src(%arg11 : memref<128x128xf32, #tpu.memory_space<vmem>>) dst(%dma_wait3A_117 : memref<10240x128xf32, #tpu.memory_space<vmem_shared>>)
            tpu.yield
          }) : () -> ()
          %add3A_99 = arith.constant 3 : i32
          %add3A_100 = arith.addi %mul3A_81, %add3A_99 : i32
          %lt3A_101 = arith.constant 40 : i32
          %lt3A_102 = arith.cmpi slt, %add3A_100, %lt3A_101 : i32
          %convert_element_type3A_103 = arith.extui %lt3A_102 : i1 to i32
          %cond3A_104 = arith.constant 0 : i32
          %cond3A_105 = arith.cmpi ne, %convert_element_type3A_103, %cond3A_104 : i32
          scf.if %cond3A_105 {
            %add3A_106 = arith.constant 3 : i32
            %add3A_107 = arith.addi %mul3A_81, %add3A_106 : i32
            %mul3A_108 = arith.constant 128 : i32
            %mul3A_109 = arith.muli %add3A_107, %mul3A_108 : i32
            %dma_start3A_110 = arith.constant 0 : i32
            %dma_start3A_111 = arith.constant 0 : i32
            %dma_start3A_112 = tpu.memref_slice %arg11[%dma_start3A_110, %dma_start3A_111] : memref<128x128xf32, #tpu.memory_space<vmem>> -> memref<64x128xf32, #tpu.memory_space<vmem>>
            %dma_start3A_113 = tpu.memref_slice %arg8[%mul3A_109] : memref<5120xi32, #tpu.memory_space<vmem>> -> memref<64xi32, #tpu.memory_space<vmem>>
            %dma_start3A_114 = arith.constant 0 : i32
            %dma_start3A_115 = arith.constant 0 : i32
            %dma_start3A_116 = tpu.memref_slice %arg3[%dma_start3A_114, %dma_start3A_115] : memref<10240x128xf32, #tpu.memory_space<hbm>> -> memref<10240x128xf32, #tpu.memory_space<hbm>>
            tpu.enqueue_indirect_dma source(%dma_start3A_116 : memref<10240x128xf32, #tpu.memory_space<hbm>>) target(%dma_start3A_112 : memref<64x128xf32, #tpu.memory_space<vmem>>) offsets(%dma_start3A_113 : memref<64xi32, #tpu.memory_space<vmem>>) semaphore(%arg14 : memref<!tpu.dma_semaphore, #tpu.memory_space<semaphore_mem>>)
            %mul3A_117 = arith.constant 128 : i32
            %mul3A_118 = arith.muli %add3A_107, %mul3A_117 : i32
            %add3A_119 = arith.constant 64 : i32
            %add3A_120 = arith.addi %mul3A_118, %add3A_119 : i32
            %dma_start3A_121 = arith.constant 64 : i32
            %dma_start3A_122 = arith.constant 0 : i32
            %dma_start3A_123 = tpu.memref_slice %arg11[%dma_start3A_121, %dma_start3A_122] : memref<128x128xf32, #tpu.memory_space<vmem>> -> memref<64x128xf32, #tpu.memory_space<vmem>>
            %dma_start3A_124 = tpu.memref_slice %arg8[%add3A_120] : memref<5120xi32, #tpu.memory_space<vmem>> -> memref<64xi32, #tpu.memory_space<vmem>>
            %dma_start3A_125 = arith.constant 0 : i32
            %dma_start3A_126 = arith.constant 0 : i32
            %dma_start3A_127 = tpu.memref_slice %arg3[%dma_start3A_125, %dma_start3A_126] : memref<10240x128xf32, #tpu.memory_space<hbm>> -> memref<10240x128xf32, #tpu.memory_space<hbm>>
            tpu.enqueue_indirect_dma source(%dma_start3A_127 : memref<10240x128xf32, #tpu.memory_space<hbm>>) target(%dma_start3A_123 : memref<64x128xf32, #tpu.memory_space<vmem>>) offsets(%dma_start3A_124 : memref<64xi32, #tpu.memory_space<vmem>>) semaphore(%arg14 : memref<!tpu.dma_semaphore, #tpu.memory_space<semaphore_mem>>)
          } else {
          }
        }
        %scan3A_78 = arith.constant 20 : i32
      }
      %scan3A_34 = arith.constant 4 : i32
    } else {
    }
    %barrier3A_25 = arith.constant 0 : index
    tpu.barrier barrier_id(%barrier3A_25)
    %mul3A_26 = arith.constant 640 : i32
    %mul3A_27 = arith.muli %arg1, %mul3A_26 : i32
    %mul3A_28 = arith.constant 640 : i32
    %mul3A_29 = arith.muli %arg1, %mul3A_28 : i32
    "tpu.region"() ({
      %run_scoped3A = tpu.sem_alloc : memref<!tpu.dma_semaphore, #tpu.memory_space<semaphore_mem>>
      %dma_start3A = arith.constant 0 : i32
      %dma_start3A_30 = tpu.memref_slice %arg7[%arg0, %mul3A_29, %dma_start3A] : memref<2x10240x128xf32, #tpu.memory_space<hbm>> -> memref<1x640x128xf32, #tpu.memory_space<hbm>>
      %dma_start3A_31 = tpu.memref_squeeze %dma_start3A_30 : memref<1x640x128xf32, #tpu.memory_space<hbm>> -> memref<640x128xf32, #tpu.memory_space<hbm>>
      %dma_start3A_32 = arith.constant 0 : i32
      %dma_start3A_33 = tpu.memref_slice %arg12[%mul3A_27, %dma_start3A_32] : memref<10240x128xf32, #tpu.memory_space<vmem_shared>> -> memref<640x128xf32, #tpu.memory_space<vmem_shared>>
      tpu.enqueue_dma source(%dma_start3A_33 : memref<640x128xf32, #tpu.memory_space<vmem_shared>>) target(%dma_start3A_31 : memref<640x128xf32, #tpu.memory_space<hbm>>) target_semaphore(%run_scoped3A : memref<!tpu.dma_semaphore, #tpu.memory_space<semaphore_mem>>)
      %dma_wait3A = arith.constant 0 : i32
      %dma_wait3A_34 = tpu.memref_slice %arg7[%arg0, %mul3A_29, %dma_wait3A] : memref<2x10240x128xf32, #tpu.memory_space<hbm>> -> memref<1x640x128xf32, #tpu.memory_space<hbm>>
      %dma_wait3A_35 = tpu.memref_squeeze %dma_wait3A_34 : memref<1x640x128xf32, #tpu.memory_space<hbm>> -> memref<640x128xf32, #tpu.memory_space<hbm>>
      %dma_wait3A_36 = arith.constant 0 : i32
      %dma_wait3A_37 = tpu.memref_slice %arg12[%mul3A_27, %dma_wait3A_36] : memref<10240x128xf32, #tpu.memory_space<vmem_shared>> -> memref<640x128xf32, #tpu.memory_space<vmem_shared>>
      tpu.wait_dma2 semaphore(%run_scoped3A : memref<!tpu.dma_semaphore, #tpu.memory_space<semaphore_mem>>) src(%dma_wait3A_37 : memref<640x128xf32, #tpu.memory_space<vmem_shared>>) dst(%dma_wait3A_35 : memref<640x128xf32, #tpu.memory_space<hbm>>)
      tpu.yield
    }) : () -> ()
    return
  }
}

#map = affine_map<(d0, d1) -> (0, 0)>
#map1 = affine_map<(d0, d1) -> (0)>
module attributes {stable_mosaic.version = 14 : i64} {
  func.func @_sc_degrees_body(%arg0: i32, %arg1: i32, %arg2: memref<2x327680xi32, #tpu.memory_space<hbm>>, %arg3: memref<327680xf32, #tpu.memory_space<hbm>>, %arg4: memref<10240xf32, #tpu.memory_space<hbm>>, %arg5: memref<2x10240xf32, #tpu.memory_space<hbm>>, %arg6: memref<20480xi32, #tpu.memory_space<vmem>>, %arg7: memref<20480xf32, #tpu.memory_space<vmem>>, %arg8: memref<10240xf32, #tpu.memory_space<vmem>>, %arg9: memref<10240xf32, #tpu.memory_space<vmem>>, %arg10: memref<640xf32, #tpu.memory_space<vmem>>, %arg11: memref<16x10240xf32, #tpu.memory_space<vmem_shared>>, %arg12: memref<!tpu.dma_semaphore, #tpu.memory_space<semaphore_mem>>) attributes {dimension_semantics = [#tpu.dimension_semantics<core_parallel>, #tpu.dimension_semantics<subcore_parallel>], iteration_bounds = array<i64: 2, 16>, scalar_prefetch = 0 : i64, scratch_operands = 7 : i64, tpu.core_type = #tpu.core_type<sc_vector_subcore>, window_params = [{transform_indices = #map}, {transform_indices = #map1}, {transform_indices = #map1}, {transform_indices = #map}]} {
    "tpu.region"() ({
      %run_scoped3A_63 = tpu.sem_alloc : memref<!tpu.dma_semaphore, #tpu.memory_space<semaphore_mem>>
      tpu.enqueue_dma source(%arg4 : memref<10240xf32, #tpu.memory_space<hbm>>) target(%arg8 : memref<10240xf32, #tpu.memory_space<vmem>>) target_semaphore(%run_scoped3A_63 : memref<!tpu.dma_semaphore, #tpu.memory_space<semaphore_mem>>)
      tpu.wait_dma2 semaphore(%run_scoped3A_63 : memref<!tpu.dma_semaphore, #tpu.memory_space<semaphore_mem>>) src(%arg4 : memref<10240xf32, #tpu.memory_space<hbm>>) dst(%arg8 : memref<10240xf32, #tpu.memory_space<vmem>>)
      tpu.yield
    }) : () -> ()
    %mul3A = arith.constant 20480 : i32
    %mul3A_0 = arith.muli %arg1, %mul3A : i32
    "tpu.region"() ({
      %run_scoped3A_63 = tpu.sem_alloc : memref<!tpu.dma_semaphore, #tpu.memory_space<semaphore_mem>>
      %dma_start3A = tpu.memref_slice %arg2[%arg0, %mul3A_0] : memref<2x327680xi32, #tpu.memory_space<hbm>> -> memref<1x20480xi32, #tpu.memory_space<hbm>>
      %dma_start3A_64 = tpu.memref_squeeze %dma_start3A : memref<1x20480xi32, #tpu.memory_space<hbm>> -> memref<20480xi32, #tpu.memory_space<hbm>>
      %dma_start3A_65 = tpu.memref_slice %arg2[%arg0, %mul3A_0] : memref<2x327680xi32, #tpu.memory_space<hbm>> -> memref<1x20480xi32, #tpu.memory_space<hbm>>
      %dma_start3A_66 = tpu.memref_squeeze %dma_start3A_65 : memref<1x20480xi32, #tpu.memory_space<hbm>> -> memref<20480xi32, #tpu.memory_space<hbm>>
      tpu.enqueue_dma source(%dma_start3A_66 : memref<20480xi32, #tpu.memory_space<hbm>>) target(%arg6 : memref<20480xi32, #tpu.memory_space<vmem>>) target_semaphore(%run_scoped3A_63 : memref<!tpu.dma_semaphore, #tpu.memory_space<semaphore_mem>>)
      %dma_wait3A = tpu.memref_slice %arg2[%arg0, %mul3A_0] : memref<2x327680xi32, #tpu.memory_space<hbm>> -> memref<1x20480xi32, #tpu.memory_space<hbm>>
      %dma_wait3A_67 = tpu.memref_squeeze %dma_wait3A : memref<1x20480xi32, #tpu.memory_space<hbm>> -> memref<20480xi32, #tpu.memory_space<hbm>>
      %dma_wait3A_68 = tpu.memref_slice %arg2[%arg0, %mul3A_0] : memref<2x327680xi32, #tpu.memory_space<hbm>> -> memref<1x20480xi32, #tpu.memory_space<hbm>>
      %dma_wait3A_69 = tpu.memref_squeeze %dma_wait3A_68 : memref<1x20480xi32, #tpu.memory_space<hbm>> -> memref<20480xi32, #tpu.memory_space<hbm>>
      tpu.wait_dma2 semaphore(%run_scoped3A_63 : memref<!tpu.dma_semaphore, #tpu.memory_space<semaphore_mem>>) src(%dma_wait3A_69 : memref<20480xi32, #tpu.memory_space<hbm>>) dst(%arg6 : memref<20480xi32, #tpu.memory_space<vmem>>)
      tpu.yield
    }) : () -> ()
    %mul3A_1 = arith.constant 20480 : i32
    %mul3A_2 = arith.muli %arg1, %mul3A_1 : i32
    "tpu.region"() ({
      %run_scoped3A_63 = tpu.sem_alloc : memref<!tpu.dma_semaphore, #tpu.memory_space<semaphore_mem>>
      %dma_start3A = tpu.memref_slice %arg3[%mul3A_2] : memref<327680xf32, #tpu.memory_space<hbm>> -> memref<20480xf32, #tpu.memory_space<hbm>>
      %dma_start3A_64 = tpu.memref_slice %arg3[%mul3A_2] : memref<327680xf32, #tpu.memory_space<hbm>> -> memref<20480xf32, #tpu.memory_space<hbm>>
      tpu.enqueue_dma source(%dma_start3A_64 : memref<20480xf32, #tpu.memory_space<hbm>>) target(%arg7 : memref<20480xf32, #tpu.memory_space<vmem>>) target_semaphore(%run_scoped3A_63 : memref<!tpu.dma_semaphore, #tpu.memory_space<semaphore_mem>>)
      %dma_wait3A = tpu.memref_slice %arg3[%mul3A_2] : memref<327680xf32, #tpu.memory_space<hbm>> -> memref<20480xf32, #tpu.memory_space<hbm>>
      %dma_wait3A_65 = tpu.memref_slice %arg3[%mul3A_2] : memref<327680xf32, #tpu.memory_space<hbm>> -> memref<20480xf32, #tpu.memory_space<hbm>>
      tpu.wait_dma2 semaphore(%run_scoped3A_63 : memref<!tpu.dma_semaphore, #tpu.memory_space<semaphore_mem>>) src(%dma_wait3A_65 : memref<20480xf32, #tpu.memory_space<hbm>>) dst(%arg7 : memref<20480xf32, #tpu.memory_space<vmem>>)
      tpu.yield
    }) : () -> ()
    %scan3A = arith.constant 0 : i32
    %scan3A_3 = arith.constant 0 : i32
    %scan3A_4 = arith.constant 160 : i32
    %scan3A_5 = arith.addi %scan3A_3, %scan3A_4 : i32
    %scan3A_6 = arith.constant 1 : i32
    scf.for %scan3A_63 = %scan3A_3 to %scan3A_5 step %scan3A_6  : i32 {
      %mul3A_64 = arith.constant 128 : i32
      %mul3A_65 = arith.muli %scan3A_63, %mul3A_64 : i32
      %add3A = arith.constant 0 : i32
      %add3A_66 = arith.addi %mul3A_65, %add3A : i32
      %get3A = arith.index_cast %add3A_66 : i32 to index
      %get3A_67 = tpu.vector_load %arg6[%get3A] {strides = array<i32>} : memref<20480xi32, #tpu.memory_space<vmem>>, vector<16xi32>,
      %add3A_68 = arith.constant 0 : i32
      %add3A_69 = arith.addi %mul3A_65, %add3A_68 : i32
      %get3A_70 = arith.index_cast %add3A_69 : i32 to index
      %get3A_71 = tpu.vector_load %arg7[%get3A_70] {strides = array<i32>} : memref<20480xf32, #tpu.memory_space<vmem>>, vector<16xf32>,
      tpu.vector_store_idx %arg8[%get3A_67], %get3A_71 {add = true} : memref<10240xf32, #tpu.memory_space<vmem>>[vector<16xi32>], vector<16xf32>,
      %add3A_72 = arith.constant 16 : i32
      %add3A_73 = arith.addi %mul3A_65, %add3A_72 : i32
      %get3A_74 = arith.index_cast %add3A_73 : i32 to index
      %get3A_75 = tpu.vector_load %arg6[%get3A_74] {strides = array<i32>} : memref<20480xi32, #tpu.memory_space<vmem>>, vector<16xi32>,
      %add3A_76 = arith.constant 16 : i32
      %add3A_77 = arith.addi %mul3A_65, %add3A_76 : i32
      %get3A_78 = arith.index_cast %add3A_77 : i32 to index
      %get3A_79 = tpu.vector_load %arg7[%get3A_78] {strides = array<i32>} : memref<20480xf32, #tpu.memory_space<vmem>>, vector<16xf32>,
      tpu.vector_store_idx %arg8[%get3A_75], %get3A_79 {add = true} : memref<10240xf32, #tpu.memory_space<vmem>>[vector<16xi32>], vector<16xf32>,
      %add3A_80 = arith.constant 32 : i32
      %add3A_81 = arith.addi %mul3A_65, %add3A_80 : i32
      %get3A_82 = arith.index_cast %add3A_81 : i32 to index
      %get3A_83 = tpu.vector_load %arg6[%get3A_82] {strides = array<i32>} : memref<20480xi32, #tpu.memory_space<vmem>>, vector<16xi32>,
      %add3A_84 = arith.constant 32 : i32
      %add3A_85 = arith.addi %mul3A_65, %add3A_84 : i32
      %get3A_86 = arith.index_cast %add3A_85 : i32 to index
      %get3A_87 = tpu.vector_load %arg7[%get3A_86] {strides = array<i32>} : memref<20480xf32, #tpu.memory_space<vmem>>, vector<16xf32>,
      tpu.vector_store_idx %arg8[%get3A_83], %get3A_87 {add = true} : memref<10240xf32, #tpu.memory_space<vmem>>[vector<16xi32>], vector<16xf32>,
      %add3A_88 = arith.constant 48 : i32
      %add3A_89 = arith.addi %mul3A_65, %add3A_88 : i32
      %get3A_90 = arith.index_cast %add3A_89 : i32 to index
      %get3A_91 = tpu.vector_load %arg6[%get3A_90] {strides = array<i32>} : memref<20480xi32, #tpu.memory_space<vmem>>, vector<16xi32>,
      %add3A_92 = arith.constant 48 : i32
      %add3A_93 = arith.addi %mul3A_65, %add3A_92 : i32
      %get3A_94 = arith.index_cast %add3A_93 : i32 to index
      %get3A_95 = tpu.vector_load %arg7[%get3A_94] {strides = array<i32>} : memref<20480xf32, #tpu.memory_space<vmem>>, vector<16xf32>,
      tpu.vector_store_idx %arg8[%get3A_91], %get3A_95 {add = true} : memref<10240xf32, #tpu.memory_space<vmem>>[vector<16xi32>], vector<16xf32>,
      %add3A_96 = arith.constant 64 : i32
      %add3A_97 = arith.addi %mul3A_65, %add3A_96 : i32
      %get3A_98 = arith.index_cast %add3A_97 : i32 to index
      %get3A_99 = tpu.vector_load %arg6[%get3A_98] {strides = array<i32>} : memref<20480xi32, #tpu.memory_space<vmem>>, vector<16xi32>,
      %add3A_100 = arith.constant 64 : i32
      %add3A_101 = arith.addi %mul3A_65, %add3A_100 : i32
      %get3A_102 = arith.index_cast %add3A_101 : i32 to index
      %get3A_103 = tpu.vector_load %arg7[%get3A_102] {strides = array<i32>} : memref<20480xf32, #tpu.memory_space<vmem>>, vector<16xf32>,
      tpu.vector_store_idx %arg8[%get3A_99], %get3A_103 {add = true} : memref<10240xf32, #tpu.memory_space<vmem>>[vector<16xi32>], vector<16xf32>,
      %add3A_104 = arith.constant 80 : i32
      %add3A_105 = arith.addi %mul3A_65, %add3A_104 : i32
      %get3A_106 = arith.index_cast %add3A_105 : i32 to index
      %get3A_107 = tpu.vector_load %arg6[%get3A_106] {strides = array<i32>} : memref<20480xi32, #tpu.memory_space<vmem>>, vector<16xi32>,
      %add3A_108 = arith.constant 80 : i32
      %add3A_109 = arith.addi %mul3A_65, %add3A_108 : i32
      %get3A_110 = arith.index_cast %add3A_109 : i32 to index
      %get3A_111 = tpu.vector_load %arg7[%get3A_110] {strides = array<i32>} : memref<20480xf32, #tpu.memory_space<vmem>>, vector<16xf32>,
      tpu.vector_store_idx %arg8[%get3A_107], %get3A_111 {add = true} : memref<10240xf32, #tpu.memory_space<vmem>>[vector<16xi32>], vector<16xf32>,
      %add3A_112 = arith.constant 96 : i32
      %add3A_113 = arith.addi %mul3A_65, %add3A_112 : i32
      %get3A_114 = arith.index_cast %add3A_113 : i32 to index
      %get3A_115 = tpu.vector_load %arg6[%get3A_114] {strides = array<i32>} : memref<20480xi32, #tpu.memory_space<vmem>>, vector<16xi32>,
      %add3A_116 = arith.constant 96 : i32
      %add3A_117 = arith.addi %mul3A_65, %add3A_116 : i32
      %get3A_118 = arith.index_cast %add3A_117 : i32 to index
      %get3A_119 = tpu.vector_load %arg7[%get3A_118] {strides = array<i32>} : memref<20480xf32, #tpu.memory_space<vmem>>, vector<16xf32>,
      tpu.vector_store_idx %arg8[%get3A_115], %get3A_119 {add = true} : memref<10240xf32, #tpu.memory_space<vmem>>[vector<16xi32>], vector<16xf32>,
      %add3A_120 = arith.constant 112 : i32
      %add3A_121 = arith.addi %mul3A_65, %add3A_120 : i32
      %get3A_122 = arith.index_cast %add3A_121 : i32 to index
      %get3A_123 = tpu.vector_load %arg6[%get3A_122] {strides = array<i32>} : memref<20480xi32, #tpu.memory_space<vmem>>, vector<16xi32>,
      %add3A_124 = arith.constant 112 : i32
      %add3A_125 = arith.addi %mul3A_65, %add3A_124 : i32
      %get3A_126 = arith.index_cast %add3A_125 : i32 to index
      %get3A_127 = tpu.vector_load %arg7[%get3A_126] {strides = array<i32>} : memref<20480xf32, #tpu.memory_space<vmem>>, vector<16xf32>,
      tpu.vector_store_idx %arg8[%get3A_123], %get3A_127 {add = true} : memref<10240xf32, #tpu.memory_space<vmem>>[vector<16xi32>], vector<16xf32>,
    }
    %scan3A_7 = arith.constant 160 : i32
    "tpu.region"() ({
      %run_scoped3A_63 = tpu.sem_alloc : memref<!tpu.dma_semaphore, #tpu.memory_space<semaphore_mem>>
      %dma_start3A = arith.constant 0 : i32
      %dma_start3A_64 = tpu.memref_slice %arg11[%arg1, %dma_start3A] : memref<16x10240xf32, #tpu.memory_space<vmem_shared>> -> memref<1x10240xf32, #tpu.memory_space<vmem_shared>>
      %dma_start3A_65 = tpu.memref_squeeze %dma_start3A_64 : memref<1x10240xf32, #tpu.memory_space<vmem_shared>> -> memref<10240xf32, #tpu.memory_space<vmem_shared>>
      %dma_start3A_66 = arith.constant 0 : i32
      %dma_start3A_67 = tpu.memref_slice %arg11[%arg1, %dma_start3A_66] : memref<16x10240xf32, #tpu.memory_space<vmem_shared>> -> memref<1x10240xf32, #tpu.memory_space<vmem_shared>>
      %dma_start3A_68 = tpu.memref_squeeze %dma_start3A_67 : memref<1x10240xf32, #tpu.memory_space<vmem_shared>> -> memref<10240xf32, #tpu.memory_space<vmem_shared>>
      tpu.enqueue_dma source(%arg8 : memref<10240xf32, #tpu.memory_space<vmem>>) target(%dma_start3A_68 : memref<10240xf32, #tpu.memory_space<vmem_shared>>) target_semaphore(%run_scoped3A_63 : memref<!tpu.dma_semaphore, #tpu.memory_space<semaphore_mem>>)
      %dma_wait3A = arith.constant 0 : i32
      %dma_wait3A_69 = tpu.memref_slice %arg11[%arg1, %dma_wait3A] : memref<16x10240xf32, #tpu.memory_space<vmem_shared>> -> memref<1x10240xf32, #tpu.memory_space<vmem_shared>>
      %dma_wait3A_70 = tpu.memref_squeeze %dma_wait3A_69 : memref<1x10240xf32, #tpu.memory_space<vmem_shared>> -> memref<10240xf32, #tpu.memory_space<vmem_shared>>
      %dma_wait3A_71 = arith.constant 0 : i32
      %dma_wait3A_72 = tpu.memref_slice %arg11[%arg1, %dma_wait3A_71] : memref<16x10240xf32, #tpu.memory_space<vmem_shared>> -> memref<1x10240xf32, #tpu.memory_space<vmem_shared>>
      %dma_wait3A_73 = tpu.memref_squeeze %dma_wait3A_72 : memref<1x10240xf32, #tpu.memory_space<vmem_shared>> -> memref<10240xf32, #tpu.memory_space<vmem_shared>>
      tpu.wait_dma2 semaphore(%run_scoped3A_63 : memref<!tpu.dma_semaphore, #tpu.memory_space<semaphore_mem>>) src(%arg8 : memref<10240xf32, #tpu.memory_space<vmem>>) dst(%dma_wait3A_73 : memref<10240xf32, #tpu.memory_space<vmem_shared>>)
      tpu.yield
    }) : () -> ()
    %barrier3A = arith.constant 0 : index
    tpu.barrier barrier_id(%barrier3A)
    %mul3A_8 = arith.constant 640 : i32
    %mul3A_9 = arith.muli %arg1, %mul3A_8 : i32
    %run_scoped3A = arith.constant 0 : i32
    "tpu.region"() ({
      %run_scoped3A_63 = tpu.sem_alloc : memref<!tpu.dma_semaphore, #tpu.memory_space<semaphore_mem>>
      %dma_start3A = arith.constant 0 : i32
      %dma_start3A_64 = tpu.memref_slice %arg9[%dma_start3A] : memref<10240xf32, #tpu.memory_space<vmem>> -> memref<640xf32, #tpu.memory_space<vmem>>
      %dma_start3A_65 = tpu.memref_slice %arg11[%run_scoped3A, %mul3A_9] : memref<16x10240xf32, #tpu.memory_space<vmem_shared>> -> memref<1x640xf32, #tpu.memory_space<vmem_shared>>
      %dma_start3A_66 = tpu.memref_squeeze %dma_start3A_65 : memref<1x640xf32, #tpu.memory_space<vmem_shared>> -> memref<640xf32, #tpu.memory_space<vmem_shared>>
      %dma_start3A_67 = arith.constant 0 : i32
      %dma_start3A_68 = tpu.memref_slice %arg9[%dma_start3A_67] : memref<10240xf32, #tpu.memory_space<vmem>> -> memref<640xf32, #tpu.memory_space<vmem>>
      %dma_start3A_69 = tpu.memref_slice %arg11[%run_scoped3A, %mul3A_9] : memref<16x10240xf32, #tpu.memory_space<vmem_shared>> -> memref<1x640xf32, #tpu.memory_space<vmem_shared>>
      %dma_start3A_70 = tpu.memref_squeeze %dma_start3A_69 : memref<1x640xf32, #tpu.memory_space<vmem_shared>> -> memref<640xf32, #tpu.memory_space<vmem_shared>>
      tpu.enqueue_dma source(%dma_start3A_70 : memref<640xf32, #tpu.memory_space<vmem_shared>>) target(%dma_start3A_68 : memref<640xf32, #tpu.memory_space<vmem>>) target_semaphore(%run_scoped3A_63 : memref<!tpu.dma_semaphore, #tpu.memory_space<semaphore_mem>>)
      %dma_wait3A = arith.constant 0 : i32
      %dma_wait3A_71 = tpu.memref_slice %arg9[%dma_wait3A] : memref<10240xf32, #tpu.memory_space<vmem>> -> memref<640xf32, #tpu.memory_space<vmem>>
      %dma_wait3A_72 = tpu.memref_slice %arg11[%run_scoped3A, %mul3A_9] : memref<16x10240xf32, #tpu.memory_space<vmem_shared>> -> memref<1x640xf32, #tpu.memory_space<vmem_shared>>
      %dma_wait3A_73 = tpu.memref_squeeze %dma_wait3A_72 : memref<1x640xf32, #tpu.memory_space<vmem_shared>> -> memref<640xf32, #tpu.memory_space<vmem_shared>>
      %dma_wait3A_74 = arith.constant 0 : i32
      %dma_wait3A_75 = tpu.memref_slice %arg9[%dma_wait3A_74] : memref<10240xf32, #tpu.memory_space<vmem>> -> memref<640xf32, #tpu.memory_space<vmem>>
      %dma_wait3A_76 = tpu.memref_slice %arg11[%run_scoped3A, %mul3A_9] : memref<16x10240xf32, #tpu.memory_space<vmem_shared>> -> memref<1x640xf32, #tpu.memory_space<vmem_shared>>
      %dma_wait3A_77 = tpu.memref_squeeze %dma_wait3A_76 : memref<1x640xf32, #tpu.memory_space<vmem_shared>> -> memref<640xf32, #tpu.memory_space<vmem_shared>>
      tpu.wait_dma2 semaphore(%run_scoped3A_63 : memref<!tpu.dma_semaphore, #tpu.memory_space<semaphore_mem>>) src(%dma_wait3A_77 : memref<640xf32, #tpu.memory_space<vmem_shared>>) dst(%dma_wait3A_75 : memref<640xf32, #tpu.memory_space<vmem>>)
      tpu.yield
    }) : () -> ()
    %mul3A_10 = arith.constant 640 : i32
    %mul3A_11 = arith.muli %arg1, %mul3A_10 : i32
    %run_scoped3A_12 = arith.constant 1 : i32
    "tpu.region"() ({
      %run_scoped3A_63 = tpu.sem_alloc : memref<!tpu.dma_semaphore, #tpu.memory_space<semaphore_mem>>
      %dma_start3A = arith.constant 640 : i32
      %dma_start3A_64 = tpu.memref_slice %arg9[%dma_start3A] : memref<10240xf32, #tpu.memory_space<vmem>> -> memref<640xf32, #tpu.memory_space<vmem>>
      %dma_start3A_65 = tpu.memref_slice %arg11[%run_scoped3A_12, %mul3A_11] : memref<16x10240xf32, #tpu.memory_space<vmem_shared>> -> memref<1x640xf32, #tpu.memory_space<vmem_shared>>
      %dma_start3A_66 = tpu.memref_squeeze %dma_start3A_65 : memref<1x640xf32, #tpu.memory_space<vmem_shared>> -> memref<640xf32, #tpu.memory_space<vmem_shared>>
      %dma_start3A_67 = arith.constant 640 : i32
      %dma_start3A_68 = tpu.memref_slice %arg9[%dma_start3A_67] : memref<10240xf32, #tpu.memory_space<vmem>> -> memref<640xf32, #tpu.memory_space<vmem>>
      %dma_start3A_69 = tpu.memref_slice %arg11[%run_scoped3A_12, %mul3A_11] : memref<16x10240xf32, #tpu.memory_space<vmem_shared>> -> memref<1x640xf32, #tpu.memory_space<vmem_shared>>
      %dma_start3A_70 = tpu.memref_squeeze %dma_start3A_69 : memref<1x640xf32, #tpu.memory_space<vmem_shared>> -> memref<640xf32, #tpu.memory_space<vmem_shared>>
      tpu.enqueue_dma source(%dma_start3A_70 : memref<640xf32, #tpu.memory_space<vmem_shared>>) target(%dma_start3A_68 : memref<640xf32, #tpu.memory_space<vmem>>) target_semaphore(%run_scoped3A_63 : memref<!tpu.dma_semaphore, #tpu.memory_space<semaphore_mem>>)
      %dma_wait3A = arith.constant 640 : i32
      %dma_wait3A_71 = tpu.memref_slice %arg9[%dma_wait3A] : memref<10240xf32, #tpu.memory_space<vmem>> -> memref<640xf32, #tpu.memory_space<vmem>>
      %dma_wait3A_72 = tpu.memref_slice %arg11[%run_scoped3A_12, %mul3A_11] : memref<16x10240xf32, #tpu.memory_space<vmem_shared>> -> memref<1x640xf32, #tpu.memory_space<vmem_shared>>
      %dma_wait3A_73 = tpu.memref_squeeze %dma_wait3A_72 : memref<1x640xf32, #tpu.memory_space<vmem_shared>> -> memref<640xf32, #tpu.memory_space<vmem_shared>>
      %dma_wait3A_74 = arith.constant 640 : i32
      %dma_wait3A_75 = tpu.memref_slice %arg9[%dma_wait3A_74] : memref<10240xf32, #tpu.memory_space<vmem>> -> memref<640xf32, #tpu.memory_space<vmem>>
      %dma_wait3A_76 = tpu.memref_slice %arg11[%run_scoped3A_12, %mul3A_11] : memref<16x10240xf32, #tpu.memory_space<vmem_shared>> -> memref<1x640xf32, #tpu.memory_space<vmem_shared>>
      %dma_wait3A_77 = tpu.memref_squeeze %dma_wait3A_76 : memref<1x640xf32, #tpu.memory_space<vmem_shared>> -> memref<640xf32, #tpu.memory_space<vmem_shared>>
      tpu.wait_dma2 semaphore(%run_scoped3A_63 : memref<!tpu.dma_semaphore, #tpu.memory_space<semaphore_mem>>) src(%dma_wait3A_77 : memref<640xf32, #tpu.memory_space<vmem_shared>>) dst(%dma_wait3A_75 : memref<640xf32, #tpu.memory_space<vmem>>)
      tpu.yield
    }) : () -> ()
    %mul3A_13 = arith.constant 640 : i32
    %mul3A_14 = arith.muli %arg1, %mul3A_13 : i32
    %run_scoped3A_15 = arith.constant 2 : i32
    "tpu.region"() ({
      %run_scoped3A_63 = tpu.sem_alloc : memref<!tpu.dma_semaphore, #tpu.memory_space<semaphore_mem>>
      %dma_start3A = arith.constant 1280 : i32
      %dma_start3A_64 = tpu.memref_slice %arg9[%dma_start3A] : memref<10240xf32, #tpu.memory_space<vmem>> -> memref<640xf32, #tpu.memory_space<vmem>>
      %dma_start3A_65 = tpu.memref_slice %arg11[%run_scoped3A_15, %mul3A_14] : memref<16x10240xf32, #tpu.memory_space<vmem_shared>> -> memref<1x640xf32, #tpu.memory_space<vmem_shared>>
      %dma_start3A_66 = tpu.memref_squeeze %dma_start3A_65 : memref<1x640xf32, #tpu.memory_space<vmem_shared>> -> memref<640xf32, #tpu.memory_space<vmem_shared>>
      %dma_start3A_67 = arith.constant 1280 : i32
      %dma_start3A_68 = tpu.memref_slice %arg9[%dma_start3A_67] : memref<10240xf32, #tpu.memory_space<vmem>> -> memref<640xf32, #tpu.memory_space<vmem>>
      %dma_start3A_69 = tpu.memref_slice %arg11[%run_scoped3A_15, %mul3A_14] : memref<16x10240xf32, #tpu.memory_space<vmem_shared>> -> memref<1x640xf32, #tpu.memory_space<vmem_shared>>
      %dma_start3A_70 = tpu.memref_squeeze %dma_start3A_69 : memref<1x640xf32, #tpu.memory_space<vmem_shared>> -> memref<640xf32, #tpu.memory_space<vmem_shared>>
      tpu.enqueue_dma source(%dma_start3A_70 : memref<640xf32, #tpu.memory_space<vmem_shared>>) target(%dma_start3A_68 : memref<640xf32, #tpu.memory_space<vmem>>) target_semaphore(%run_scoped3A_63 : memref<!tpu.dma_semaphore, #tpu.memory_space<semaphore_mem>>)
      %dma_wait3A = arith.constant 1280 : i32
      %dma_wait3A_71 = tpu.memref_slice %arg9[%dma_wait3A] : memref<10240xf32, #tpu.memory_space<vmem>> -> memref<640xf32, #tpu.memory_space<vmem>>
      %dma_wait3A_72 = tpu.memref_slice %arg11[%run_scoped3A_15, %mul3A_14] : memref<16x10240xf32, #tpu.memory_space<vmem_shared>> -> memref<1x640xf32, #tpu.memory_space<vmem_shared>>
      %dma_wait3A_73 = tpu.memref_squeeze %dma_wait3A_72 : memref<1x640xf32, #tpu.memory_space<vmem_shared>> -> memref<640xf32, #tpu.memory_space<vmem_shared>>
      %dma_wait3A_74 = arith.constant 1280 : i32
      %dma_wait3A_75 = tpu.memref_slice %arg9[%dma_wait3A_74] : memref<10240xf32, #tpu.memory_space<vmem>> -> memref<640xf32, #tpu.memory_space<vmem>>
      %dma_wait3A_76 = tpu.memref_slice %arg11[%run_scoped3A_15, %mul3A_14] : memref<16x10240xf32, #tpu.memory_space<vmem_shared>> -> memref<1x640xf32, #tpu.memory_space<vmem_shared>>
      %dma_wait3A_77 = tpu.memref_squeeze %dma_wait3A_76 : memref<1x640xf32, #tpu.memory_space<vmem_shared>> -> memref<640xf32, #tpu.memory_space<vmem_shared>>
      tpu.wait_dma2 semaphore(%run_scoped3A_63 : memref<!tpu.dma_semaphore, #tpu.memory_space<semaphore_mem>>) src(%dma_wait3A_77 : memref<640xf32, #tpu.memory_space<vmem_shared>>) dst(%dma_wait3A_75 : memref<640xf32, #tpu.memory_space<vmem>>)
      tpu.yield
    }) : () -> ()
    %mul3A_16 = arith.constant 640 : i32
    %mul3A_17 = arith.muli %arg1, %mul3A_16 : i32
    %run_scoped3A_18 = arith.constant 3 : i32
    "tpu.region"() ({
      %run_scoped3A_63 = tpu.sem_alloc : memref<!tpu.dma_semaphore, #tpu.memory_space<semaphore_mem>>
      %dma_start3A = arith.constant 1920 : i32
      %dma_start3A_64 = tpu.memref_slice %arg9[%dma_start3A] : memref<10240xf32, #tpu.memory_space<vmem>> -> memref<640xf32, #tpu.memory_space<vmem>>
      %dma_start3A_65 = tpu.memref_slice %arg11[%run_scoped3A_18, %mul3A_17] : memref<16x10240xf32, #tpu.memory_space<vmem_shared>> -> memref<1x640xf32, #tpu.memory_space<vmem_shared>>
      %dma_start3A_66 = tpu.memref_squeeze %dma_start3A_65 : memref<1x640xf32, #tpu.memory_space<vmem_shared>> -> memref<640xf32, #tpu.memory_space<vmem_shared>>
      %dma_start3A_67 = arith.constant 1920 : i32
      %dma_start3A_68 = tpu.memref_slice %arg9[%dma_start3A_67] : memref<10240xf32, #tpu.memory_space<vmem>> -> memref<640xf32, #tpu.memory_space<vmem>>
      %dma_start3A_69 = tpu.memref_slice %arg11[%run_scoped3A_18, %mul3A_17] : memref<16x10240xf32, #tpu.memory_space<vmem_shared>> -> memref<1x640xf32, #tpu.memory_space<vmem_shared>>
      %dma_start3A_70 = tpu.memref_squeeze %dma_start3A_69 : memref<1x640xf32, #tpu.memory_space<vmem_shared>> -> memref<640xf32, #tpu.memory_space<vmem_shared>>
      tpu.enqueue_dma source(%dma_start3A_70 : memref<640xf32, #tpu.memory_space<vmem_shared>>) target(%dma_start3A_68 : memref<640xf32, #tpu.memory_space<vmem>>) target_semaphore(%run_scoped3A_63 : memref<!tpu.dma_semaphore, #tpu.memory_space<semaphore_mem>>)
      %dma_wait3A = arith.constant 1920 : i32
      %dma_wait3A_71 = tpu.memref_slice %arg9[%dma_wait3A] : memref<10240xf32, #tpu.memory_space<vmem>> -> memref<640xf32, #tpu.memory_space<vmem>>
      %dma_wait3A_72 = tpu.memref_slice %arg11[%run_scoped3A_18, %mul3A_17] : memref<16x10240xf32, #tpu.memory_space<vmem_shared>> -> memref<1x640xf32, #tpu.memory_space<vmem_shared>>
      %dma_wait3A_73 = tpu.memref_squeeze %dma_wait3A_72 : memref<1x640xf32, #tpu.memory_space<vmem_shared>> -> memref<640xf32, #tpu.memory_space<vmem_shared>>
      %dma_wait3A_74 = arith.constant 1920 : i32
      %dma_wait3A_75 = tpu.memref_slice %arg9[%dma_wait3A_74] : memref<10240xf32, #tpu.memory_space<vmem>> -> memref<640xf32, #tpu.memory_space<vmem>>
      %dma_wait3A_76 = tpu.memref_slice %arg11[%run_scoped3A_18, %mul3A_17] : memref<16x10240xf32, #tpu.memory_space<vmem_shared>> -> memref<1x640xf32, #tpu.memory_space<vmem_shared>>
      %dma_wait3A_77 = tpu.memref_squeeze %dma_wait3A_76 : memref<1x640xf32, #tpu.memory_space<vmem_shared>> -> memref<640xf32, #tpu.memory_space<vmem_shared>>
      tpu.wait_dma2 semaphore(%run_scoped3A_63 : memref<!tpu.dma_semaphore, #tpu.memory_space<semaphore_mem>>) src(%dma_wait3A_77 : memref<640xf32, #tpu.memory_space<vmem_shared>>) dst(%dma_wait3A_75 : memref<640xf32, #tpu.memory_space<vmem>>)
      tpu.yield
    }) : () -> ()
    %mul3A_19 = arith.constant 640 : i32
    %mul3A_20 = arith.muli %arg1, %mul3A_19 : i32
    %run_scoped3A_21 = arith.constant 4 : i32
    "tpu.region"() ({
      %run_scoped3A_63 = tpu.sem_alloc : memref<!tpu.dma_semaphore, #tpu.memory_space<semaphore_mem>>
      %dma_start3A = arith.constant 2560 : i32
      %dma_start3A_64 = tpu.memref_slice %arg9[%dma_start3A] : memref<10240xf32, #tpu.memory_space<vmem>> -> memref<640xf32, #tpu.memory_space<vmem>>
      %dma_start3A_65 = tpu.memref_slice %arg11[%run_scoped3A_21, %mul3A_20] : memref<16x10240xf32, #tpu.memory_space<vmem_shared>> -> memref<1x640xf32, #tpu.memory_space<vmem_shared>>
      %dma_start3A_66 = tpu.memref_squeeze %dma_start3A_65 : memref<1x640xf32, #tpu.memory_space<vmem_shared>> -> memref<640xf32, #tpu.memory_space<vmem_shared>>
      %dma_start3A_67 = arith.constant 2560 : i32
      %dma_start3A_68 = tpu.memref_slice %arg9[%dma_start3A_67] : memref<10240xf32, #tpu.memory_space<vmem>> -> memref<640xf32, #tpu.memory_space<vmem>>
      %dma_start3A_69 = tpu.memref_slice %arg11[%run_scoped3A_21, %mul3A_20] : memref<16x10240xf32, #tpu.memory_space<vmem_shared>> -> memref<1x640xf32, #tpu.memory_space<vmem_shared>>
      %dma_start3A_70 = tpu.memref_squeeze %dma_start3A_69 : memref<1x640xf32, #tpu.memory_space<vmem_shared>> -> memref<640xf32, #tpu.memory_space<vmem_shared>>
      tpu.enqueue_dma source(%dma_start3A_70 : memref<640xf32, #tpu.memory_space<vmem_shared>>) target(%dma_start3A_68 : memref<640xf32, #tpu.memory_space<vmem>>) target_semaphore(%run_scoped3A_63 : memref<!tpu.dma_semaphore, #tpu.memory_space<semaphore_mem>>)
      %dma_wait3A = arith.constant 2560 : i32
      %dma_wait3A_71 = tpu.memref_slice %arg9[%dma_wait3A] : memref<10240xf32, #tpu.memory_space<vmem>> -> memref<640xf32, #tpu.memory_space<vmem>>
      %dma_wait3A_72 = tpu.memref_slice %arg11[%run_scoped3A_21, %mul3A_20] : memref<16x10240xf32, #tpu.memory_space<vmem_shared>> -> memref<1x640xf32, #tpu.memory_space<vmem_shared>>
      %dma_wait3A_73 = tpu.memref_squeeze %dma_wait3A_72 : memref<1x640xf32, #tpu.memory_space<vmem_shared>> -> memref<640xf32, #tpu.memory_space<vmem_shared>>
      %dma_wait3A_74 = arith.constant 2560 : i32
      %dma_wait3A_75 = tpu.memref_slice %arg9[%dma_wait3A_74] : memref<10240xf32, #tpu.memory_space<vmem>> -> memref<640xf32, #tpu.memory_space<vmem>>
      %dma_wait3A_76 = tpu.memref_slice %arg11[%run_scoped3A_21, %mul3A_20] : memref<16x10240xf32, #tpu.memory_space<vmem_shared>> -> memref<1x640xf32, #tpu.memory_space<vmem_shared>>
      %dma_wait3A_77 = tpu.memref_squeeze %dma_wait3A_76 : memref<1x640xf32, #tpu.memory_space<vmem_shared>> -> memref<640xf32, #tpu.memory_space<vmem_shared>>
      tpu.wait_dma2 semaphore(%run_scoped3A_63 : memref<!tpu.dma_semaphore, #tpu.memory_space<semaphore_mem>>) src(%dma_wait3A_77 : memref<640xf32, #tpu.memory_space<vmem_shared>>) dst(%dma_wait3A_75 : memref<640xf32, #tpu.memory_space<vmem>>)
      tpu.yield
    }) : () -> ()
    %mul3A_22 = arith.constant 640 : i32
    %mul3A_23 = arith.muli %arg1, %mul3A_22 : i32
    %run_scoped3A_24 = arith.constant 5 : i32
    "tpu.region"() ({
      %run_scoped3A_63 = tpu.sem_alloc : memref<!tpu.dma_semaphore, #tpu.memory_space<semaphore_mem>>
      %dma_start3A = arith.constant 3200 : i32
      %dma_start3A_64 = tpu.memref_slice %arg9[%dma_start3A] : memref<10240xf32, #tpu.memory_space<vmem>> -> memref<640xf32, #tpu.memory_space<vmem>>
      %dma_start3A_65 = tpu.memref_slice %arg11[%run_scoped3A_24, %mul3A_23] : memref<16x10240xf32, #tpu.memory_space<vmem_shared>> -> memref<1x640xf32, #tpu.memory_space<vmem_shared>>
      %dma_start3A_66 = tpu.memref_squeeze %dma_start3A_65 : memref<1x640xf32, #tpu.memory_space<vmem_shared>> -> memref<640xf32, #tpu.memory_space<vmem_shared>>
      %dma_start3A_67 = arith.constant 3200 : i32
      %dma_start3A_68 = tpu.memref_slice %arg9[%dma_start3A_67] : memref<10240xf32, #tpu.memory_space<vmem>> -> memref<640xf32, #tpu.memory_space<vmem>>
      %dma_start3A_69 = tpu.memref_slice %arg11[%run_scoped3A_24, %mul3A_23] : memref<16x10240xf32, #tpu.memory_space<vmem_shared>> -> memref<1x640xf32, #tpu.memory_space<vmem_shared>>
      %dma_start3A_70 = tpu.memref_squeeze %dma_start3A_69 : memref<1x640xf32, #tpu.memory_space<vmem_shared>> -> memref<640xf32, #tpu.memory_space<vmem_shared>>
      tpu.enqueue_dma source(%dma_start3A_70 : memref<640xf32, #tpu.memory_space<vmem_shared>>) target(%dma_start3A_68 : memref<640xf32, #tpu.memory_space<vmem>>) target_semaphore(%run_scoped3A_63 : memref<!tpu.dma_semaphore, #tpu.memory_space<semaphore_mem>>)
      %dma_wait3A = arith.constant 3200 : i32
      %dma_wait3A_71 = tpu.memref_slice %arg9[%dma_wait3A] : memref<10240xf32, #tpu.memory_space<vmem>> -> memref<640xf32, #tpu.memory_space<vmem>>
      %dma_wait3A_72 = tpu.memref_slice %arg11[%run_scoped3A_24, %mul3A_23] : memref<16x10240xf32, #tpu.memory_space<vmem_shared>> -> memref<1x640xf32, #tpu.memory_space<vmem_shared>>
      %dma_wait3A_73 = tpu.memref_squeeze %dma_wait3A_72 : memref<1x640xf32, #tpu.memory_space<vmem_shared>> -> memref<640xf32, #tpu.memory_space<vmem_shared>>
      %dma_wait3A_74 = arith.constant 3200 : i32
      %dma_wait3A_75 = tpu.memref_slice %arg9[%dma_wait3A_74] : memref<10240xf32, #tpu.memory_space<vmem>> -> memref<640xf32, #tpu.memory_space<vmem>>
      %dma_wait3A_76 = tpu.memref_slice %arg11[%run_scoped3A_24, %mul3A_23] : memref<16x10240xf32, #tpu.memory_space<vmem_shared>> -> memref<1x640xf32, #tpu.memory_space<vmem_shared>>
      %dma_wait3A_77 = tpu.memref_squeeze %dma_wait3A_76 : memref<1x640xf32, #tpu.memory_space<vmem_shared>> -> memref<640xf32, #tpu.memory_space<vmem_shared>>
      tpu.wait_dma2 semaphore(%run_scoped3A_63 : memref<!tpu.dma_semaphore, #tpu.memory_space<semaphore_mem>>) src(%dma_wait3A_77 : memref<640xf32, #tpu.memory_space<vmem_shared>>) dst(%dma_wait3A_75 : memref<640xf32, #tpu.memory_space<vmem>>)
      tpu.yield
    }) : () -> ()
    %mul3A_25 = arith.constant 640 : i32
    %mul3A_26 = arith.muli %arg1, %mul3A_25 : i32
    %run_scoped3A_27 = arith.constant 6 : i32
    "tpu.region"() ({
      %run_scoped3A_63 = tpu.sem_alloc : memref<!tpu.dma_semaphore, #tpu.memory_space<semaphore_mem>>
      %dma_start3A = arith.constant 3840 : i32
      %dma_start3A_64 = tpu.memref_slice %arg9[%dma_start3A] : memref<10240xf32, #tpu.memory_space<vmem>> -> memref<640xf32, #tpu.memory_space<vmem>>
      %dma_start3A_65 = tpu.memref_slice %arg11[%run_scoped3A_27, %mul3A_26] : memref<16x10240xf32, #tpu.memory_space<vmem_shared>> -> memref<1x640xf32, #tpu.memory_space<vmem_shared>>
      %dma_start3A_66 = tpu.memref_squeeze %dma_start3A_65 : memref<1x640xf32, #tpu.memory_space<vmem_shared>> -> memref<640xf32, #tpu.memory_space<vmem_shared>>
      %dma_start3A_67 = arith.constant 3840 : i32
      %dma_start3A_68 = tpu.memref_slice %arg9[%dma_start3A_67] : memref<10240xf32, #tpu.memory_space<vmem>> -> memref<640xf32, #tpu.memory_space<vmem>>
      %dma_start3A_69 = tpu.memref_slice %arg11[%run_scoped3A_27, %mul3A_26] : memref<16x10240xf32, #tpu.memory_space<vmem_shared>> -> memref<1x640xf32, #tpu.memory_space<vmem_shared>>
      %dma_start3A_70 = tpu.memref_squeeze %dma_start3A_69 : memref<1x640xf32, #tpu.memory_space<vmem_shared>> -> memref<640xf32, #tpu.memory_space<vmem_shared>>
      tpu.enqueue_dma source(%dma_start3A_70 : memref<640xf32, #tpu.memory_space<vmem_shared>>) target(%dma_start3A_68 : memref<640xf32, #tpu.memory_space<vmem>>) target_semaphore(%run_scoped3A_63 : memref<!tpu.dma_semaphore, #tpu.memory_space<semaphore_mem>>)
      %dma_wait3A = arith.constant 3840 : i32
      %dma_wait3A_71 = tpu.memref_slice %arg9[%dma_wait3A] : memref<10240xf32, #tpu.memory_space<vmem>> -> memref<640xf32, #tpu.memory_space<vmem>>
      %dma_wait3A_72 = tpu.memref_slice %arg11[%run_scoped3A_27, %mul3A_26] : memref<16x10240xf32, #tpu.memory_space<vmem_shared>> -> memref<1x640xf32, #tpu.memory_space<vmem_shared>>
      %dma_wait3A_73 = tpu.memref_squeeze %dma_wait3A_72 : memref<1x640xf32, #tpu.memory_space<vmem_shared>> -> memref<640xf32, #tpu.memory_space<vmem_shared>>
      %dma_wait3A_74 = arith.constant 3840 : i32
      %dma_wait3A_75 = tpu.memref_slice %arg9[%dma_wait3A_74] : memref<10240xf32, #tpu.memory_space<vmem>> -> memref<640xf32, #tpu.memory_space<vmem>>
      %dma_wait3A_76 = tpu.memref_slice %arg11[%run_scoped3A_27, %mul3A_26] : memref<16x10240xf32, #tpu.memory_space<vmem_shared>> -> memref<1x640xf32, #tpu.memory_space<vmem_shared>>
      %dma_wait3A_77 = tpu.memref_squeeze %dma_wait3A_76 : memref<1x640xf32, #tpu.memory_space<vmem_shared>> -> memref<640xf32, #tpu.memory_space<vmem_shared>>
      tpu.wait_dma2 semaphore(%run_scoped3A_63 : memref<!tpu.dma_semaphore, #tpu.memory_space<semaphore_mem>>) src(%dma_wait3A_77 : memref<640xf32, #tpu.memory_space<vmem_shared>>) dst(%dma_wait3A_75 : memref<640xf32, #tpu.memory_space<vmem>>)
      tpu.yield
    }) : () -> ()
    %mul3A_28 = arith.constant 640 : i32
    %mul3A_29 = arith.muli %arg1, %mul3A_28 : i32
    %run_scoped3A_30 = arith.constant 7 : i32
    "tpu.region"() ({
      %run_scoped3A_63 = tpu.sem_alloc : memref<!tpu.dma_semaphore, #tpu.memory_space<semaphore_mem>>
      %dma_start3A = arith.constant 4480 : i32
      %dma_start3A_64 = tpu.memref_slice %arg9[%dma_start3A] : memref<10240xf32, #tpu.memory_space<vmem>> -> memref<640xf32, #tpu.memory_space<vmem>>
      %dma_start3A_65 = tpu.memref_slice %arg11[%run_scoped3A_30, %mul3A_29] : memref<16x10240xf32, #tpu.memory_space<vmem_shared>> -> memref<1x640xf32, #tpu.memory_space<vmem_shared>>
      %dma_start3A_66 = tpu.memref_squeeze %dma_start3A_65 : memref<1x640xf32, #tpu.memory_space<vmem_shared>> -> memref<640xf32, #tpu.memory_space<vmem_shared>>
      %dma_start3A_67 = arith.constant 4480 : i32
      %dma_start3A_68 = tpu.memref_slice %arg9[%dma_start3A_67] : memref<10240xf32, #tpu.memory_space<vmem>> -> memref<640xf32, #tpu.memory_space<vmem>>
      %dma_start3A_69 = tpu.memref_slice %arg11[%run_scoped3A_30, %mul3A_29] : memref<16x10240xf32, #tpu.memory_space<vmem_shared>> -> memref<1x640xf32, #tpu.memory_space<vmem_shared>>
      %dma_start3A_70 = tpu.memref_squeeze %dma_start3A_69 : memref<1x640xf32, #tpu.memory_space<vmem_shared>> -> memref<640xf32, #tpu.memory_space<vmem_shared>>
      tpu.enqueue_dma source(%dma_start3A_70 : memref<640xf32, #tpu.memory_space<vmem_shared>>) target(%dma_start3A_68 : memref<640xf32, #tpu.memory_space<vmem>>) target_semaphore(%run_scoped3A_63 : memref<!tpu.dma_semaphore, #tpu.memory_space<semaphore_mem>>)
      %dma_wait3A = arith.constant 4480 : i32
      %dma_wait3A_71 = tpu.memref_slice %arg9[%dma_wait3A] : memref<10240xf32, #tpu.memory_space<vmem>> -> memref<640xf32, #tpu.memory_space<vmem>>
      %dma_wait3A_72 = tpu.memref_slice %arg11[%run_scoped3A_30, %mul3A_29] : memref<16x10240xf32, #tpu.memory_space<vmem_shared>> -> memref<1x640xf32, #tpu.memory_space<vmem_shared>>
      %dma_wait3A_73 = tpu.memref_squeeze %dma_wait3A_72 : memref<1x640xf32, #tpu.memory_space<vmem_shared>> -> memref<640xf32, #tpu.memory_space<vmem_shared>>
      %dma_wait3A_74 = arith.constant 4480 : i32
      %dma_wait3A_75 = tpu.memref_slice %arg9[%dma_wait3A_74] : memref<10240xf32, #tpu.memory_space<vmem>> -> memref<640xf32, #tpu.memory_space<vmem>>
      %dma_wait3A_76 = tpu.memref_slice %arg11[%run_scoped3A_30, %mul3A_29] : memref<16x10240xf32, #tpu.memory_space<vmem_shared>> -> memref<1x640xf32, #tpu.memory_space<vmem_shared>>
      %dma_wait3A_77 = tpu.memref_squeeze %dma_wait3A_76 : memref<1x640xf32, #tpu.memory_space<vmem_shared>> -> memref<640xf32, #tpu.memory_space<vmem_shared>>
      tpu.wait_dma2 semaphore(%run_scoped3A_63 : memref<!tpu.dma_semaphore, #tpu.memory_space<semaphore_mem>>) src(%dma_wait3A_77 : memref<640xf32, #tpu.memory_space<vmem_shared>>) dst(%dma_wait3A_75 : memref<640xf32, #tpu.memory_space<vmem>>)
      tpu.yield
    }) : () -> ()
    %mul3A_31 = arith.constant 640 : i32
    %mul3A_32 = arith.muli %arg1, %mul3A_31 : i32
    %run_scoped3A_33 = arith.constant 8 : i32
    "tpu.region"() ({
      %run_scoped3A_63 = tpu.sem_alloc : memref<!tpu.dma_semaphore, #tpu.memory_space<semaphore_mem>>
      %dma_start3A = arith.constant 5120 : i32
      %dma_start3A_64 = tpu.memref_slice %arg9[%dma_start3A] : memref<10240xf32, #tpu.memory_space<vmem>> -> memref<640xf32, #tpu.memory_space<vmem>>
      %dma_start3A_65 = tpu.memref_slice %arg11[%run_scoped3A_33, %mul3A_32] : memref<16x10240xf32, #tpu.memory_space<vmem_shared>> -> memref<1x640xf32, #tpu.memory_space<vmem_shared>>
      %dma_start3A_66 = tpu.memref_squeeze %dma_start3A_65 : memref<1x640xf32, #tpu.memory_space<vmem_shared>> -> memref<640xf32, #tpu.memory_space<vmem_shared>>
      %dma_start3A_67 = arith.constant 5120 : i32
      %dma_start3A_68 = tpu.memref_slice %arg9[%dma_start3A_67] : memref<10240xf32, #tpu.memory_space<vmem>> -> memref<640xf32, #tpu.memory_space<vmem>>
      %dma_start3A_69 = tpu.memref_slice %arg11[%run_scoped3A_33, %mul3A_32] : memref<16x10240xf32, #tpu.memory_space<vmem_shared>> -> memref<1x640xf32, #tpu.memory_space<vmem_shared>>
      %dma_start3A_70 = tpu.memref_squeeze %dma_start3A_69 : memref<1x640xf32, #tpu.memory_space<vmem_shared>> -> memref<640xf32, #tpu.memory_space<vmem_shared>>
      tpu.enqueue_dma source(%dma_start3A_70 : memref<640xf32, #tpu.memory_space<vmem_shared>>) target(%dma_start3A_68 : memref<640xf32, #tpu.memory_space<vmem>>) target_semaphore(%run_scoped3A_63 : memref<!tpu.dma_semaphore, #tpu.memory_space<semaphore_mem>>)
      %dma_wait3A = arith.constant 5120 : i32
      %dma_wait3A_71 = tpu.memref_slice %arg9[%dma_wait3A] : memref<10240xf32, #tpu.memory_space<vmem>> -> memref<640xf32, #tpu.memory_space<vmem>>
      %dma_wait3A_72 = tpu.memref_slice %arg11[%run_scoped3A_33, %mul3A_32] : memref<16x10240xf32, #tpu.memory_space<vmem_shared>> -> memref<1x640xf32, #tpu.memory_space<vmem_shared>>
      %dma_wait3A_73 = tpu.memref_squeeze %dma_wait3A_72 : memref<1x640xf32, #tpu.memory_space<vmem_shared>> -> memref<640xf32, #tpu.memory_space<vmem_shared>>
      %dma_wait3A_74 = arith.constant 5120 : i32
      %dma_wait3A_75 = tpu.memref_slice %arg9[%dma_wait3A_74] : memref<10240xf32, #tpu.memory_space<vmem>> -> memref<640xf32, #tpu.memory_space<vmem>>
      %dma_wait3A_76 = tpu.memref_slice %arg11[%run_scoped3A_33, %mul3A_32] : memref<16x10240xf32, #tpu.memory_space<vmem_shared>> -> memref<1x640xf32, #tpu.memory_space<vmem_shared>>
      %dma_wait3A_77 = tpu.memref_squeeze %dma_wait3A_76 : memref<1x640xf32, #tpu.memory_space<vmem_shared>> -> memref<640xf32, #tpu.memory_space<vmem_shared>>
      tpu.wait_dma2 semaphore(%run_scoped3A_63 : memref<!tpu.dma_semaphore, #tpu.memory_space<semaphore_mem>>) src(%dma_wait3A_77 : memref<640xf32, #tpu.memory_space<vmem_shared>>) dst(%dma_wait3A_75 : memref<640xf32, #tpu.memory_space<vmem>>)
      tpu.yield
    }) : () -> ()
    %mul3A_34 = arith.constant 640 : i32
    %mul3A_35 = arith.muli %arg1, %mul3A_34 : i32
    %run_scoped3A_36 = arith.constant 9 : i32
    "tpu.region"() ({
      %run_scoped3A_63 = tpu.sem_alloc : memref<!tpu.dma_semaphore, #tpu.memory_space<semaphore_mem>>
      %dma_start3A = arith.constant 5760 : i32
      %dma_start3A_64 = tpu.memref_slice %arg9[%dma_start3A] : memref<10240xf32, #tpu.memory_space<vmem>> -> memref<640xf32, #tpu.memory_space<vmem>>
      %dma_start3A_65 = tpu.memref_slice %arg11[%run_scoped3A_36, %mul3A_35] : memref<16x10240xf32, #tpu.memory_space<vmem_shared>> -> memref<1x640xf32, #tpu.memory_space<vmem_shared>>
      %dma_start3A_66 = tpu.memref_squeeze %dma_start3A_65 : memref<1x640xf32, #tpu.memory_space<vmem_shared>> -> memref<640xf32, #tpu.memory_space<vmem_shared>>
      %dma_start3A_67 = arith.constant 5760 : i32
      %dma_start3A_68 = tpu.memref_slice %arg9[%dma_start3A_67] : memref<10240xf32, #tpu.memory_space<vmem>> -> memref<640xf32, #tpu.memory_space<vmem>>
      %dma_start3A_69 = tpu.memref_slice %arg11[%run_scoped3A_36, %mul3A_35] : memref<16x10240xf32, #tpu.memory_space<vmem_shared>> -> memref<1x640xf32, #tpu.memory_space<vmem_shared>>
      %dma_start3A_70 = tpu.memref_squeeze %dma_start3A_69 : memref<1x640xf32, #tpu.memory_space<vmem_shared>> -> memref<640xf32, #tpu.memory_space<vmem_shared>>
      tpu.enqueue_dma source(%dma_start3A_70 : memref<640xf32, #tpu.memory_space<vmem_shared>>) target(%dma_start3A_68 : memref<640xf32, #tpu.memory_space<vmem>>) target_semaphore(%run_scoped3A_63 : memref<!tpu.dma_semaphore, #tpu.memory_space<semaphore_mem>>)
      %dma_wait3A = arith.constant 5760 : i32
      %dma_wait3A_71 = tpu.memref_slice %arg9[%dma_wait3A] : memref<10240xf32, #tpu.memory_space<vmem>> -> memref<640xf32, #tpu.memory_space<vmem>>
      %dma_wait3A_72 = tpu.memref_slice %arg11[%run_scoped3A_36, %mul3A_35] : memref<16x10240xf32, #tpu.memory_space<vmem_shared>> -> memref<1x640xf32, #tpu.memory_space<vmem_shared>>
      %dma_wait3A_73 = tpu.memref_squeeze %dma_wait3A_72 : memref<1x640xf32, #tpu.memory_space<vmem_shared>> -> memref<640xf32, #tpu.memory_space<vmem_shared>>
      %dma_wait3A_74 = arith.constant 5760 : i32
      %dma_wait3A_75 = tpu.memref_slice %arg9[%dma_wait3A_74] : memref<10240xf32, #tpu.memory_space<vmem>> -> memref<640xf32, #tpu.memory_space<vmem>>
      %dma_wait3A_76 = tpu.memref_slice %arg11[%run_scoped3A_36, %mul3A_35] : memref<16x10240xf32, #tpu.memory_space<vmem_shared>> -> memref<1x640xf32, #tpu.memory_space<vmem_shared>>
      %dma_wait3A_77 = tpu.memref_squeeze %dma_wait3A_76 : memref<1x640xf32, #tpu.memory_space<vmem_shared>> -> memref<640xf32, #tpu.memory_space<vmem_shared>>
      tpu.wait_dma2 semaphore(%run_scoped3A_63 : memref<!tpu.dma_semaphore, #tpu.memory_space<semaphore_mem>>) src(%dma_wait3A_77 : memref<640xf32, #tpu.memory_space<vmem_shared>>) dst(%dma_wait3A_75 : memref<640xf32, #tpu.memory_space<vmem>>)
      tpu.yield
    }) : () -> ()
    %mul3A_37 = arith.constant 640 : i32
    %mul3A_38 = arith.muli %arg1, %mul3A_37 : i32
    %run_scoped3A_39 = arith.constant 10 : i32
    "tpu.region"() ({
      %run_scoped3A_63 = tpu.sem_alloc : memref<!tpu.dma_semaphore, #tpu.memory_space<semaphore_mem>>
      %dma_start3A = arith.constant 6400 : i32
      %dma_start3A_64 = tpu.memref_slice %arg9[%dma_start3A] : memref<10240xf32, #tpu.memory_space<vmem>> -> memref<640xf32, #tpu.memory_space<vmem>>
      %dma_start3A_65 = tpu.memref_slice %arg11[%run_scoped3A_39, %mul3A_38] : memref<16x10240xf32, #tpu.memory_space<vmem_shared>> -> memref<1x640xf32, #tpu.memory_space<vmem_shared>>
      %dma_start3A_66 = tpu.memref_squeeze %dma_start3A_65 : memref<1x640xf32, #tpu.memory_space<vmem_shared>> -> memref<640xf32, #tpu.memory_space<vmem_shared>>
      %dma_start3A_67 = arith.constant 6400 : i32
      %dma_start3A_68 = tpu.memref_slice %arg9[%dma_start3A_67] : memref<10240xf32, #tpu.memory_space<vmem>> -> memref<640xf32, #tpu.memory_space<vmem>>
      %dma_start3A_69 = tpu.memref_slice %arg11[%run_scoped3A_39, %mul3A_38] : memref<16x10240xf32, #tpu.memory_space<vmem_shared>> -> memref<1x640xf32, #tpu.memory_space<vmem_shared>>
      %dma_start3A_70 = tpu.memref_squeeze %dma_start3A_69 : memref<1x640xf32, #tpu.memory_space<vmem_shared>> -> memref<640xf32, #tpu.memory_space<vmem_shared>>
      tpu.enqueue_dma source(%dma_start3A_70 : memref<640xf32, #tpu.memory_space<vmem_shared>>) target(%dma_start3A_68 : memref<640xf32, #tpu.memory_space<vmem>>) target_semaphore(%run_scoped3A_63 : memref<!tpu.dma_semaphore, #tpu.memory_space<semaphore_mem>>)
      %dma_wait3A = arith.constant 6400 : i32
      %dma_wait3A_71 = tpu.memref_slice %arg9[%dma_wait3A] : memref<10240xf32, #tpu.memory_space<vmem>> -> memref<640xf32, #tpu.memory_space<vmem>>
      %dma_wait3A_72 = tpu.memref_slice %arg11[%run_scoped3A_39, %mul3A_38] : memref<16x10240xf32, #tpu.memory_space<vmem_shared>> -> memref<1x640xf32, #tpu.memory_space<vmem_shared>>
      %dma_wait3A_73 = tpu.memref_squeeze %dma_wait3A_72 : memref<1x640xf32, #tpu.memory_space<vmem_shared>> -> memref<640xf32, #tpu.memory_space<vmem_shared>>
      %dma_wait3A_74 = arith.constant 6400 : i32
      %dma_wait3A_75 = tpu.memref_slice %arg9[%dma_wait3A_74] : memref<10240xf32, #tpu.memory_space<vmem>> -> memref<640xf32, #tpu.memory_space<vmem>>
      %dma_wait3A_76 = tpu.memref_slice %arg11[%run_scoped3A_39, %mul3A_38] : memref<16x10240xf32, #tpu.memory_space<vmem_shared>> -> memref<1x640xf32, #tpu.memory_space<vmem_shared>>
      %dma_wait3A_77 = tpu.memref_squeeze %dma_wait3A_76 : memref<1x640xf32, #tpu.memory_space<vmem_shared>> -> memref<640xf32, #tpu.memory_space<vmem_shared>>
      tpu.wait_dma2 semaphore(%run_scoped3A_63 : memref<!tpu.dma_semaphore, #tpu.memory_space<semaphore_mem>>) src(%dma_wait3A_77 : memref<640xf32, #tpu.memory_space<vmem_shared>>) dst(%dma_wait3A_75 : memref<640xf32, #tpu.memory_space<vmem>>)
      tpu.yield
    }) : () -> ()
    %mul3A_40 = arith.constant 640 : i32
    %mul3A_41 = arith.muli %arg1, %mul3A_40 : i32
    %run_scoped3A_42 = arith.constant 11 : i32
    "tpu.region"() ({
      %run_scoped3A_63 = tpu.sem_alloc : memref<!tpu.dma_semaphore, #tpu.memory_space<semaphore_mem>>
      %dma_start3A = arith.constant 7040 : i32
      %dma_start3A_64 = tpu.memref_slice %arg9[%dma_start3A] : memref<10240xf32, #tpu.memory_space<vmem>> -> memref<640xf32, #tpu.memory_space<vmem>>
      %dma_start3A_65 = tpu.memref_slice %arg11[%run_scoped3A_42, %mul3A_41] : memref<16x10240xf32, #tpu.memory_space<vmem_shared>> -> memref<1x640xf32, #tpu.memory_space<vmem_shared>>
      %dma_start3A_66 = tpu.memref_squeeze %dma_start3A_65 : memref<1x640xf32, #tpu.memory_space<vmem_shared>> -> memref<640xf32, #tpu.memory_space<vmem_shared>>
      %dma_start3A_67 = arith.constant 7040 : i32
      %dma_start3A_68 = tpu.memref_slice %arg9[%dma_start3A_67] : memref<10240xf32, #tpu.memory_space<vmem>> -> memref<640xf32, #tpu.memory_space<vmem>>
      %dma_start3A_69 = tpu.memref_slice %arg11[%run_scoped3A_42, %mul3A_41] : memref<16x10240xf32, #tpu.memory_space<vmem_shared>> -> memref<1x640xf32, #tpu.memory_space<vmem_shared>>
      %dma_start3A_70 = tpu.memref_squeeze %dma_start3A_69 : memref<1x640xf32, #tpu.memory_space<vmem_shared>> -> memref<640xf32, #tpu.memory_space<vmem_shared>>
      tpu.enqueue_dma source(%dma_start3A_70 : memref<640xf32, #tpu.memory_space<vmem_shared>>) target(%dma_start3A_68 : memref<640xf32, #tpu.memory_space<vmem>>) target_semaphore(%run_scoped3A_63 : memref<!tpu.dma_semaphore, #tpu.memory_space<semaphore_mem>>)
      %dma_wait3A = arith.constant 7040 : i32
      %dma_wait3A_71 = tpu.memref_slice %arg9[%dma_wait3A] : memref<10240xf32, #tpu.memory_space<vmem>> -> memref<640xf32, #tpu.memory_space<vmem>>
      %dma_wait3A_72 = tpu.memref_slice %arg11[%run_scoped3A_42, %mul3A_41] : memref<16x10240xf32, #tpu.memory_space<vmem_shared>> -> memref<1x640xf32, #tpu.memory_space<vmem_shared>>
      %dma_wait3A_73 = tpu.memref_squeeze %dma_wait3A_72 : memref<1x640xf32, #tpu.memory_space<vmem_shared>> -> memref<640xf32, #tpu.memory_space<vmem_shared>>
      %dma_wait3A_74 = arith.constant 7040 : i32
      %dma_wait3A_75 = tpu.memref_slice %arg9[%dma_wait3A_74] : memref<10240xf32, #tpu.memory_space<vmem>> -> memref<640xf32, #tpu.memory_space<vmem>>
      %dma_wait3A_76 = tpu.memref_slice %arg11[%run_scoped3A_42, %mul3A_41] : memref<16x10240xf32, #tpu.memory_space<vmem_shared>> -> memref<1x640xf32, #tpu.memory_space<vmem_shared>>
      %dma_wait3A_77 = tpu.memref_squeeze %dma_wait3A_76 : memref<1x640xf32, #tpu.memory_space<vmem_shared>> -> memref<640xf32, #tpu.memory_space<vmem_shared>>
      tpu.wait_dma2 semaphore(%run_scoped3A_63 : memref<!tpu.dma_semaphore, #tpu.memory_space<semaphore_mem>>) src(%dma_wait3A_77 : memref<640xf32, #tpu.memory_space<vmem_shared>>) dst(%dma_wait3A_75 : memref<640xf32, #tpu.memory_space<vmem>>)
      tpu.yield
    }) : () -> ()
    %mul3A_43 = arith.constant 640 : i32
    %mul3A_44 = arith.muli %arg1, %mul3A_43 : i32
    %run_scoped3A_45 = arith.constant 12 : i32
    "tpu.region"() ({
      %run_scoped3A_63 = tpu.sem_alloc : memref<!tpu.dma_semaphore, #tpu.memory_space<semaphore_mem>>
      %dma_start3A = arith.constant 7680 : i32
      %dma_start3A_64 = tpu.memref_slice %arg9[%dma_start3A] : memref<10240xf32, #tpu.memory_space<vmem>> -> memref<640xf32, #tpu.memory_space<vmem>>
      %dma_start3A_65 = tpu.memref_slice %arg11[%run_scoped3A_45, %mul3A_44] : memref<16x10240xf32, #tpu.memory_space<vmem_shared>> -> memref<1x640xf32, #tpu.memory_space<vmem_shared>>
      %dma_start3A_66 = tpu.memref_squeeze %dma_start3A_65 : memref<1x640xf32, #tpu.memory_space<vmem_shared>> -> memref<640xf32, #tpu.memory_space<vmem_shared>>
      %dma_start3A_67 = arith.constant 7680 : i32
      %dma_start3A_68 = tpu.memref_slice %arg9[%dma_start3A_67] : memref<10240xf32, #tpu.memory_space<vmem>> -> memref<640xf32, #tpu.memory_space<vmem>>
      %dma_start3A_69 = tpu.memref_slice %arg11[%run_scoped3A_45, %mul3A_44] : memref<16x10240xf32, #tpu.memory_space<vmem_shared>> -> memref<1x640xf32, #tpu.memory_space<vmem_shared>>
      %dma_start3A_70 = tpu.memref_squeeze %dma_start3A_69 : memref<1x640xf32, #tpu.memory_space<vmem_shared>> -> memref<640xf32, #tpu.memory_space<vmem_shared>>
      tpu.enqueue_dma source(%dma_start3A_70 : memref<640xf32, #tpu.memory_space<vmem_shared>>) target(%dma_start3A_68 : memref<640xf32, #tpu.memory_space<vmem>>) target_semaphore(%run_scoped3A_63 : memref<!tpu.dma_semaphore, #tpu.memory_space<semaphore_mem>>)
      %dma_wait3A = arith.constant 7680 : i32
      %dma_wait3A_71 = tpu.memref_slice %arg9[%dma_wait3A] : memref<10240xf32, #tpu.memory_space<vmem>> -> memref<640xf32, #tpu.memory_space<vmem>>
      %dma_wait3A_72 = tpu.memref_slice %arg11[%run_scoped3A_45, %mul3A_44] : memref<16x10240xf32, #tpu.memory_space<vmem_shared>> -> memref<1x640xf32, #tpu.memory_space<vmem_shared>>
      %dma_wait3A_73 = tpu.memref_squeeze %dma_wait3A_72 : memref<1x640xf32, #tpu.memory_space<vmem_shared>> -> memref<640xf32, #tpu.memory_space<vmem_shared>>
      %dma_wait3A_74 = arith.constant 7680 : i32
      %dma_wait3A_75 = tpu.memref_slice %arg9[%dma_wait3A_74] : memref<10240xf32, #tpu.memory_space<vmem>> -> memref<640xf32, #tpu.memory_space<vmem>>
      %dma_wait3A_76 = tpu.memref_slice %arg11[%run_scoped3A_45, %mul3A_44] : memref<16x10240xf32, #tpu.memory_space<vmem_shared>> -> memref<1x640xf32, #tpu.memory_space<vmem_shared>>
      %dma_wait3A_77 = tpu.memref_squeeze %dma_wait3A_76 : memref<1x640xf32, #tpu.memory_space<vmem_shared>> -> memref<640xf32, #tpu.memory_space<vmem_shared>>
      tpu.wait_dma2 semaphore(%run_scoped3A_63 : memref<!tpu.dma_semaphore, #tpu.memory_space<semaphore_mem>>) src(%dma_wait3A_77 : memref<640xf32, #tpu.memory_space<vmem_shared>>) dst(%dma_wait3A_75 : memref<640xf32, #tpu.memory_space<vmem>>)
      tpu.yield
    }) : () -> ()
    %mul3A_46 = arith.constant 640 : i32
    %mul3A_47 = arith.muli %arg1, %mul3A_46 : i32
    %run_scoped3A_48 = arith.constant 13 : i32
    "tpu.region"() ({
      %run_scoped3A_63 = tpu.sem_alloc : memref<!tpu.dma_semaphore, #tpu.memory_space<semaphore_mem>>
      %dma_start3A = arith.constant 8320 : i32
      %dma_start3A_64 = tpu.memref_slice %arg9[%dma_start3A] : memref<10240xf32, #tpu.memory_space<vmem>> -> memref<640xf32, #tpu.memory_space<vmem>>
      %dma_start3A_65 = tpu.memref_slice %arg11[%run_scoped3A_48, %mul3A_47] : memref<16x10240xf32, #tpu.memory_space<vmem_shared>> -> memref<1x640xf32, #tpu.memory_space<vmem_shared>>
      %dma_start3A_66 = tpu.memref_squeeze %dma_start3A_65 : memref<1x640xf32, #tpu.memory_space<vmem_shared>> -> memref<640xf32, #tpu.memory_space<vmem_shared>>
      %dma_start3A_67 = arith.constant 8320 : i32
      %dma_start3A_68 = tpu.memref_slice %arg9[%dma_start3A_67] : memref<10240xf32, #tpu.memory_space<vmem>> -> memref<640xf32, #tpu.memory_space<vmem>>
      %dma_start3A_69 = tpu.memref_slice %arg11[%run_scoped3A_48, %mul3A_47] : memref<16x10240xf32, #tpu.memory_space<vmem_shared>> -> memref<1x640xf32, #tpu.memory_space<vmem_shared>>
      %dma_start3A_70 = tpu.memref_squeeze %dma_start3A_69 : memref<1x640xf32, #tpu.memory_space<vmem_shared>> -> memref<640xf32, #tpu.memory_space<vmem_shared>>
      tpu.enqueue_dma source(%dma_start3A_70 : memref<640xf32, #tpu.memory_space<vmem_shared>>) target(%dma_start3A_68 : memref<640xf32, #tpu.memory_space<vmem>>) target_semaphore(%run_scoped3A_63 : memref<!tpu.dma_semaphore, #tpu.memory_space<semaphore_mem>>)
      %dma_wait3A = arith.constant 8320 : i32
      %dma_wait3A_71 = tpu.memref_slice %arg9[%dma_wait3A] : memref<10240xf32, #tpu.memory_space<vmem>> -> memref<640xf32, #tpu.memory_space<vmem>>
      %dma_wait3A_72 = tpu.memref_slice %arg11[%run_scoped3A_48, %mul3A_47] : memref<16x10240xf32, #tpu.memory_space<vmem_shared>> -> memref<1x640xf32, #tpu.memory_space<vmem_shared>>
      %dma_wait3A_73 = tpu.memref_squeeze %dma_wait3A_72 : memref<1x640xf32, #tpu.memory_space<vmem_shared>> -> memref<640xf32, #tpu.memory_space<vmem_shared>>
      %dma_wait3A_74 = arith.constant 8320 : i32
      %dma_wait3A_75 = tpu.memref_slice %arg9[%dma_wait3A_74] : memref<10240xf32, #tpu.memory_space<vmem>> -> memref<640xf32, #tpu.memory_space<vmem>>
      %dma_wait3A_76 = tpu.memref_slice %arg11[%run_scoped3A_48, %mul3A_47] : memref<16x10240xf32, #tpu.memory_space<vmem_shared>> -> memref<1x640xf32, #tpu.memory_space<vmem_shared>>
      %dma_wait3A_77 = tpu.memref_squeeze %dma_wait3A_76 : memref<1x640xf32, #tpu.memory_space<vmem_shared>> -> memref<640xf32, #tpu.memory_space<vmem_shared>>
      tpu.wait_dma2 semaphore(%run_scoped3A_63 : memref<!tpu.dma_semaphore, #tpu.memory_space<semaphore_mem>>) src(%dma_wait3A_77 : memref<640xf32, #tpu.memory_space<vmem_shared>>) dst(%dma_wait3A_75 : memref<640xf32, #tpu.memory_space<vmem>>)
      tpu.yield
    }) : () -> ()
    %mul3A_49 = arith.constant 640 : i32
    %mul3A_50 = arith.muli %arg1, %mul3A_49 : i32
    %run_scoped3A_51 = arith.constant 14 : i32
    "tpu.region"() ({
      %run_scoped3A_63 = tpu.sem_alloc : memref<!tpu.dma_semaphore, #tpu.memory_space<semaphore_mem>>
      %dma_start3A = arith.constant 8960 : i32
      %dma_start3A_64 = tpu.memref_slice %arg9[%dma_start3A] : memref<10240xf32, #tpu.memory_space<vmem>> -> memref<640xf32, #tpu.memory_space<vmem>>
      %dma_start3A_65 = tpu.memref_slice %arg11[%run_scoped3A_51, %mul3A_50] : memref<16x10240xf32, #tpu.memory_space<vmem_shared>> -> memref<1x640xf32, #tpu.memory_space<vmem_shared>>
      %dma_start3A_66 = tpu.memref_squeeze %dma_start3A_65 : memref<1x640xf32, #tpu.memory_space<vmem_shared>> -> memref<640xf32, #tpu.memory_space<vmem_shared>>
      %dma_start3A_67 = arith.constant 8960 : i32
      %dma_start3A_68 = tpu.memref_slice %arg9[%dma_start3A_67] : memref<10240xf32, #tpu.memory_space<vmem>> -> memref<640xf32, #tpu.memory_space<vmem>>
      %dma_start3A_69 = tpu.memref_slice %arg11[%run_scoped3A_51, %mul3A_50] : memref<16x10240xf32, #tpu.memory_space<vmem_shared>> -> memref<1x640xf32, #tpu.memory_space<vmem_shared>>
      %dma_start3A_70 = tpu.memref_squeeze %dma_start3A_69 : memref<1x640xf32, #tpu.memory_space<vmem_shared>> -> memref<640xf32, #tpu.memory_space<vmem_shared>>
      tpu.enqueue_dma source(%dma_start3A_70 : memref<640xf32, #tpu.memory_space<vmem_shared>>) target(%dma_start3A_68 : memref<640xf32, #tpu.memory_space<vmem>>) target_semaphore(%run_scoped3A_63 : memref<!tpu.dma_semaphore, #tpu.memory_space<semaphore_mem>>)
      %dma_wait3A = arith.constant 8960 : i32
      %dma_wait3A_71 = tpu.memref_slice %arg9[%dma_wait3A] : memref<10240xf32, #tpu.memory_space<vmem>> -> memref<640xf32, #tpu.memory_space<vmem>>
      %dma_wait3A_72 = tpu.memref_slice %arg11[%run_scoped3A_51, %mul3A_50] : memref<16x10240xf32, #tpu.memory_space<vmem_shared>> -> memref<1x640xf32, #tpu.memory_space<vmem_shared>>
      %dma_wait3A_73 = tpu.memref_squeeze %dma_wait3A_72 : memref<1x640xf32, #tpu.memory_space<vmem_shared>> -> memref<640xf32, #tpu.memory_space<vmem_shared>>
      %dma_wait3A_74 = arith.constant 8960 : i32
      %dma_wait3A_75 = tpu.memref_slice %arg9[%dma_wait3A_74] : memref<10240xf32, #tpu.memory_space<vmem>> -> memref<640xf32, #tpu.memory_space<vmem>>
      %dma_wait3A_76 = tpu.memref_slice %arg11[%run_scoped3A_51, %mul3A_50] : memref<16x10240xf32, #tpu.memory_space<vmem_shared>> -> memref<1x640xf32, #tpu.memory_space<vmem_shared>>
      %dma_wait3A_77 = tpu.memref_squeeze %dma_wait3A_76 : memref<1x640xf32, #tpu.memory_space<vmem_shared>> -> memref<640xf32, #tpu.memory_space<vmem_shared>>
      tpu.wait_dma2 semaphore(%run_scoped3A_63 : memref<!tpu.dma_semaphore, #tpu.memory_space<semaphore_mem>>) src(%dma_wait3A_77 : memref<640xf32, #tpu.memory_space<vmem_shared>>) dst(%dma_wait3A_75 : memref<640xf32, #tpu.memory_space<vmem>>)
      tpu.yield
    }) : () -> ()
    %mul3A_52 = arith.constant 640 : i32
    %mul3A_53 = arith.muli %arg1, %mul3A_52 : i32
    %run_scoped3A_54 = arith.constant 15 : i32
    "tpu.region"() ({
      %run_scoped3A_63 = tpu.sem_alloc : memref<!tpu.dma_semaphore, #tpu.memory_space<semaphore_mem>>
      %dma_start3A = arith.constant 9600 : i32
      %dma_start3A_64 = tpu.memref_slice %arg9[%dma_start3A] : memref<10240xf32, #tpu.memory_space<vmem>> -> memref<640xf32, #tpu.memory_space<vmem>>
      %dma_start3A_65 = tpu.memref_slice %arg11[%run_scoped3A_54, %mul3A_53] : memref<16x10240xf32, #tpu.memory_space<vmem_shared>> -> memref<1x640xf32, #tpu.memory_space<vmem_shared>>
      %dma_start3A_66 = tpu.memref_squeeze %dma_start3A_65 : memref<1x640xf32, #tpu.memory_space<vmem_shared>> -> memref<640xf32, #tpu.memory_space<vmem_shared>>
      %dma_start3A_67 = arith.constant 9600 : i32
      %dma_start3A_68 = tpu.memref_slice %arg9[%dma_start3A_67] : memref<10240xf32, #tpu.memory_space<vmem>> -> memref<640xf32, #tpu.memory_space<vmem>>
      %dma_start3A_69 = tpu.memref_slice %arg11[%run_scoped3A_54, %mul3A_53] : memref<16x10240xf32, #tpu.memory_space<vmem_shared>> -> memref<1x640xf32, #tpu.memory_space<vmem_shared>>
      %dma_start3A_70 = tpu.memref_squeeze %dma_start3A_69 : memref<1x640xf32, #tpu.memory_space<vmem_shared>> -> memref<640xf32, #tpu.memory_space<vmem_shared>>
      tpu.enqueue_dma source(%dma_start3A_70 : memref<640xf32, #tpu.memory_space<vmem_shared>>) target(%dma_start3A_68 : memref<640xf32, #tpu.memory_space<vmem>>) target_semaphore(%run_scoped3A_63 : memref<!tpu.dma_semaphore, #tpu.memory_space<semaphore_mem>>)
      %dma_wait3A = arith.constant 9600 : i32
      %dma_wait3A_71 = tpu.memref_slice %arg9[%dma_wait3A] : memref<10240xf32, #tpu.memory_space<vmem>> -> memref<640xf32, #tpu.memory_space<vmem>>
      %dma_wait3A_72 = tpu.memref_slice %arg11[%run_scoped3A_54, %mul3A_53] : memref<16x10240xf32, #tpu.memory_space<vmem_shared>> -> memref<1x640xf32, #tpu.memory_space<vmem_shared>>
      %dma_wait3A_73 = tpu.memref_squeeze %dma_wait3A_72 : memref<1x640xf32, #tpu.memory_space<vmem_shared>> -> memref<640xf32, #tpu.memory_space<vmem_shared>>
      %dma_wait3A_74 = arith.constant 9600 : i32
      %dma_wait3A_75 = tpu.memref_slice %arg9[%dma_wait3A_74] : memref<10240xf32, #tpu.memory_space<vmem>> -> memref<640xf32, #tpu.memory_space<vmem>>
      %dma_wait3A_76 = tpu.memref_slice %arg11[%run_scoped3A_54, %mul3A_53] : memref<16x10240xf32, #tpu.memory_space<vmem_shared>> -> memref<1x640xf32, #tpu.memory_space<vmem_shared>>
      %dma_wait3A_77 = tpu.memref_squeeze %dma_wait3A_76 : memref<1x640xf32, #tpu.memory_space<vmem_shared>> -> memref<640xf32, #tpu.memory_space<vmem_shared>>
      tpu.wait_dma2 semaphore(%run_scoped3A_63 : memref<!tpu.dma_semaphore, #tpu.memory_space<semaphore_mem>>) src(%dma_wait3A_77 : memref<640xf32, #tpu.memory_space<vmem_shared>>) dst(%dma_wait3A_75 : memref<640xf32, #tpu.memory_space<vmem>>)
      tpu.yield
    }) : () -> ()
    %scan3A_55 = arith.constant 0 : i32
    %scan3A_56 = arith.constant 0 : i32
    %scan3A_57 = arith.constant 40 : i32
    %scan3A_58 = arith.addi %scan3A_56, %scan3A_57 : i32
    %scan3A_59 = arith.constant 1 : i32
    scf.for %scan3A_63 = %scan3A_56 to %scan3A_58 step %scan3A_59  : i32 {
      %mul3A_64 = arith.constant 16 : i32
      %mul3A_65 = arith.muli %scan3A_63, %mul3A_64 : i32
      %get3A = arith.index_cast %mul3A_65 : i32 to index
      %get3A_66 = tpu.vector_load %arg9[%get3A] {strides = array<i32>} : memref<10240xf32, #tpu.memory_space<vmem>>, vector<16xf32>,
      %mul3A_67 = arith.constant 16 : i32
      %mul3A_68 = arith.muli %scan3A_63, %mul3A_67 : i32
      %add3A = arith.constant 640 : i32
      %add3A_69 = arith.addi %add3A, %mul3A_68 : i32
      %get3A_70 = arith.index_cast %add3A_69 : i32 to index
      %get3A_71 = tpu.vector_load %arg9[%get3A_70] {strides = array<i32>} : memref<10240xf32, #tpu.memory_space<vmem>>, vector<16xf32>,
      %add3A_72 = arith.addf %get3A_66, %get3A_71 : vector<16xf32>
      %mul3A_73 = arith.constant 16 : i32
      %mul3A_74 = arith.muli %scan3A_63, %mul3A_73 : i32
      %add3A_75 = arith.constant 1280 : i32
      %add3A_76 = arith.addi %add3A_75, %mul3A_74 : i32
      %get3A_77 = arith.index_cast %add3A_76 : i32 to index
      %get3A_78 = tpu.vector_load %arg9[%get3A_77] {strides = array<i32>} : memref<10240xf32, #tpu.memory_space<vmem>>, vector<16xf32>,
      %add3A_79 = arith.addf %add3A_72, %get3A_78 : vector<16xf32>
      %mul3A_80 = arith.constant 16 : i32
      %mul3A_81 = arith.muli %scan3A_63, %mul3A_80 : i32
      %add3A_82 = arith.constant 1920 : i32
      %add3A_83 = arith.addi %add3A_82, %mul3A_81 : i32
      %get3A_84 = arith.index_cast %add3A_83 : i32 to index
      %get3A_85 = tpu.vector_load %arg9[%get3A_84] {strides = array<i32>} : memref<10240xf32, #tpu.memory_space<vmem>>, vector<16xf32>,
      %add3A_86 = arith.addf %add3A_79, %get3A_85 : vector<16xf32>
      %mul3A_87 = arith.constant 16 : i32
      %mul3A_88 = arith.muli %scan3A_63, %mul3A_87 : i32
      %add3A_89 = arith.constant 2560 : i32
      %add3A_90 = arith.addi %add3A_89, %mul3A_88 : i32
      %get3A_91 = arith.index_cast %add3A_90 : i32 to index
      %get3A_92 = tpu.vector_load %arg9[%get3A_91] {strides = array<i32>} : memref<10240xf32, #tpu.memory_space<vmem>>, vector<16xf32>,
      %add3A_93 = arith.addf %add3A_86, %get3A_92 : vector<16xf32>
      %mul3A_94 = arith.constant 16 : i32
      %mul3A_95 = arith.muli %scan3A_63, %mul3A_94 : i32
      %add3A_96 = arith.constant 3200 : i32
      %add3A_97 = arith.addi %add3A_96, %mul3A_95 : i32
      %get3A_98 = arith.index_cast %add3A_97 : i32 to index
      %get3A_99 = tpu.vector_load %arg9[%get3A_98] {strides = array<i32>} : memref<10240xf32, #tpu.memory_space<vmem>>, vector<16xf32>,
      %add3A_100 = arith.addf %add3A_93, %get3A_99 : vector<16xf32>
      %mul3A_101 = arith.constant 16 : i32
      %mul3A_102 = arith.muli %scan3A_63, %mul3A_101 : i32
      %add3A_103 = arith.constant 3840 : i32
      %add3A_104 = arith.addi %add3A_103, %mul3A_102 : i32
      %get3A_105 = arith.index_cast %add3A_104 : i32 to index
      %get3A_106 = tpu.vector_load %arg9[%get3A_105] {strides = array<i32>} : memref<10240xf32, #tpu.memory_space<vmem>>, vector<16xf32>,
      %add3A_107 = arith.addf %add3A_100, %get3A_106 : vector<16xf32>
      %mul3A_108 = arith.constant 16 : i32
      %mul3A_109 = arith.muli %scan3A_63, %mul3A_108 : i32
      %add3A_110 = arith.constant 4480 : i32
      %add3A_111 = arith.addi %add3A_110, %mul3A_109 : i32
      %get3A_112 = arith.index_cast %add3A_111 : i32 to index
      %get3A_113 = tpu.vector_load %arg9[%get3A_112] {strides = array<i32>} : memref<10240xf32, #tpu.memory_space<vmem>>, vector<16xf32>,
      %add3A_114 = arith.addf %add3A_107, %get3A_113 : vector<16xf32>
      %mul3A_115 = arith.constant 16 : i32
      %mul3A_116 = arith.muli %scan3A_63, %mul3A_115 : i32
      %add3A_117 = arith.constant 5120 : i32
      %add3A_118 = arith.addi %add3A_117, %mul3A_116 : i32
      %get3A_119 = arith.index_cast %add3A_118 : i32 to index
      %get3A_120 = tpu.vector_load %arg9[%get3A_119] {strides = array<i32>} : memref<10240xf32, #tpu.memory_space<vmem>>, vector<16xf32>,
      %add3A_121 = arith.addf %add3A_114, %get3A_120 : vector<16xf32>
      %mul3A_122 = arith.constant 16 : i32
      %mul3A_123 = arith.muli %scan3A_63, %mul3A_122 : i32
      %add3A_124 = arith.constant 5760 : i32
      %add3A_125 = arith.addi %add3A_124, %mul3A_123 : i32
      %get3A_126 = arith.index_cast %add3A_125 : i32 to index
      %get3A_127 = tpu.vector_load %arg9[%get3A_126] {strides = array<i32>} : memref<10240xf32, #tpu.memory_space<vmem>>, vector<16xf32>,
      %add3A_128 = arith.addf %add3A_121, %get3A_127 : vector<16xf32>
      %mul3A_129 = arith.constant 16 : i32
      %mul3A_130 = arith.muli %scan3A_63, %mul3A_129 : i32
      %add3A_131 = arith.constant 6400 : i32
      %add3A_132 = arith.addi %add3A_131, %mul3A_130 : i32
      %get3A_133 = arith.index_cast %add3A_132 : i32 to index
      %get3A_134 = tpu.vector_load %arg9[%get3A_133] {strides = array<i32>} : memref<10240xf32, #tpu.memory_space<vmem>>, vector<16xf32>,
      %add3A_135 = arith.addf %add3A_128, %get3A_134 : vector<16xf32>
      %mul3A_136 = arith.constant 16 : i32
      %mul3A_137 = arith.muli %scan3A_63, %mul3A_136 : i32
      %add3A_138 = arith.constant 7040 : i32
      %add3A_139 = arith.addi %add3A_138, %mul3A_137 : i32
      %get3A_140 = arith.index_cast %add3A_139 : i32 to index
      %get3A_141 = tpu.vector_load %arg9[%get3A_140] {strides = array<i32>} : memref<10240xf32, #tpu.memory_space<vmem>>, vector<16xf32>,
      %add3A_142 = arith.addf %add3A_135, %get3A_141 : vector<16xf32>
      %mul3A_143 = arith.constant 16 : i32
      %mul3A_144 = arith.muli %scan3A_63, %mul3A_143 : i32
      %add3A_145 = arith.constant 7680 : i32
      %add3A_146 = arith.addi %add3A_145, %mul3A_144 : i32
      %get3A_147 = arith.index_cast %add3A_146 : i32 to index
      %get3A_148 = tpu.vector_load %arg9[%get3A_147] {strides = array<i32>} : memref<10240xf32, #tpu.memory_space<vmem>>, vector<16xf32>,
      %add3A_149 = arith.addf %add3A_142, %get3A_148 : vector<16xf32>
      %mul3A_150 = arith.constant 16 : i32
      %mul3A_151 = arith.muli %scan3A_63, %mul3A_150 : i32
      %add3A_152 = arith.constant 8320 : i32
      %add3A_153 = arith.addi %add3A_152, %mul3A_151 : i32
      %get3A_154 = arith.index_cast %add3A_153 : i32 to index
      %get3A_155 = tpu.vector_load %arg9[%get3A_154] {strides = array<i32>} : memref<10240xf32, #tpu.memory_space<vmem>>, vector<16xf32>,
      %add3A_156 = arith.addf %add3A_149, %get3A_155 : vector<16xf32>
      %mul3A_157 = arith.constant 16 : i32
      %mul3A_158 = arith.muli %scan3A_63, %mul3A_157 : i32
      %add3A_159 = arith.constant 8960 : i32
      %add3A_160 = arith.addi %add3A_159, %mul3A_158 : i32
      %get3A_161 = arith.index_cast %add3A_160 : i32 to index
      %get3A_162 = tpu.vector_load %arg9[%get3A_161] {strides = array<i32>} : memref<10240xf32, #tpu.memory_space<vmem>>, vector<16xf32>,
      %add3A_163 = arith.addf %add3A_156, %get3A_162 : vector<16xf32>
      %mul3A_164 = arith.constant 16 : i32
      %mul3A_165 = arith.muli %scan3A_63, %mul3A_164 : i32
      %add3A_166 = arith.constant 9600 : i32
      %add3A_167 = arith.addi %add3A_166, %mul3A_165 : i32
      %get3A_168 = arith.index_cast %add3A_167 : i32 to index
      %get3A_169 = tpu.vector_load %arg9[%get3A_168] {strides = array<i32>} : memref<10240xf32, #tpu.memory_space<vmem>>, vector<16xf32>,
      %add3A_170 = arith.addf %add3A_163, %get3A_169 : vector<16xf32>
      %mul3A_171 = arith.constant 16 : i32
      %mul3A_172 = arith.muli %scan3A_63, %mul3A_171 : i32
      %swap3A = arith.index_cast %mul3A_172 : i32 to index
      %swap3A_173 = tpu.vector_load %arg10[%swap3A] {strides = array<i32>} : memref<640xf32, #tpu.memory_space<vmem>>, vector<16xf32>,
      tpu.vector_store %arg10[%swap3A], %add3A_170 {strides = array<i32>} : memref<640xf32, #tpu.memory_space<vmem>>, vector<16xf32>,
    }
    %scan3A_60 = arith.constant 40 : i32
    %mul3A_61 = arith.constant 640 : i32
    %mul3A_62 = arith.muli %arg1, %mul3A_61 : i32
    "tpu.region"() ({
      %run_scoped3A_63 = tpu.sem_alloc : memref<!tpu.dma_semaphore, #tpu.memory_space<semaphore_mem>>
      %dma_start3A = tpu.memref_slice %arg5[%arg0, %mul3A_62] : memref<2x10240xf32, #tpu.memory_space<hbm>> -> memref<1x640xf32, #tpu.memory_space<hbm>>
      %dma_start3A_64 = tpu.memref_squeeze %dma_start3A : memref<1x640xf32, #tpu.memory_space<hbm>> -> memref<640xf32, #tpu.memory_space<hbm>>
      %dma_start3A_65 = tpu.memref_slice %arg5[%arg0, %mul3A_62] : memref<2x10240xf32, #tpu.memory_space<hbm>> -> memref<1x640xf32, #tpu.memory_space<hbm>>
      %dma_start3A_66 = tpu.memref_squeeze %dma_start3A_65 : memref<1x640xf32, #tpu.memory_space<hbm>> -> memref<640xf32, #tpu.memory_space<hbm>>
      tpu.enqueue_dma source(%arg10 : memref<640xf32, #tpu.memory_space<vmem>>) target(%dma_start3A_66 : memref<640xf32, #tpu.memory_space<hbm>>) target_semaphore(%run_scoped3A_63 : memref<!tpu.dma_semaphore, #tpu.memory_space<semaphore_mem>>)
      %dma_wait3A = tpu.memref_slice %arg5[%arg0, %mul3A_62] : memref<2x10240xf32, #tpu.memory_space<hbm>> -> memref<1x640xf32, #tpu.memory_space<hbm>>
      %dma_wait3A_67 = tpu.memref_squeeze %dma_wait3A : memref<1x640xf32, #tpu.memory_space<hbm>> -> memref<640xf32, #tpu.memory_space<hbm>>
      %dma_wait3A_68 = tpu.memref_slice %arg5[%arg0, %mul3A_62] : memref<2x10240xf32, #tpu.memory_space<hbm>> -> memref<1x640xf32, #tpu.memory_space<hbm>>
      %dma_wait3A_69 = tpu.memref_squeeze %dma_wait3A_68 : memref<1x640xf32, #tpu.memory_space<hbm>> -> memref<640xf32, #tpu.memory_space<hbm>>
      tpu.wait_dma2 semaphore(%run_scoped3A_63 : memref<!tpu.dma_semaphore, #tpu.memory_space<semaphore_mem>>) src(%arg10 : memref<640xf32, #tpu.memory_space<vmem>>) dst(%dma_wait3A_69 : memref<640xf32, #tpu.memory_space<hbm>>)
      tpu.yield
    }) : () -> ()
    return
  }
}

#map = affine_map<(d0, d1) -> (0, 0)>
#map1 = affine_map<(d0, d1) -> (0, 0, 0)>
#map2 = affine_map<(d0, d1) -> (0, 0, 0, 0)>
module attributes {stable_mosaic.version = 14 : i64} {
  func.func @_sc_spmm_body(%arg0: i32, %arg1: i32, %arg2: memref<10240x128xf32, #tpu.memory_space<hbm>>, %arg3: memref<10240x128xf32, #tpu.memory_space<hbm>>, %arg4: memref<2x16x20480xi32, #tpu.memory_space<hbm>>, %arg5: memref<2x16x160x128xi32, #tpu.memory_space<hbm>>, %arg6: memref<128x128xf32, #tpu.memory_space<hbm>>, %arg7: memref<2x10240x128xf32, #tpu.memory_space<hbm>>, %arg8: memref<5120xi32, #tpu.memory_space<vmem>>, %arg9: memref<40x128xi32, #tpu.memory_space<vmem>>, %arg10: memref<128x128xf32, #tpu.memory_space<vmem>>, %arg11: memref<128x128xf32, #tpu.memory_space<vmem>>, %arg12: memref<10240x128xf32, #tpu.memory_space<vmem_shared>>, %arg13: memref<!tpu.dma_semaphore, #tpu.memory_space<semaphore_mem>>, %arg14: memref<!tpu.dma_semaphore, #tpu.memory_space<semaphore_mem>>) attributes {dimension_semantics = [#tpu.dimension_semantics<core_parallel>, #tpu.dimension_semantics<subcore_parallel>], iteration_bounds = array<i64: 2, 16>, scalar_prefetch = 0 : i64, scratch_operands = 7 : i64, tpu.core_type = #tpu.core_type<sc_vector_subcore>, window_params = [{transform_indices = #map}, {transform_indices = #map}, {transform_indices = #map1}, {transform_indices = #map2}, {transform_indices = #map}, {transform_indices = #map1}]} {
    "tpu.region"() ({
      %run_scoped3A = tpu.sem_alloc : memref<!tpu.dma_semaphore, #tpu.memory_space<semaphore_mem>>
      tpu.enqueue_dma source(%arg6 : memref<128x128xf32, #tpu.memory_space<hbm>>) target(%arg10 : memref<128x128xf32, #tpu.memory_space<vmem>>) target_semaphore(%run_scoped3A : memref<!tpu.dma_semaphore, #tpu.memory_space<semaphore_mem>>)
      tpu.wait_dma2 semaphore(%run_scoped3A : memref<!tpu.dma_semaphore, #tpu.memory_space<semaphore_mem>>) src(%arg6 : memref<128x128xf32, #tpu.memory_space<hbm>>) dst(%arg10 : memref<128x128xf32, #tpu.memory_space<vmem>>)
      tpu.yield
    }) : () -> ()
    %mul3A = arith.constant 640 : i32
    %mul3A_0 = arith.muli %arg1, %mul3A : i32
    %add3A = arith.constant 0 : i32
    %add3A_1 = arith.addi %mul3A_0, %add3A : i32
    "tpu.region"() ({
      %run_scoped3A = tpu.sem_alloc : memref<!tpu.dma_semaphore, #tpu.memory_space<semaphore_mem>>
      %dma_start3A = arith.constant 0 : i32
      %dma_start3A_30 = tpu.memref_slice %arg12[%add3A_1, %dma_start3A] : memref<10240x128xf32, #tpu.memory_space<vmem_shared>> -> memref<128x128xf32, #tpu.memory_space<vmem_shared>>
      %dma_start3A_31 = arith.constant 0 : i32
      %dma_start3A_32 = tpu.memref_slice %arg12[%add3A_1, %dma_start3A_31] : memref<10240x128xf32, #tpu.memory_space<vmem_shared>> -> memref<128x128xf32, #tpu.memory_space<vmem_shared>>
      tpu.enqueue_dma source(%arg10 : memref<128x128xf32, #tpu.memory_space<vmem>>) target(%dma_start3A_32 : memref<128x128xf32, #tpu.memory_space<vmem_shared>>) target_semaphore(%run_scoped3A : memref<!tpu.dma_semaphore, #tpu.memory_space<semaphore_mem>>)
      %dma_wait3A = arith.constant 0 : i32
      %dma_wait3A_33 = tpu.memref_slice %arg12[%add3A_1, %dma_wait3A] : memref<10240x128xf32, #tpu.memory_space<vmem_shared>> -> memref<128x128xf32, #tpu.memory_space<vmem_shared>>
      %dma_wait3A_34 = arith.constant 0 : i32
      %dma_wait3A_35 = tpu.memref_slice %arg12[%add3A_1, %dma_wait3A_34] : memref<10240x128xf32, #tpu.memory_space<vmem_shared>> -> memref<128x128xf32, #tpu.memory_space<vmem_shared>>
      tpu.wait_dma2 semaphore(%run_scoped3A : memref<!tpu.dma_semaphore, #tpu.memory_space<semaphore_mem>>) src(%arg10 : memref<128x128xf32, #tpu.memory_space<vmem>>) dst(%dma_wait3A_35 : memref<128x128xf32, #tpu.memory_space<vmem_shared>>)
      tpu.yield
    }) : () -> ()
    %mul3A_2 = arith.constant 640 : i32
    %mul3A_3 = arith.muli %arg1, %mul3A_2 : i32
    %add3A_4 = arith.constant 128 : i32
    %add3A_5 = arith.addi %mul3A_3, %add3A_4 : i32
    "tpu.region"() ({
      %run_scoped3A = tpu.sem_alloc : memref<!tpu.dma_semaphore, #tpu.memory_space<semaphore_mem>>
      %dma_start3A = arith.constant 0 : i32
      %dma_start3A_30 = tpu.memref_slice %arg12[%add3A_5, %dma_start3A] : memref<10240x128xf32, #tpu.memory_space<vmem_shared>> -> memref<128x128xf32, #tpu.memory_space<vmem_shared>>
      %dma_start3A_31 = arith.constant 0 : i32
      %dma_start3A_32 = tpu.memref_slice %arg12[%add3A_5, %dma_start3A_31] : memref<10240x128xf32, #tpu.memory_space<vmem_shared>> -> memref<128x128xf32, #tpu.memory_space<vmem_shared>>
      tpu.enqueue_dma source(%arg10 : memref<128x128xf32, #tpu.memory_space<vmem>>) target(%dma_start3A_32 : memref<128x128xf32, #tpu.memory_space<vmem_shared>>) target_semaphore(%run_scoped3A : memref<!tpu.dma_semaphore, #tpu.memory_space<semaphore_mem>>)
      %dma_wait3A = arith.constant 0 : i32
      %dma_wait3A_33 = tpu.memref_slice %arg12[%add3A_5, %dma_wait3A] : memref<10240x128xf32, #tpu.memory_space<vmem_shared>> -> memref<128x128xf32, #tpu.memory_space<vmem_shared>>
      %dma_wait3A_34 = arith.constant 0 : i32
      %dma_wait3A_35 = tpu.memref_slice %arg12[%add3A_5, %dma_wait3A_34] : memref<10240x128xf32, #tpu.memory_space<vmem_shared>> -> memref<128x128xf32, #tpu.memory_space<vmem_shared>>
      tpu.wait_dma2 semaphore(%run_scoped3A : memref<!tpu.dma_semaphore, #tpu.memory_space<semaphore_mem>>) src(%arg10 : memref<128x128xf32, #tpu.memory_space<vmem>>) dst(%dma_wait3A_35 : memref<128x128xf32, #tpu.memory_space<vmem_shared>>)
      tpu.yield
    }) : () -> ()
    %mul3A_6 = arith.constant 640 : i32
    %mul3A_7 = arith.muli %arg1, %mul3A_6 : i32
    %add3A_8 = arith.constant 256 : i32
    %add3A_9 = arith.addi %mul3A_7, %add3A_8 : i32
    "tpu.region"() ({
      %run_scoped3A = tpu.sem_alloc : memref<!tpu.dma_semaphore, #tpu.memory_space<semaphore_mem>>
      %dma_start3A = arith.constant 0 : i32
      %dma_start3A_30 = tpu.memref_slice %arg12[%add3A_9, %dma_start3A] : memref<10240x128xf32, #tpu.memory_space<vmem_shared>> -> memref<128x128xf32, #tpu.memory_space<vmem_shared>>
      %dma_start3A_31 = arith.constant 0 : i32
      %dma_start3A_32 = tpu.memref_slice %arg12[%add3A_9, %dma_start3A_31] : memref<10240x128xf32, #tpu.memory_space<vmem_shared>> -> memref<128x128xf32, #tpu.memory_space<vmem_shared>>
      tpu.enqueue_dma source(%arg10 : memref<128x128xf32, #tpu.memory_space<vmem>>) target(%dma_start3A_32 : memref<128x128xf32, #tpu.memory_space<vmem_shared>>) target_semaphore(%run_scoped3A : memref<!tpu.dma_semaphore, #tpu.memory_space<semaphore_mem>>)
      %dma_wait3A = arith.constant 0 : i32
      %dma_wait3A_33 = tpu.memref_slice %arg12[%add3A_9, %dma_wait3A] : memref<10240x128xf32, #tpu.memory_space<vmem_shared>> -> memref<128x128xf32, #tpu.memory_space<vmem_shared>>
      %dma_wait3A_34 = arith.constant 0 : i32
      %dma_wait3A_35 = tpu.memref_slice %arg12[%add3A_9, %dma_wait3A_34] : memref<10240x128xf32, #tpu.memory_space<vmem_shared>> -> memref<128x128xf32, #tpu.memory_space<vmem_shared>>
      tpu.wait_dma2 semaphore(%run_scoped3A : memref<!tpu.dma_semaphore, #tpu.memory_space<semaphore_mem>>) src(%arg10 : memref<128x128xf32, #tpu.memory_space<vmem>>) dst(%dma_wait3A_35 : memref<128x128xf32, #tpu.memory_space<vmem_shared>>)
      tpu.yield
    }) : () -> ()
    %mul3A_10 = arith.constant 640 : i32
    %mul3A_11 = arith.muli %arg1, %mul3A_10 : i32
    %add3A_12 = arith.constant 384 : i32
    %add3A_13 = arith.addi %mul3A_11, %add3A_12 : i32
    "tpu.region"() ({
      %run_scoped3A = tpu.sem_alloc : memref<!tpu.dma_semaphore, #tpu.memory_space<semaphore_mem>>
      %dma_start3A = arith.constant 0 : i32
      %dma_start3A_30 = tpu.memref_slice %arg12[%add3A_13, %dma_start3A] : memref<10240x128xf32, #tpu.memory_space<vmem_shared>> -> memref<128x128xf32, #tpu.memory_space<vmem_shared>>
      %dma_start3A_31 = arith.constant 0 : i32
      %dma_start3A_32 = tpu.memref_slice %arg12[%add3A_13, %dma_start3A_31] : memref<10240x128xf32, #tpu.memory_space<vmem_shared>> -> memref<128x128xf32, #tpu.memory_space<vmem_shared>>
      tpu.enqueue_dma source(%arg10 : memref<128x128xf32, #tpu.memory_space<vmem>>) target(%dma_start3A_32 : memref<128x128xf32, #tpu.memory_space<vmem_shared>>) target_semaphore(%run_scoped3A : memref<!tpu.dma_semaphore, #tpu.memory_space<semaphore_mem>>)
      %dma_wait3A = arith.constant 0 : i32
      %dma_wait3A_33 = tpu.memref_slice %arg12[%add3A_13, %dma_wait3A] : memref<10240x128xf32, #tpu.memory_space<vmem_shared>> -> memref<128x128xf32, #tpu.memory_space<vmem_shared>>
      %dma_wait3A_34 = arith.constant 0 : i32
      %dma_wait3A_35 = tpu.memref_slice %arg12[%add3A_13, %dma_wait3A_34] : memref<10240x128xf32, #tpu.memory_space<vmem_shared>> -> memref<128x128xf32, #tpu.memory_space<vmem_shared>>
      tpu.wait_dma2 semaphore(%run_scoped3A : memref<!tpu.dma_semaphore, #tpu.memory_space<semaphore_mem>>) src(%arg10 : memref<128x128xf32, #tpu.memory_space<vmem>>) dst(%dma_wait3A_35 : memref<128x128xf32, #tpu.memory_space<vmem_shared>>)
      tpu.yield
    }) : () -> ()
    %mul3A_14 = arith.constant 640 : i32
    %mul3A_15 = arith.muli %arg1, %mul3A_14 : i32
    %add3A_16 = arith.constant 512 : i32
    %add3A_17 = arith.addi %mul3A_15, %add3A_16 : i32
    "tpu.region"() ({
      %run_scoped3A = tpu.sem_alloc : memref<!tpu.dma_semaphore, #tpu.memory_space<semaphore_mem>>
      %dma_start3A = arith.constant 0 : i32
      %dma_start3A_30 = tpu.memref_slice %arg12[%add3A_17, %dma_start3A] : memref<10240x128xf32, #tpu.memory_space<vmem_shared>> -> memref<128x128xf32, #tpu.memory_space<vmem_shared>>
      %dma_start3A_31 = arith.constant 0 : i32
      %dma_start3A_32 = tpu.memref_slice %arg12[%add3A_17, %dma_start3A_31] : memref<10240x128xf32, #tpu.memory_space<vmem_shared>> -> memref<128x128xf32, #tpu.memory_space<vmem_shared>>
      tpu.enqueue_dma source(%arg10 : memref<128x128xf32, #tpu.memory_space<vmem>>) target(%dma_start3A_32 : memref<128x128xf32, #tpu.memory_space<vmem_shared>>) target_semaphore(%run_scoped3A : memref<!tpu.dma_semaphore, #tpu.memory_space<semaphore_mem>>)
      %dma_wait3A = arith.constant 0 : i32
      %dma_wait3A_33 = tpu.memref_slice %arg12[%add3A_17, %dma_wait3A] : memref<10240x128xf32, #tpu.memory_space<vmem_shared>> -> memref<128x128xf32, #tpu.memory_space<vmem_shared>>
      %dma_wait3A_34 = arith.constant 0 : i32
      %dma_wait3A_35 = tpu.memref_slice %arg12[%add3A_17, %dma_wait3A_34] : memref<10240x128xf32, #tpu.memory_space<vmem_shared>> -> memref<128x128xf32, #tpu.memory_space<vmem_shared>>
      tpu.wait_dma2 semaphore(%run_scoped3A : memref<!tpu.dma_semaphore, #tpu.memory_space<semaphore_mem>>) src(%arg10 : memref<128x128xf32, #tpu.memory_space<vmem>>) dst(%dma_wait3A_35 : memref<128x128xf32, #tpu.memory_space<vmem_shared>>)
      tpu.yield
    }) : () -> ()
    %barrier3A = arith.constant 0 : index
    tpu.barrier barrier_id(%barrier3A)
    %eq3A = arith.constant 0 : i32
    %eq3A_18 = arith.cmpi eq, %arg0, %eq3A : i32
    %convert_element_type3A = arith.extui %eq3A_18 : i1 to i32
    %cond3A = arith.constant 0 : i32
    %cond3A_19 = arith.cmpi ne, %convert_element_type3A, %cond3A : i32
    scf.if %cond3A_19 {
      %scan3A = arith.constant 0 : i32
      %scan3A_30 = arith.constant 0 : i32
      %scan3A_31 = arith.constant 4 : i32
      %scan3A_32 = arith.addi %scan3A_30, %scan3A_31 : i32
      %scan3A_33 = arith.constant 1 : i32
      scf.for %scan3A_35 = %scan3A_30 to %scan3A_32 step %scan3A_33  : i32 {
        %mul3A_36 = arith.constant 40 : i32
        %mul3A_37 = arith.muli %scan3A_35, %mul3A_36 : i32
        %mul3A_38 = arith.constant 128 : i32
        %mul3A_39 = arith.muli %mul3A_37, %mul3A_38 : i32
        "tpu.region"() ({
          %run_scoped3A = tpu.sem_alloc : memref<!tpu.dma_semaphore, #tpu.memory_space<semaphore_mem>>
          %dma_start3A_79 = tpu.memref_slice %arg4[%arg0, %arg1, %mul3A_39] : memref<2x16x20480xi32, #tpu.memory_space<hbm>> -> memref<1x1x5120xi32, #tpu.memory_space<hbm>>
          %dma_start3A_80 = tpu.memref_squeeze %dma_start3A_79 : memref<1x1x5120xi32, #tpu.memory_space<hbm>> -> memref<5120xi32, #tpu.memory_space<hbm>>
          %dma_start3A_81 = tpu.memref_slice %arg4[%arg0, %arg1, %mul3A_39] : memref<2x16x20480xi32, #tpu.memory_space<hbm>> -> memref<1x1x5120xi32, #tpu.memory_space<hbm>>
          %dma_start3A_82 = tpu.memref_squeeze %dma_start3A_81 : memref<1x1x5120xi32, #tpu.memory_space<hbm>> -> memref<5120xi32, #tpu.memory_space<hbm>>
          tpu.enqueue_dma source(%dma_start3A_82 : memref<5120xi32, #tpu.memory_space<hbm>>) target(%arg8 : memref<5120xi32, #tpu.memory_space<vmem>>) target_semaphore(%run_scoped3A : memref<!tpu.dma_semaphore, #tpu.memory_space<semaphore_mem>>)
          %dma_wait3A = tpu.memref_slice %arg4[%arg0, %arg1, %mul3A_39] : memref<2x16x20480xi32, #tpu.memory_space<hbm>> -> memref<1x1x5120xi32, #tpu.memory_space<hbm>>
          %dma_wait3A_83 = tpu.memref_squeeze %dma_wait3A : memref<1x1x5120xi32, #tpu.memory_space<hbm>> -> memref<5120xi32, #tpu.memory_space<hbm>>
          %dma_wait3A_84 = tpu.memref_slice %arg4[%arg0, %arg1, %mul3A_39] : memref<2x16x20480xi32, #tpu.memory_space<hbm>> -> memref<1x1x5120xi32, #tpu.memory_space<hbm>>
          %dma_wait3A_85 = tpu.memref_squeeze %dma_wait3A_84 : memref<1x1x5120xi32, #tpu.memory_space<hbm>> -> memref<5120xi32, #tpu.memory_space<hbm>>
          tpu.wait_dma2 semaphore(%run_scoped3A : memref<!tpu.dma_semaphore, #tpu.memory_space<semaphore_mem>>) src(%dma_wait3A_85 : memref<5120xi32, #tpu.memory_space<hbm>>) dst(%arg8 : memref<5120xi32, #tpu.memory_space<vmem>>)
          tpu.yield
        }) : () -> ()
        %mul3A_40 = arith.constant 40 : i32
        %mul3A_41 = arith.muli %scan3A_35, %mul3A_40 : i32
        "tpu.region"() ({
          %run_scoped3A = tpu.sem_alloc : memref<!tpu.dma_semaphore, #tpu.memory_space<semaphore_mem>>
          %dma_start3A_79 = arith.constant 0 : i32
          %dma_start3A_80 = tpu.memref_slice %arg5[%arg0, %arg1, %mul3A_41, %dma_start3A_79] : memref<2x16x160x128xi32, #tpu.memory_space<hbm>> -> memref<1x1x40x128xi32, #tpu.memory_space<hbm>>
          %dma_start3A_81 = tpu.memref_squeeze %dma_start3A_80 : memref<1x1x40x128xi32, #tpu.memory_space<hbm>> -> memref<40x128xi32, #tpu.memory_space<hbm>>
          %dma_start3A_82 = arith.constant 0 : i32
          %dma_start3A_83 = tpu.memref_slice %arg5[%arg0, %arg1, %mul3A_41, %dma_start3A_82] : memref<2x16x160x128xi32, #tpu.memory_space<hbm>> -> memref<1x1x40x128xi32, #tpu.memory_space<hbm>>
          %dma_start3A_84 = tpu.memref_squeeze %dma_start3A_83 : memref<1x1x40x128xi32, #tpu.memory_space<hbm>> -> memref<40x128xi32, #tpu.memory_space<hbm>>
          tpu.enqueue_dma source(%dma_start3A_84 : memref<40x128xi32, #tpu.memory_space<hbm>>) target(%arg9 : memref<40x128xi32, #tpu.memory_space<vmem>>) target_semaphore(%run_scoped3A : memref<!tpu.dma_semaphore, #tpu.memory_space<semaphore_mem>>)
          %dma_wait3A = arith.constant 0 : i32
          %dma_wait3A_85 = tpu.memref_slice %arg5[%arg0, %arg1, %mul3A_41, %dma_wait3A] : memref<2x16x160x128xi32, #tpu.memory_space<hbm>> -> memref<1x1x40x128xi32, #tpu.memory_space<hbm>>
          %dma_wait3A_86 = tpu.memref_squeeze %dma_wait3A_85 : memref<1x1x40x128xi32, #tpu.memory_space<hbm>> -> memref<40x128xi32, #tpu.memory_space<hbm>>
          %dma_wait3A_87 = arith.constant 0 : i32
          %dma_wait3A_88 = tpu.memref_slice %arg5[%arg0, %arg1, %mul3A_41, %dma_wait3A_87] : memref<2x16x160x128xi32, #tpu.memory_space<hbm>> -> memref<1x1x40x128xi32, #tpu.memory_space<hbm>>
          %dma_wait3A_89 = tpu.memref_squeeze %dma_wait3A_88 : memref<1x1x40x128xi32, #tpu.memory_space<hbm>> -> memref<40x128xi32, #tpu.memory_space<hbm>>
          tpu.wait_dma2 semaphore(%run_scoped3A : memref<!tpu.dma_semaphore, #tpu.memory_space<semaphore_mem>>) src(%dma_wait3A_89 : memref<40x128xi32, #tpu.memory_space<hbm>>) dst(%arg9 : memref<40x128xi32, #tpu.memory_space<vmem>>)
          tpu.yield
        }) : () -> ()
        %dma_start3A = arith.constant 0 : i32
        %dma_start3A_42 = arith.constant 0 : i32
        %dma_start3A_43 = tpu.memref_slice %arg10[%dma_start3A, %dma_start3A_42] : memref<128x128xf32, #tpu.memory_space<vmem>> -> memref<64x128xf32, #tpu.memory_space<vmem>>
        %dma_start3A_44 = arith.constant 0 : i32
        %dma_start3A_45 = tpu.memref_slice %arg8[%dma_start3A_44] : memref<5120xi32, #tpu.memory_space<vmem>> -> memref<64xi32, #tpu.memory_space<vmem>>
        %dma_start3A_46 = arith.constant 0 : i32
        %dma_start3A_47 = arith.constant 0 : i32
        %dma_start3A_48 = tpu.memref_slice %arg2[%dma_start3A_46, %dma_start3A_47] : memref<10240x128xf32, #tpu.memory_space<hbm>> -> memref<10240x128xf32, #tpu.memory_space<hbm>>
        tpu.enqueue_indirect_dma source(%dma_start3A_48 : memref<10240x128xf32, #tpu.memory_space<hbm>>) target(%dma_start3A_43 : memref<64x128xf32, #tpu.memory_space<vmem>>) offsets(%dma_start3A_45 : memref<64xi32, #tpu.memory_space<vmem>>) semaphore(%arg13 : memref<!tpu.dma_semaphore, #tpu.memory_space<semaphore_mem>>)
        %dma_start3A_49 = arith.constant 64 : i32
        %dma_start3A_50 = arith.constant 0 : i32
        %dma_start3A_51 = tpu.memref_slice %arg10[%dma_start3A_49, %dma_start3A_50] : memref<128x128xf32, #tpu.memory_space<vmem>> -> memref<64x128xf32, #tpu.memory_space<vmem>>
        %dma_start3A_52 = arith.constant 64 : i32
        %dma_start3A_53 = tpu.memref_slice %arg8[%dma_start3A_52] : memref<5120xi32, #tpu.memory_space<vmem>> -> memref<64xi32, #tpu.memory_space<vmem>>
        %dma_start3A_54 = arith.constant 0 : i32
        %dma_start3A_55 = arith.constant 0 : i32
        %dma_start3A_56 = tpu.memref_slice %arg2[%dma_start3A_54, %dma_start3A_55] : memref<10240x128xf32, #tpu.memory_space<hbm>> -> memref<10240x128xf32, #tpu.memory_space<hbm>>
        tpu.enqueue_indirect_dma source(%dma_start3A_56 : memref<10240x128xf32, #tpu.memory_space<hbm>>) target(%dma_start3A_51 : memref<64x128xf32, #tpu.memory_space<vmem>>) offsets(%dma_start3A_53 : memref<64xi32, #tpu.memory_space<vmem>>) semaphore(%arg13 : memref<!tpu.dma_semaphore, #tpu.memory_space<semaphore_mem>>)
        %dma_start3A_57 = arith.constant 0 : i32
        %dma_start3A_58 = arith.constant 0 : i32
        %dma_start3A_59 = tpu.memref_slice %arg11[%dma_start3A_57, %dma_start3A_58] : memref<128x128xf32, #tpu.memory_space<vmem>> -> memref<64x128xf32, #tpu.memory_space<vmem>>
        %dma_start3A_60 = arith.constant 128 : i32
        %dma_start3A_61 = tpu.memref_slice %arg8[%dma_start3A_60] : memref<5120xi32, #tpu.memory_space<vmem>> -> memref<64xi32, #tpu.memory_space<vmem>>
        %dma_start3A_62 = arith.constant 0 : i32
        %dma_start3A_63 = arith.constant 0 : i32
        %dma_start3A_64 = tpu.memref_slice %arg2[%dma_start3A_62, %dma_start3A_63] : memref<10240x128xf32, #tpu.memory_space<hbm>> -> memref<10240x128xf32, #tpu.memory_space<hbm>>
        tpu.enqueue_indirect_dma source(%dma_start3A_64 : memref<10240x128xf32, #tpu.memory_space<hbm>>) target(%dma_start3A_59 : memref<64x128xf32, #tpu.memory_space<vmem>>) offsets(%dma_start3A_61 : memref<64xi32, #tpu.memory_space<vmem>>) semaphore(%arg14 : memref<!tpu.dma_semaphore, #tpu.memory_space<semaphore_mem>>)
        %dma_start3A_65 = arith.constant 64 : i32
        %dma_start3A_66 = arith.constant 0 : i32
        %dma_start3A_67 = tpu.memref_slice %arg11[%dma_start3A_65, %dma_start3A_66] : memref<128x128xf32, #tpu.memory_space<vmem>> -> memref<64x128xf32, #tpu.memory_space<vmem>>
        %dma_start3A_68 = arith.constant 192 : i32
        %dma_start3A_69 = tpu.memref_slice %arg8[%dma_start3A_68] : memref<5120xi32, #tpu.memory_space<vmem>> -> memref<64xi32, #tpu.memory_space<vmem>>
        %dma_start3A_70 = arith.constant 0 : i32
        %dma_start3A_71 = arith.constant 0 : i32
        %dma_start3A_72 = tpu.memref_slice %arg2[%dma_start3A_70, %dma_start3A_71] : memref<10240x128xf32, #tpu.memory_space<hbm>> -> memref<10240x128xf32, #tpu.memory_space<hbm>>
        tpu.enqueue_indirect_dma source(%dma_start3A_72 : memref<10240x128xf32, #tpu.memory_space<hbm>>) target(%dma_start3A_67 : memref<64x128xf32, #tpu.memory_space<vmem>>) offsets(%dma_start3A_69 : memref<64xi32, #tpu.memory_space<vmem>>) semaphore(%arg14 : memref<!tpu.dma_semaphore, #tpu.memory_space<semaphore_mem>>)
        %scan3A_73 = arith.constant 0 : i32
        %scan3A_74 = arith.constant 0 : i32
        %scan3A_75 = arith.constant 20 : i32
        %scan3A_76 = arith.addi %scan3A_74, %scan3A_75 : i32
        %scan3A_77 = arith.constant 1 : i32
        scf.for %scan3A_79 = %scan3A_74 to %scan3A_76 step %scan3A_77  : i32 {
          %mul3A_80 = arith.constant 2 : i32
          %mul3A_81 = arith.muli %mul3A_80, %scan3A_79 : i32
          %dma_wait3A = arith.constant 0 : i32
          %dma_wait3A_82 = tpu.memref_slice %arg8[%dma_wait3A] : memref<5120xi32, #tpu.memory_space<vmem>> -> memref<128xi32, #tpu.memory_space<vmem>>
          %dma_wait3A_83 = arith.constant 0 : i32
          %dma_wait3A_84 = arith.constant 0 : i32
          %dma_wait3A_85 = tpu.memref_slice %arg2[%dma_wait3A_83, %dma_wait3A_84] : memref<10240x128xf32, #tpu.memory_space<hbm>> -> memref<10240x128xf32, #tpu.memory_space<hbm>>
          tpu.wait_indirect_dma semaphore(%arg13 : memref<!tpu.dma_semaphore, #tpu.memory_space<semaphore_mem>>) src(%dma_wait3A_85 : memref<10240x128xf32, #tpu.memory_space<hbm>>) dst(%arg10 : memref<128x128xf32, #tpu.memory_space<vmem>>)
          "tpu.region"() ({
            %run_scoped3A = tpu.sem_alloc : memref<!tpu.dma_semaphore, #tpu.memory_space<semaphore_mem>>
            %dma_start3A_106 = arith.constant 0 : i32
            %dma_start3A_107 = tpu.memref_slice %arg9[%mul3A_81, %dma_start3A_106] : memref<40x128xi32, #tpu.memory_space<vmem>> -> memref<1x128xi32, #tpu.memory_space<vmem>>
            %dma_start3A_108 = tpu.memref_squeeze %dma_start3A_107 : memref<1x128xi32, #tpu.memory_space<vmem>> -> memref<128xi32, #tpu.memory_space<vmem>>
            %dma_start3A_109 = arith.constant 0 : i32
            %dma_start3A_110 = arith.constant 0 : i32
            %dma_start3A_111 = tpu.memref_slice %arg12[%dma_start3A_109, %dma_start3A_110] : memref<10240x128xf32, #tpu.memory_space<vmem_shared>> -> memref<10240x128xf32, #tpu.memory_space<vmem_shared>>
            tpu.enqueue_indirect_dma source(%arg10 : memref<128x128xf32, #tpu.memory_space<vmem>>) target(%dma_start3A_111 : memref<10240x128xf32, #tpu.memory_space<vmem_shared>>) offsets(%dma_start3A_108 : memref<128xi32, #tpu.memory_space<vmem>>) semaphore(%run_scoped3A : memref<!tpu.dma_semaphore, #tpu.memory_space<semaphore_mem>>) {add = true}
            %dma_wait3A_112 = arith.constant 0 : i32
            %dma_wait3A_113 = tpu.memref_slice %arg9[%mul3A_81, %dma_wait3A_112] : memref<40x128xi32, #tpu.memory_space<vmem>> -> memref<1x128xi32, #tpu.memory_space<vmem>>
            %dma_wait3A_114 = tpu.memref_squeeze %dma_wait3A_113 : memref<1x128xi32, #tpu.memory_space<vmem>> -> memref<128xi32, #tpu.memory_space<vmem>>
            %dma_wait3A_115 = arith.constant 0 : i32
            %dma_wait3A_116 = arith.constant 0 : i32
            %dma_wait3A_117 = tpu.memref_slice %arg12[%dma_wait3A_115, %dma_wait3A_116] : memref<10240x128xf32, #tpu.memory_space<vmem_shared>> -> memref<10240x128xf32, #tpu.memory_space<vmem_shared>>
            tpu.wait_indirect_dma semaphore(%run_scoped3A : memref<!tpu.dma_semaphore, #tpu.memory_space<semaphore_mem>>) src(%arg10 : memref<128x128xf32, #tpu.memory_space<vmem>>) dst(%dma_wait3A_117 : memref<10240x128xf32, #tpu.memory_space<vmem_shared>>)
            tpu.yield
          }) : () -> ()
          %add3A_86 = arith.constant 2 : i32
          %add3A_87 = arith.addi %mul3A_81, %add3A_86 : i32
          %lt3A = arith.constant 40 : i32
          %lt3A_88 = arith.cmpi slt, %add3A_87, %lt3A : i32
          %convert_element_type3A_89 = arith.extui %lt3A_88 : i1 to i32
          %cond3A_90 = arith.constant 0 : i32
          %cond3A_91 = arith.cmpi ne, %convert_element_type3A_89, %cond3A_90 : i32
          scf.if %cond3A_91 {
            %add3A_106 = arith.constant 2 : i32
            %add3A_107 = arith.addi %mul3A_81, %add3A_106 : i32
            %mul3A_108 = arith.constant 128 : i32
            %mul3A_109 = arith.muli %add3A_107, %mul3A_108 : i32
            %dma_start3A_110 = arith.constant 0 : i32
            %dma_start3A_111 = arith.constant 0 : i32
            %dma_start3A_112 = tpu.memref_slice %arg10[%dma_start3A_110, %dma_start3A_111] : memref<128x128xf32, #tpu.memory_space<vmem>> -> memref<64x128xf32, #tpu.memory_space<vmem>>
            %dma_start3A_113 = tpu.memref_slice %arg8[%mul3A_109] : memref<5120xi32, #tpu.memory_space<vmem>> -> memref<64xi32, #tpu.memory_space<vmem>>
            %dma_start3A_114 = arith.constant 0 : i32
            %dma_start3A_115 = arith.constant 0 : i32
            %dma_start3A_116 = tpu.memref_slice %arg2[%dma_start3A_114, %dma_start3A_115] : memref<10240x128xf32, #tpu.memory_space<hbm>> -> memref<10240x128xf32, #tpu.memory_space<hbm>>
            tpu.enqueue_indirect_dma source(%dma_start3A_116 : memref<10240x128xf32, #tpu.memory_space<hbm>>) target(%dma_start3A_112 : memref<64x128xf32, #tpu.memory_space<vmem>>) offsets(%dma_start3A_113 : memref<64xi32, #tpu.memory_space<vmem>>) semaphore(%arg13 : memref<!tpu.dma_semaphore, #tpu.memory_space<semaphore_mem>>)
            %mul3A_117 = arith.constant 128 : i32
            %mul3A_118 = arith.muli %add3A_107, %mul3A_117 : i32
            %add3A_119 = arith.constant 64 : i32
            %add3A_120 = arith.addi %mul3A_118, %add3A_119 : i32
            %dma_start3A_121 = arith.constant 64 : i32
            %dma_start3A_122 = arith.constant 0 : i32
            %dma_start3A_123 = tpu.memref_slice %arg10[%dma_start3A_121, %dma_start3A_122] : memref<128x128xf32, #tpu.memory_space<vmem>> -> memref<64x128xf32, #tpu.memory_space<vmem>>
            %dma_start3A_124 = tpu.memref_slice %arg8[%add3A_120] : memref<5120xi32, #tpu.memory_space<vmem>> -> memref<64xi32, #tpu.memory_space<vmem>>
            %dma_start3A_125 = arith.constant 0 : i32
            %dma_start3A_126 = arith.constant 0 : i32
            %dma_start3A_127 = tpu.memref_slice %arg2[%dma_start3A_125, %dma_start3A_126] : memref<10240x128xf32, #tpu.memory_space<hbm>> -> memref<10240x128xf32, #tpu.memory_space<hbm>>
            tpu.enqueue_indirect_dma source(%dma_start3A_127 : memref<10240x128xf32, #tpu.memory_space<hbm>>) target(%dma_start3A_123 : memref<64x128xf32, #tpu.memory_space<vmem>>) offsets(%dma_start3A_124 : memref<64xi32, #tpu.memory_space<vmem>>) semaphore(%arg13 : memref<!tpu.dma_semaphore, #tpu.memory_space<semaphore_mem>>)
          } else {
          }
          %dma_wait3A_92 = arith.constant 0 : i32
          %dma_wait3A_93 = tpu.memref_slice %arg8[%dma_wait3A_92] : memref<5120xi32, #tpu.memory_space<vmem>> -> memref<128xi32, #tpu.memory_space<vmem>>
          %dma_wait3A_94 = arith.constant 0 : i32
          %dma_wait3A_95 = arith.constant 0 : i32
          %dma_wait3A_96 = tpu.memref_slice %arg2[%dma_wait3A_94, %dma_wait3A_95] : memref<10240x128xf32, #tpu.memory_space<hbm>> -> memref<10240x128xf32, #tpu.memory_space<hbm>>
          tpu.wait_indirect_dma semaphore(%arg14 : memref<!tpu.dma_semaphore, #tpu.memory_space<semaphore_mem>>) src(%dma_wait3A_96 : memref<10240x128xf32, #tpu.memory_space<hbm>>) dst(%arg11 : memref<128x128xf32, #tpu.memory_space<vmem>>)
          %add3A_97 = arith.constant 1 : i32
          %add3A_98 = arith.addi %mul3A_81, %add3A_97 : i32
          "tpu.region"() ({
            %run_scoped3A = tpu.sem_alloc : memref<!tpu.dma_semaphore, #tpu.memory_space<semaphore_mem>>
            %dma_start3A_106 = arith.constant 0 : i32
            %dma_start3A_107 = tpu.memref_slice %arg9[%add3A_98, %dma_start3A_106] : memref<40x128xi32, #tpu.memory_space<vmem>> -> memref<1x128xi32, #tpu.memory_space<vmem>>
            %dma_start3A_108 = tpu.memref_squeeze %dma_start3A_107 : memref<1x128xi32, #tpu.memory_space<vmem>> -> memref<128xi32, #tpu.memory_space<vmem>>
            %dma_start3A_109 = arith.constant 0 : i32
            %dma_start3A_110 = arith.constant 0 : i32
            %dma_start3A_111 = tpu.memref_slice %arg12[%dma_start3A_109, %dma_start3A_110] : memref<10240x128xf32, #tpu.memory_space<vmem_shared>> -> memref<10240x128xf32, #tpu.memory_space<vmem_shared>>
            tpu.enqueue_indirect_dma source(%arg11 : memref<128x128xf32, #tpu.memory_space<vmem>>) target(%dma_start3A_111 : memref<10240x128xf32, #tpu.memory_space<vmem_shared>>) offsets(%dma_start3A_108 : memref<128xi32, #tpu.memory_space<vmem>>) semaphore(%run_scoped3A : memref<!tpu.dma_semaphore, #tpu.memory_space<semaphore_mem>>) {add = true}
            %dma_wait3A_112 = arith.constant 0 : i32
            %dma_wait3A_113 = tpu.memref_slice %arg9[%add3A_98, %dma_wait3A_112] : memref<40x128xi32, #tpu.memory_space<vmem>> -> memref<1x128xi32, #tpu.memory_space<vmem>>
            %dma_wait3A_114 = tpu.memref_squeeze %dma_wait3A_113 : memref<1x128xi32, #tpu.memory_space<vmem>> -> memref<128xi32, #tpu.memory_space<vmem>>
            %dma_wait3A_115 = arith.constant 0 : i32
            %dma_wait3A_116 = arith.constant 0 : i32
            %dma_wait3A_117 = tpu.memref_slice %arg12[%dma_wait3A_115, %dma_wait3A_116] : memref<10240x128xf32, #tpu.memory_space<vmem_shared>> -> memref<10240x128xf32, #tpu.memory_space<vmem_shared>>
            tpu.wait_indirect_dma semaphore(%run_scoped3A : memref<!tpu.dma_semaphore, #tpu.memory_space<semaphore_mem>>) src(%arg11 : memref<128x128xf32, #tpu.memory_space<vmem>>) dst(%dma_wait3A_117 : memref<10240x128xf32, #tpu.memory_space<vmem_shared>>)
            tpu.yield
          }) : () -> ()
          %add3A_99 = arith.constant 3 : i32
          %add3A_100 = arith.addi %mul3A_81, %add3A_99 : i32
          %lt3A_101 = arith.constant 40 : i32
          %lt3A_102 = arith.cmpi slt, %add3A_100, %lt3A_101 : i32
          %convert_element_type3A_103 = arith.extui %lt3A_102 : i1 to i32
          %cond3A_104 = arith.constant 0 : i32
          %cond3A_105 = arith.cmpi ne, %convert_element_type3A_103, %cond3A_104 : i32
          scf.if %cond3A_105 {
            %add3A_106 = arith.constant 3 : i32
            %add3A_107 = arith.addi %mul3A_81, %add3A_106 : i32
            %mul3A_108 = arith.constant 128 : i32
            %mul3A_109 = arith.muli %add3A_107, %mul3A_108 : i32
            %dma_start3A_110 = arith.constant 0 : i32
            %dma_start3A_111 = arith.constant 0 : i32
            %dma_start3A_112 = tpu.memref_slice %arg11[%dma_start3A_110, %dma_start3A_111] : memref<128x128xf32, #tpu.memory_space<vmem>> -> memref<64x128xf32, #tpu.memory_space<vmem>>
            %dma_start3A_113 = tpu.memref_slice %arg8[%mul3A_109] : memref<5120xi32, #tpu.memory_space<vmem>> -> memref<64xi32, #tpu.memory_space<vmem>>
            %dma_start3A_114 = arith.constant 0 : i32
            %dma_start3A_115 = arith.constant 0 : i32
            %dma_start3A_116 = tpu.memref_slice %arg2[%dma_start3A_114, %dma_start3A_115] : memref<10240x128xf32, #tpu.memory_space<hbm>> -> memref<10240x128xf32, #tpu.memory_space<hbm>>
            tpu.enqueue_indirect_dma source(%dma_start3A_116 : memref<10240x128xf32, #tpu.memory_space<hbm>>) target(%dma_start3A_112 : memref<64x128xf32, #tpu.memory_space<vmem>>) offsets(%dma_start3A_113 : memref<64xi32, #tpu.memory_space<vmem>>) semaphore(%arg14 : memref<!tpu.dma_semaphore, #tpu.memory_space<semaphore_mem>>)
            %mul3A_117 = arith.constant 128 : i32
            %mul3A_118 = arith.muli %add3A_107, %mul3A_117 : i32
            %add3A_119 = arith.constant 64 : i32
            %add3A_120 = arith.addi %mul3A_118, %add3A_119 : i32
            %dma_start3A_121 = arith.constant 64 : i32
            %dma_start3A_122 = arith.constant 0 : i32
            %dma_start3A_123 = tpu.memref_slice %arg11[%dma_start3A_121, %dma_start3A_122] : memref<128x128xf32, #tpu.memory_space<vmem>> -> memref<64x128xf32, #tpu.memory_space<vmem>>
            %dma_start3A_124 = tpu.memref_slice %arg8[%add3A_120] : memref<5120xi32, #tpu.memory_space<vmem>> -> memref<64xi32, #tpu.memory_space<vmem>>
            %dma_start3A_125 = arith.constant 0 : i32
            %dma_start3A_126 = arith.constant 0 : i32
            %dma_start3A_127 = tpu.memref_slice %arg2[%dma_start3A_125, %dma_start3A_126] : memref<10240x128xf32, #tpu.memory_space<hbm>> -> memref<10240x128xf32, #tpu.memory_space<hbm>>
            tpu.enqueue_indirect_dma source(%dma_start3A_127 : memref<10240x128xf32, #tpu.memory_space<hbm>>) target(%dma_start3A_123 : memref<64x128xf32, #tpu.memory_space<vmem>>) offsets(%dma_start3A_124 : memref<64xi32, #tpu.memory_space<vmem>>) semaphore(%arg14 : memref<!tpu.dma_semaphore, #tpu.memory_space<semaphore_mem>>)
          } else {
          }
        }
        %scan3A_78 = arith.constant 20 : i32
      }
      %scan3A_34 = arith.constant 4 : i32
    } else {
    }
    %eq3A_20 = arith.constant 1 : i32
    %eq3A_21 = arith.cmpi eq, %arg0, %eq3A_20 : i32
    %convert_element_type3A_22 = arith.extui %eq3A_21 : i1 to i32
    %cond3A_23 = arith.constant 0 : i32
    %cond3A_24 = arith.cmpi ne, %convert_element_type3A_22, %cond3A_23 : i32
    scf.if %cond3A_24 {
      %scan3A = arith.constant 0 : i32
      %scan3A_30 = arith.constant 0 : i32
      %scan3A_31 = arith.constant 4 : i32
      %scan3A_32 = arith.addi %scan3A_30, %scan3A_31 : i32
      %scan3A_33 = arith.constant 1 : i32
      scf.for %scan3A_35 = %scan3A_30 to %scan3A_32 step %scan3A_33  : i32 {
        %mul3A_36 = arith.constant 40 : i32
        %mul3A_37 = arith.muli %scan3A_35, %mul3A_36 : i32
        %mul3A_38 = arith.constant 128 : i32
        %mul3A_39 = arith.muli %mul3A_37, %mul3A_38 : i32
        "tpu.region"() ({
          %run_scoped3A = tpu.sem_alloc : memref<!tpu.dma_semaphore, #tpu.memory_space<semaphore_mem>>
          %dma_start3A_79 = tpu.memref_slice %arg4[%arg0, %arg1, %mul3A_39] : memref<2x16x20480xi32, #tpu.memory_space<hbm>> -> memref<1x1x5120xi32, #tpu.memory_space<hbm>>
          %dma_start3A_80 = tpu.memref_squeeze %dma_start3A_79 : memref<1x1x5120xi32, #tpu.memory_space<hbm>> -> memref<5120xi32, #tpu.memory_space<hbm>>
          %dma_start3A_81 = tpu.memref_slice %arg4[%arg0, %arg1, %mul3A_39] : memref<2x16x20480xi32, #tpu.memory_space<hbm>> -> memref<1x1x5120xi32, #tpu.memory_space<hbm>>
          %dma_start3A_82 = tpu.memref_squeeze %dma_start3A_81 : memref<1x1x5120xi32, #tpu.memory_space<hbm>> -> memref<5120xi32, #tpu.memory_space<hbm>>
          tpu.enqueue_dma source(%dma_start3A_82 : memref<5120xi32, #tpu.memory_space<hbm>>) target(%arg8 : memref<5120xi32, #tpu.memory_space<vmem>>) target_semaphore(%run_scoped3A : memref<!tpu.dma_semaphore, #tpu.memory_space<semaphore_mem>>)
          %dma_wait3A = tpu.memref_slice %arg4[%arg0, %arg1, %mul3A_39] : memref<2x16x20480xi32, #tpu.memory_space<hbm>> -> memref<1x1x5120xi32, #tpu.memory_space<hbm>>
          %dma_wait3A_83 = tpu.memref_squeeze %dma_wait3A : memref<1x1x5120xi32, #tpu.memory_space<hbm>> -> memref<5120xi32, #tpu.memory_space<hbm>>
          %dma_wait3A_84 = tpu.memref_slice %arg4[%arg0, %arg1, %mul3A_39] : memref<2x16x20480xi32, #tpu.memory_space<hbm>> -> memref<1x1x5120xi32, #tpu.memory_space<hbm>>
          %dma_wait3A_85 = tpu.memref_squeeze %dma_wait3A_84 : memref<1x1x5120xi32, #tpu.memory_space<hbm>> -> memref<5120xi32, #tpu.memory_space<hbm>>
          tpu.wait_dma2 semaphore(%run_scoped3A : memref<!tpu.dma_semaphore, #tpu.memory_space<semaphore_mem>>) src(%dma_wait3A_85 : memref<5120xi32, #tpu.memory_space<hbm>>) dst(%arg8 : memref<5120xi32, #tpu.memory_space<vmem>>)
          tpu.yield
        }) : () -> ()
        %mul3A_40 = arith.constant 40 : i32
        %mul3A_41 = arith.muli %scan3A_35, %mul3A_40 : i32
        "tpu.region"() ({
          %run_scoped3A = tpu.sem_alloc : memref<!tpu.dma_semaphore, #tpu.memory_space<semaphore_mem>>
          %dma_start3A_79 = arith.constant 0 : i32
          %dma_start3A_80 = tpu.memref_slice %arg5[%arg0, %arg1, %mul3A_41, %dma_start3A_79] : memref<2x16x160x128xi32, #tpu.memory_space<hbm>> -> memref<1x1x40x128xi32, #tpu.memory_space<hbm>>
          %dma_start3A_81 = tpu.memref_squeeze %dma_start3A_80 : memref<1x1x40x128xi32, #tpu.memory_space<hbm>> -> memref<40x128xi32, #tpu.memory_space<hbm>>
          %dma_start3A_82 = arith.constant 0 : i32
          %dma_start3A_83 = tpu.memref_slice %arg5[%arg0, %arg1, %mul3A_41, %dma_start3A_82] : memref<2x16x160x128xi32, #tpu.memory_space<hbm>> -> memref<1x1x40x128xi32, #tpu.memory_space<hbm>>
          %dma_start3A_84 = tpu.memref_squeeze %dma_start3A_83 : memref<1x1x40x128xi32, #tpu.memory_space<hbm>> -> memref<40x128xi32, #tpu.memory_space<hbm>>
          tpu.enqueue_dma source(%dma_start3A_84 : memref<40x128xi32, #tpu.memory_space<hbm>>) target(%arg9 : memref<40x128xi32, #tpu.memory_space<vmem>>) target_semaphore(%run_scoped3A : memref<!tpu.dma_semaphore, #tpu.memory_space<semaphore_mem>>)
          %dma_wait3A = arith.constant 0 : i32
          %dma_wait3A_85 = tpu.memref_slice %arg5[%arg0, %arg1, %mul3A_41, %dma_wait3A] : memref<2x16x160x128xi32, #tpu.memory_space<hbm>> -> memref<1x1x40x128xi32, #tpu.memory_space<hbm>>
          %dma_wait3A_86 = tpu.memref_squeeze %dma_wait3A_85 : memref<1x1x40x128xi32, #tpu.memory_space<hbm>> -> memref<40x128xi32, #tpu.memory_space<hbm>>
          %dma_wait3A_87 = arith.constant 0 : i32
          %dma_wait3A_88 = tpu.memref_slice %arg5[%arg0, %arg1, %mul3A_41, %dma_wait3A_87] : memref<2x16x160x128xi32, #tpu.memory_space<hbm>> -> memref<1x1x40x128xi32, #tpu.memory_space<hbm>>
          %dma_wait3A_89 = tpu.memref_squeeze %dma_wait3A_88 : memref<1x1x40x128xi32, #tpu.memory_space<hbm>> -> memref<40x128xi32, #tpu.memory_space<hbm>>
          tpu.wait_dma2 semaphore(%run_scoped3A : memref<!tpu.dma_semaphore, #tpu.memory_space<semaphore_mem>>) src(%dma_wait3A_89 : memref<40x128xi32, #tpu.memory_space<hbm>>) dst(%arg9 : memref<40x128xi32, #tpu.memory_space<vmem>>)
          tpu.yield
        }) : () -> ()
        %dma_start3A = arith.constant 0 : i32
        %dma_start3A_42 = arith.constant 0 : i32
        %dma_start3A_43 = tpu.memref_slice %arg10[%dma_start3A, %dma_start3A_42] : memref<128x128xf32, #tpu.memory_space<vmem>> -> memref<64x128xf32, #tpu.memory_space<vmem>>
        %dma_start3A_44 = arith.constant 0 : i32
        %dma_start3A_45 = tpu.memref_slice %arg8[%dma_start3A_44] : memref<5120xi32, #tpu.memory_space<vmem>> -> memref<64xi32, #tpu.memory_space<vmem>>
        %dma_start3A_46 = arith.constant 0 : i32
        %dma_start3A_47 = arith.constant 0 : i32
        %dma_start3A_48 = tpu.memref_slice %arg3[%dma_start3A_46, %dma_start3A_47] : memref<10240x128xf32, #tpu.memory_space<hbm>> -> memref<10240x128xf32, #tpu.memory_space<hbm>>
        tpu.enqueue_indirect_dma source(%dma_start3A_48 : memref<10240x128xf32, #tpu.memory_space<hbm>>) target(%dma_start3A_43 : memref<64x128xf32, #tpu.memory_space<vmem>>) offsets(%dma_start3A_45 : memref<64xi32, #tpu.memory_space<vmem>>) semaphore(%arg13 : memref<!tpu.dma_semaphore, #tpu.memory_space<semaphore_mem>>)
        %dma_start3A_49 = arith.constant 64 : i32
        %dma_start3A_50 = arith.constant 0 : i32
        %dma_start3A_51 = tpu.memref_slice %arg10[%dma_start3A_49, %dma_start3A_50] : memref<128x128xf32, #tpu.memory_space<vmem>> -> memref<64x128xf32, #tpu.memory_space<vmem>>
        %dma_start3A_52 = arith.constant 64 : i32
        %dma_start3A_53 = tpu.memref_slice %arg8[%dma_start3A_52] : memref<5120xi32, #tpu.memory_space<vmem>> -> memref<64xi32, #tpu.memory_space<vmem>>
        %dma_start3A_54 = arith.constant 0 : i32
        %dma_start3A_55 = arith.constant 0 : i32
        %dma_start3A_56 = tpu.memref_slice %arg3[%dma_start3A_54, %dma_start3A_55] : memref<10240x128xf32, #tpu.memory_space<hbm>> -> memref<10240x128xf32, #tpu.memory_space<hbm>>
        tpu.enqueue_indirect_dma source(%dma_start3A_56 : memref<10240x128xf32, #tpu.memory_space<hbm>>) target(%dma_start3A_51 : memref<64x128xf32, #tpu.memory_space<vmem>>) offsets(%dma_start3A_53 : memref<64xi32, #tpu.memory_space<vmem>>) semaphore(%arg13 : memref<!tpu.dma_semaphore, #tpu.memory_space<semaphore_mem>>)
        %dma_start3A_57 = arith.constant 0 : i32
        %dma_start3A_58 = arith.constant 0 : i32
        %dma_start3A_59 = tpu.memref_slice %arg11[%dma_start3A_57, %dma_start3A_58] : memref<128x128xf32, #tpu.memory_space<vmem>> -> memref<64x128xf32, #tpu.memory_space<vmem>>
        %dma_start3A_60 = arith.constant 128 : i32
        %dma_start3A_61 = tpu.memref_slice %arg8[%dma_start3A_60] : memref<5120xi32, #tpu.memory_space<vmem>> -> memref<64xi32, #tpu.memory_space<vmem>>
        %dma_start3A_62 = arith.constant 0 : i32
        %dma_start3A_63 = arith.constant 0 : i32
        %dma_start3A_64 = tpu.memref_slice %arg3[%dma_start3A_62, %dma_start3A_63] : memref<10240x128xf32, #tpu.memory_space<hbm>> -> memref<10240x128xf32, #tpu.memory_space<hbm>>
        tpu.enqueue_indirect_dma source(%dma_start3A_64 : memref<10240x128xf32, #tpu.memory_space<hbm>>) target(%dma_start3A_59 : memref<64x128xf32, #tpu.memory_space<vmem>>) offsets(%dma_start3A_61 : memref<64xi32, #tpu.memory_space<vmem>>) semaphore(%arg14 : memref<!tpu.dma_semaphore, #tpu.memory_space<semaphore_mem>>)
        %dma_start3A_65 = arith.constant 64 : i32
        %dma_start3A_66 = arith.constant 0 : i32
        %dma_start3A_67 = tpu.memref_slice %arg11[%dma_start3A_65, %dma_start3A_66] : memref<128x128xf32, #tpu.memory_space<vmem>> -> memref<64x128xf32, #tpu.memory_space<vmem>>
        %dma_start3A_68 = arith.constant 192 : i32
        %dma_start3A_69 = tpu.memref_slice %arg8[%dma_start3A_68] : memref<5120xi32, #tpu.memory_space<vmem>> -> memref<64xi32, #tpu.memory_space<vmem>>
        %dma_start3A_70 = arith.constant 0 : i32
        %dma_start3A_71 = arith.constant 0 : i32
        %dma_start3A_72 = tpu.memref_slice %arg3[%dma_start3A_70, %dma_start3A_71] : memref<10240x128xf32, #tpu.memory_space<hbm>> -> memref<10240x128xf32, #tpu.memory_space<hbm>>
        tpu.enqueue_indirect_dma source(%dma_start3A_72 : memref<10240x128xf32, #tpu.memory_space<hbm>>) target(%dma_start3A_67 : memref<64x128xf32, #tpu.memory_space<vmem>>) offsets(%dma_start3A_69 : memref<64xi32, #tpu.memory_space<vmem>>) semaphore(%arg14 : memref<!tpu.dma_semaphore, #tpu.memory_space<semaphore_mem>>)
        %scan3A_73 = arith.constant 0 : i32
        %scan3A_74 = arith.constant 0 : i32
        %scan3A_75 = arith.constant 20 : i32
        %scan3A_76 = arith.addi %scan3A_74, %scan3A_75 : i32
        %scan3A_77 = arith.constant 1 : i32
        scf.for %scan3A_79 = %scan3A_74 to %scan3A_76 step %scan3A_77  : i32 {
          %mul3A_80 = arith.constant 2 : i32
          %mul3A_81 = arith.muli %mul3A_80, %scan3A_79 : i32
          %dma_wait3A = arith.constant 0 : i32
          %dma_wait3A_82 = tpu.memref_slice %arg8[%dma_wait3A] : memref<5120xi32, #tpu.memory_space<vmem>> -> memref<128xi32, #tpu.memory_space<vmem>>
          %dma_wait3A_83 = arith.constant 0 : i32
          %dma_wait3A_84 = arith.constant 0 : i32
          %dma_wait3A_85 = tpu.memref_slice %arg3[%dma_wait3A_83, %dma_wait3A_84] : memref<10240x128xf32, #tpu.memory_space<hbm>> -> memref<10240x128xf32, #tpu.memory_space<hbm>>
          tpu.wait_indirect_dma semaphore(%arg13 : memref<!tpu.dma_semaphore, #tpu.memory_space<semaphore_mem>>) src(%dma_wait3A_85 : memref<10240x128xf32, #tpu.memory_space<hbm>>) dst(%arg10 : memref<128x128xf32, #tpu.memory_space<vmem>>)
          "tpu.region"() ({
            %run_scoped3A = tpu.sem_alloc : memref<!tpu.dma_semaphore, #tpu.memory_space<semaphore_mem>>
            %dma_start3A_106 = arith.constant 0 : i32
            %dma_start3A_107 = tpu.memref_slice %arg9[%mul3A_81, %dma_start3A_106] : memref<40x128xi32, #tpu.memory_space<vmem>> -> memref<1x128xi32, #tpu.memory_space<vmem>>
            %dma_start3A_108 = tpu.memref_squeeze %dma_start3A_107 : memref<1x128xi32, #tpu.memory_space<vmem>> -> memref<128xi32, #tpu.memory_space<vmem>>
            %dma_start3A_109 = arith.constant 0 : i32
            %dma_start3A_110 = arith.constant 0 : i32
            %dma_start3A_111 = tpu.memref_slice %arg12[%dma_start3A_109, %dma_start3A_110] : memref<10240x128xf32, #tpu.memory_space<vmem_shared>> -> memref<10240x128xf32, #tpu.memory_space<vmem_shared>>
            tpu.enqueue_indirect_dma source(%arg10 : memref<128x128xf32, #tpu.memory_space<vmem>>) target(%dma_start3A_111 : memref<10240x128xf32, #tpu.memory_space<vmem_shared>>) offsets(%dma_start3A_108 : memref<128xi32, #tpu.memory_space<vmem>>) semaphore(%run_scoped3A : memref<!tpu.dma_semaphore, #tpu.memory_space<semaphore_mem>>) {add = true}
            %dma_wait3A_112 = arith.constant 0 : i32
            %dma_wait3A_113 = tpu.memref_slice %arg9[%mul3A_81, %dma_wait3A_112] : memref<40x128xi32, #tpu.memory_space<vmem>> -> memref<1x128xi32, #tpu.memory_space<vmem>>
            %dma_wait3A_114 = tpu.memref_squeeze %dma_wait3A_113 : memref<1x128xi32, #tpu.memory_space<vmem>> -> memref<128xi32, #tpu.memory_space<vmem>>
            %dma_wait3A_115 = arith.constant 0 : i32
            %dma_wait3A_116 = arith.constant 0 : i32
            %dma_wait3A_117 = tpu.memref_slice %arg12[%dma_wait3A_115, %dma_wait3A_116] : memref<10240x128xf32, #tpu.memory_space<vmem_shared>> -> memref<10240x128xf32, #tpu.memory_space<vmem_shared>>
            tpu.wait_indirect_dma semaphore(%run_scoped3A : memref<!tpu.dma_semaphore, #tpu.memory_space<semaphore_mem>>) src(%arg10 : memref<128x128xf32, #tpu.memory_space<vmem>>) dst(%dma_wait3A_117 : memref<10240x128xf32, #tpu.memory_space<vmem_shared>>)
            tpu.yield
          }) : () -> ()
          %add3A_86 = arith.constant 2 : i32
          %add3A_87 = arith.addi %mul3A_81, %add3A_86 : i32
          %lt3A = arith.constant 40 : i32
          %lt3A_88 = arith.cmpi slt, %add3A_87, %lt3A : i32
          %convert_element_type3A_89 = arith.extui %lt3A_88 : i1 to i32
          %cond3A_90 = arith.constant 0 : i32
          %cond3A_91 = arith.cmpi ne, %convert_element_type3A_89, %cond3A_90 : i32
          scf.if %cond3A_91 {
            %add3A_106 = arith.constant 2 : i32
            %add3A_107 = arith.addi %mul3A_81, %add3A_106 : i32
            %mul3A_108 = arith.constant 128 : i32
            %mul3A_109 = arith.muli %add3A_107, %mul3A_108 : i32
            %dma_start3A_110 = arith.constant 0 : i32
            %dma_start3A_111 = arith.constant 0 : i32
            %dma_start3A_112 = tpu.memref_slice %arg10[%dma_start3A_110, %dma_start3A_111] : memref<128x128xf32, #tpu.memory_space<vmem>> -> memref<64x128xf32, #tpu.memory_space<vmem>>
            %dma_start3A_113 = tpu.memref_slice %arg8[%mul3A_109] : memref<5120xi32, #tpu.memory_space<vmem>> -> memref<64xi32, #tpu.memory_space<vmem>>
            %dma_start3A_114 = arith.constant 0 : i32
            %dma_start3A_115 = arith.constant 0 : i32
            %dma_start3A_116 = tpu.memref_slice %arg3[%dma_start3A_114, %dma_start3A_115] : memref<10240x128xf32, #tpu.memory_space<hbm>> -> memref<10240x128xf32, #tpu.memory_space<hbm>>
            tpu.enqueue_indirect_dma source(%dma_start3A_116 : memref<10240x128xf32, #tpu.memory_space<hbm>>) target(%dma_start3A_112 : memref<64x128xf32, #tpu.memory_space<vmem>>) offsets(%dma_start3A_113 : memref<64xi32, #tpu.memory_space<vmem>>) semaphore(%arg13 : memref<!tpu.dma_semaphore, #tpu.memory_space<semaphore_mem>>)
            %mul3A_117 = arith.constant 128 : i32
            %mul3A_118 = arith.muli %add3A_107, %mul3A_117 : i32
            %add3A_119 = arith.constant 64 : i32
            %add3A_120 = arith.addi %mul3A_118, %add3A_119 : i32
            %dma_start3A_121 = arith.constant 64 : i32
            %dma_start3A_122 = arith.constant 0 : i32
            %dma_start3A_123 = tpu.memref_slice %arg10[%dma_start3A_121, %dma_start3A_122] : memref<128x128xf32, #tpu.memory_space<vmem>> -> memref<64x128xf32, #tpu.memory_space<vmem>>
            %dma_start3A_124 = tpu.memref_slice %arg8[%add3A_120] : memref<5120xi32, #tpu.memory_space<vmem>> -> memref<64xi32, #tpu.memory_space<vmem>>
            %dma_start3A_125 = arith.constant 0 : i32
            %dma_start3A_126 = arith.constant 0 : i32
            %dma_start3A_127 = tpu.memref_slice %arg3[%dma_start3A_125, %dma_start3A_126] : memref<10240x128xf32, #tpu.memory_space<hbm>> -> memref<10240x128xf32, #tpu.memory_space<hbm>>
            tpu.enqueue_indirect_dma source(%dma_start3A_127 : memref<10240x128xf32, #tpu.memory_space<hbm>>) target(%dma_start3A_123 : memref<64x128xf32, #tpu.memory_space<vmem>>) offsets(%dma_start3A_124 : memref<64xi32, #tpu.memory_space<vmem>>) semaphore(%arg13 : memref<!tpu.dma_semaphore, #tpu.memory_space<semaphore_mem>>)
          } else {
          }
          %dma_wait3A_92 = arith.constant 0 : i32
          %dma_wait3A_93 = tpu.memref_slice %arg8[%dma_wait3A_92] : memref<5120xi32, #tpu.memory_space<vmem>> -> memref<128xi32, #tpu.memory_space<vmem>>
          %dma_wait3A_94 = arith.constant 0 : i32
          %dma_wait3A_95 = arith.constant 0 : i32
          %dma_wait3A_96 = tpu.memref_slice %arg3[%dma_wait3A_94, %dma_wait3A_95] : memref<10240x128xf32, #tpu.memory_space<hbm>> -> memref<10240x128xf32, #tpu.memory_space<hbm>>
          tpu.wait_indirect_dma semaphore(%arg14 : memref<!tpu.dma_semaphore, #tpu.memory_space<semaphore_mem>>) src(%dma_wait3A_96 : memref<10240x128xf32, #tpu.memory_space<hbm>>) dst(%arg11 : memref<128x128xf32, #tpu.memory_space<vmem>>)
          %add3A_97 = arith.constant 1 : i32
          %add3A_98 = arith.addi %mul3A_81, %add3A_97 : i32
          "tpu.region"() ({
            %run_scoped3A = tpu.sem_alloc : memref<!tpu.dma_semaphore, #tpu.memory_space<semaphore_mem>>
            %dma_start3A_106 = arith.constant 0 : i32
            %dma_start3A_107 = tpu.memref_slice %arg9[%add3A_98, %dma_start3A_106] : memref<40x128xi32, #tpu.memory_space<vmem>> -> memref<1x128xi32, #tpu.memory_space<vmem>>
            %dma_start3A_108 = tpu.memref_squeeze %dma_start3A_107 : memref<1x128xi32, #tpu.memory_space<vmem>> -> memref<128xi32, #tpu.memory_space<vmem>>
            %dma_start3A_109 = arith.constant 0 : i32
            %dma_start3A_110 = arith.constant 0 : i32
            %dma_start3A_111 = tpu.memref_slice %arg12[%dma_start3A_109, %dma_start3A_110] : memref<10240x128xf32, #tpu.memory_space<vmem_shared>> -> memref<10240x128xf32, #tpu.memory_space<vmem_shared>>
            tpu.enqueue_indirect_dma source(%arg11 : memref<128x128xf32, #tpu.memory_space<vmem>>) target(%dma_start3A_111 : memref<10240x128xf32, #tpu.memory_space<vmem_shared>>) offsets(%dma_start3A_108 : memref<128xi32, #tpu.memory_space<vmem>>) semaphore(%run_scoped3A : memref<!tpu.dma_semaphore, #tpu.memory_space<semaphore_mem>>) {add = true}
            %dma_wait3A_112 = arith.constant 0 : i32
            %dma_wait3A_113 = tpu.memref_slice %arg9[%add3A_98, %dma_wait3A_112] : memref<40x128xi32, #tpu.memory_space<vmem>> -> memref<1x128xi32, #tpu.memory_space<vmem>>
            %dma_wait3A_114 = tpu.memref_squeeze %dma_wait3A_113 : memref<1x128xi32, #tpu.memory_space<vmem>> -> memref<128xi32, #tpu.memory_space<vmem>>
            %dma_wait3A_115 = arith.constant 0 : i32
            %dma_wait3A_116 = arith.constant 0 : i32
            %dma_wait3A_117 = tpu.memref_slice %arg12[%dma_wait3A_115, %dma_wait3A_116] : memref<10240x128xf32, #tpu.memory_space<vmem_shared>> -> memref<10240x128xf32, #tpu.memory_space<vmem_shared>>
            tpu.wait_indirect_dma semaphore(%run_scoped3A : memref<!tpu.dma_semaphore, #tpu.memory_space<semaphore_mem>>) src(%arg11 : memref<128x128xf32, #tpu.memory_space<vmem>>) dst(%dma_wait3A_117 : memref<10240x128xf32, #tpu.memory_space<vmem_shared>>)
            tpu.yield
          }) : () -> ()
          %add3A_99 = arith.constant 3 : i32
          %add3A_100 = arith.addi %mul3A_81, %add3A_99 : i32
          %lt3A_101 = arith.constant 40 : i32
          %lt3A_102 = arith.cmpi slt, %add3A_100, %lt3A_101 : i32
          %convert_element_type3A_103 = arith.extui %lt3A_102 : i1 to i32
          %cond3A_104 = arith.constant 0 : i32
          %cond3A_105 = arith.cmpi ne, %convert_element_type3A_103, %cond3A_104 : i32
          scf.if %cond3A_105 {
            %add3A_106 = arith.constant 3 : i32
            %add3A_107 = arith.addi %mul3A_81, %add3A_106 : i32
            %mul3A_108 = arith.constant 128 : i32
            %mul3A_109 = arith.muli %add3A_107, %mul3A_108 : i32
            %dma_start3A_110 = arith.constant 0 : i32
            %dma_start3A_111 = arith.constant 0 : i32
            %dma_start3A_112 = tpu.memref_slice %arg11[%dma_start3A_110, %dma_start3A_111] : memref<128x128xf32, #tpu.memory_space<vmem>> -> memref<64x128xf32, #tpu.memory_space<vmem>>
            %dma_start3A_113 = tpu.memref_slice %arg8[%mul3A_109] : memref<5120xi32, #tpu.memory_space<vmem>> -> memref<64xi32, #tpu.memory_space<vmem>>
            %dma_start3A_114 = arith.constant 0 : i32
            %dma_start3A_115 = arith.constant 0 : i32
            %dma_start3A_116 = tpu.memref_slice %arg3[%dma_start3A_114, %dma_start3A_115] : memref<10240x128xf32, #tpu.memory_space<hbm>> -> memref<10240x128xf32, #tpu.memory_space<hbm>>
            tpu.enqueue_indirect_dma source(%dma_start3A_116 : memref<10240x128xf32, #tpu.memory_space<hbm>>) target(%dma_start3A_112 : memref<64x128xf32, #tpu.memory_space<vmem>>) offsets(%dma_start3A_113 : memref<64xi32, #tpu.memory_space<vmem>>) semaphore(%arg14 : memref<!tpu.dma_semaphore, #tpu.memory_space<semaphore_mem>>)
            %mul3A_117 = arith.constant 128 : i32
            %mul3A_118 = arith.muli %add3A_107, %mul3A_117 : i32
            %add3A_119 = arith.constant 64 : i32
            %add3A_120 = arith.addi %mul3A_118, %add3A_119 : i32
            %dma_start3A_121 = arith.constant 64 : i32
            %dma_start3A_122 = arith.constant 0 : i32
            %dma_start3A_123 = tpu.memref_slice %arg11[%dma_start3A_121, %dma_start3A_122] : memref<128x128xf32, #tpu.memory_space<vmem>> -> memref<64x128xf32, #tpu.memory_space<vmem>>
            %dma_start3A_124 = tpu.memref_slice %arg8[%add3A_120] : memref<5120xi32, #tpu.memory_space<vmem>> -> memref<64xi32, #tpu.memory_space<vmem>>
            %dma_start3A_125 = arith.constant 0 : i32
            %dma_start3A_126 = arith.constant 0 : i32
            %dma_start3A_127 = tpu.memref_slice %arg3[%dma_start3A_125, %dma_start3A_126] : memref<10240x128xf32, #tpu.memory_space<hbm>> -> memref<10240x128xf32, #tpu.memory_space<hbm>>
            tpu.enqueue_indirect_dma source(%dma_start3A_127 : memref<10240x128xf32, #tpu.memory_space<hbm>>) target(%dma_start3A_123 : memref<64x128xf32, #tpu.memory_space<vmem>>) offsets(%dma_start3A_124 : memref<64xi32, #tpu.memory_space<vmem>>) semaphore(%arg14 : memref<!tpu.dma_semaphore, #tpu.memory_space<semaphore_mem>>)
          } else {
          }
        }
        %scan3A_78 = arith.constant 20 : i32
      }
      %scan3A_34 = arith.constant 4 : i32
    } else {
    }
    %barrier3A_25 = arith.constant 0 : index
    tpu.barrier barrier_id(%barrier3A_25)
    %mul3A_26 = arith.constant 640 : i32
    %mul3A_27 = arith.muli %arg1, %mul3A_26 : i32
    %mul3A_28 = arith.constant 640 : i32
    %mul3A_29 = arith.muli %arg1, %mul3A_28 : i32
    "tpu.region"() ({
      %run_scoped3A = tpu.sem_alloc : memref<!tpu.dma_semaphore, #tpu.memory_space<semaphore_mem>>
      %dma_start3A = arith.constant 0 : i32
      %dma_start3A_30 = tpu.memref_slice %arg7[%arg0, %mul3A_29, %dma_start3A] : memref<2x10240x128xf32, #tpu.memory_space<hbm>> -> memref<1x640x128xf32, #tpu.memory_space<hbm>>
      %dma_start3A_31 = tpu.memref_squeeze %dma_start3A_30 : memref<1x640x128xf32, #tpu.memory_space<hbm>> -> memref<640x128xf32, #tpu.memory_space<hbm>>
      %dma_start3A_32 = arith.constant 0 : i32
      %dma_start3A_33 = tpu.memref_slice %arg12[%mul3A_27, %dma_start3A_32] : memref<10240x128xf32, #tpu.memory_space<vmem_shared>> -> memref<640x128xf32, #tpu.memory_space<vmem_shared>>
      tpu.enqueue_dma source(%dma_start3A_33 : memref<640x128xf32, #tpu.memory_space<vmem_shared>>) target(%dma_start3A_31 : memref<640x128xf32, #tpu.memory_space<hbm>>) target_semaphore(%run_scoped3A : memref<!tpu.dma_semaphore, #tpu.memory_space<semaphore_mem>>)
      %dma_wait3A = arith.constant 0 : i32
      %dma_wait3A_34 = tpu.memref_slice %arg7[%arg0, %mul3A_29, %dma_wait3A] : memref<2x10240x128xf32, #tpu.memory_space<hbm>> -> memref<1x640x128xf32, #tpu.memory_space<hbm>>
      %dma_wait3A_35 = tpu.memref_squeeze %dma_wait3A_34 : memref<1x640x128xf32, #tpu.memory_space<hbm>> -> memref<640x128xf32, #tpu.memory_space<hbm>>
      %dma_wait3A_36 = arith.constant 0 : i32
      %dma_wait3A_37 = tpu.memref_slice %arg12[%mul3A_27, %dma_wait3A_36] : memref<10240x128xf32, #tpu.memory_space<vmem_shared>> -> memref<640x128xf32, #tpu.memory_space<vmem_shared>>
      tpu.wait_dma2 semaphore(%run_scoped3A : memref<!tpu.dma_semaphore, #tpu.memory_space<semaphore_mem>>) src(%dma_wait3A_37 : memref<640x128xf32, #tpu.memory_space<vmem_shared>>) dst(%dma_wait3A_35 : memref<640x128xf32, #tpu.memory_space<hbm>>)
      tpu.yield
    }) : () -> ()
    return
  }
}

module attributes {stable_mosaic.version = 14 : i64} {
  func.func @_prescale_body(%arg0: i32, %arg1: memref<1024x128xf32, #tpu.memory_space<vmem>>, %arg2: memref<1024x128xf32, #tpu.memory_space<vmem>>, %arg3: memref<1024x2xf32, #tpu.memory_space<vmem>>, %arg4: memref<1024x128xf32, #tpu.memory_space<vmem>>, %arg5: memref<1024x128xf32, #tpu.memory_space<vmem>>) attributes {dimension_semantics = [#tpu.dimension_semantics<arbitrary>], iteration_bounds = array<i64: 10>, scalar_prefetch = 0 : i64, scratch_operands = 0 : i64, tpu.core_type = #tpu.core_type<tc>, window_params = [{transform_indices = @transform_0, window_bounds = array<i64: 1024, 128>}, {transform_indices = @transform_1, window_bounds = array<i64: 1024, 128>}, {transform_indices = @transform_2, window_bounds = array<i64: 1024, 2>}, {transform_indices = @transform_3, window_bounds = array<i64: 1024, 128>}, {transform_indices = @transform_4, window_bounds = array<i64: 1024, 128>}]} {
    %get3A = arith.constant 0 : index
    %get3A_0 = arith.constant 0 : index
    %get3A_1 = vector.load %arg3[%get3A, %get3A_0] : memref<1024x2xf32, #tpu.memory_space<vmem>>, vector<1024x2xf32>
    %slice3A = vector.extract_strided_slice %get3A_1 {offsets = [0, 0], sizes = [1024, 1], strides = [1, 1]} : vector<1024x2xf32> to vector<1024x1xf32>
    %max3A = arith.constant 9.99999996E-13 : f32
    %max3A_2 = vector.broadcast %max3A : f32 to vector<1024x1xf32>
    %max3A_3 = arith.maximumf %slice3A, %max3A_2 : vector<1024x1xf32>
    %div3A = arith.constant 1.000000e+00 : f32
    %div3A_4 = vector.broadcast %div3A : f32 to vector<1024x1xf32>
    %div3A_5 = arith.divf %div3A_4, %max3A_3 : vector<1024x1xf32>
    %get3A_6 = arith.constant 0 : index
    %get3A_7 = arith.constant 0 : index
    %get3A_8 = vector.load %arg3[%get3A_6, %get3A_7] : memref<1024x2xf32, #tpu.memory_space<vmem>>, vector<1024x2xf32>
    %slice3A_9 = vector.extract_strided_slice %get3A_8 {offsets = [0, 1], sizes = [1024, 1], strides = [1, 1]} : vector<1024x2xf32> to vector<1024x1xf32>
    %max3A_10 = arith.constant 9.99999996E-13 : f32
    %max3A_11 = vector.broadcast %max3A_10 : f32 to vector<1024x1xf32>
    %max3A_12 = arith.maximumf %slice3A_9, %max3A_11 : vector<1024x1xf32>
    %div3A_13 = arith.constant 1.000000e+00 : f32
    %div3A_14 = vector.broadcast %div3A_13 : f32 to vector<1024x1xf32>
    %div3A_15 = arith.divf %div3A_14, %max3A_12 : vector<1024x1xf32>
    %get3A_16 = arith.constant 0 : index
    %get3A_17 = arith.constant 0 : index
    %get3A_18 = vector.load %arg1[%get3A_16, %get3A_17] : memref<1024x128xf32, #tpu.memory_space<vmem>>, vector<1024x128xf32>
    %mul3A = vector.broadcast %div3A_5 : vector<1024x1xf32> to vector<1024x128xf32>
    %mul3A_19 = arith.mulf %get3A_18, %mul3A : vector<1024x128xf32>
    %swap3A = arith.constant 0 : index
    %swap3A_20 = arith.constant 0 : index
    %swap3A_21 = vector.load %arg4[%swap3A, %swap3A_20] : memref<1024x128xf32, #tpu.memory_space<vmem>>, vector<1024x128xf32>
    tpu.vector_store %arg4[%swap3A, %swap3A_20], %mul3A_19 {strides = array<i32>} : memref<1024x128xf32, #tpu.memory_space<vmem>>, vector<1024x128xf32>,
    %get3A_22 = arith.constant 0 : index
    %get3A_23 = arith.constant 0 : index
    %get3A_24 = vector.load %arg2[%get3A_22, %get3A_23] : memref<1024x128xf32, #tpu.memory_space<vmem>>, vector<1024x128xf32>
    %mul3A_25 = vector.broadcast %div3A_15 : vector<1024x1xf32> to vector<1024x128xf32>
    %mul3A_26 = arith.mulf %get3A_24, %mul3A_25 : vector<1024x128xf32>
    %swap3A_27 = arith.constant 0 : index
    %swap3A_28 = arith.constant 0 : index
    %swap3A_29 = vector.load %arg5[%swap3A_27, %swap3A_28] : memref<1024x128xf32, #tpu.memory_space<vmem>>, vector<1024x128xf32>
    tpu.vector_store %arg5[%swap3A_27, %swap3A_28], %mul3A_26 {strides = array<i32>} : memref<1024x128xf32, #tpu.memory_space<vmem>>, vector<1024x128xf32>,
    return
  }
  func.func @transform_0(%arg0: i32) -> (i32, i32) {
    %c0_i32 = arith.constant 0 : i32
    %c0_i32_0 = arith.constant 0 : i32
    return %arg0, %c0_i32 : i32, i32
  }
  func.func @transform_1(%arg0: i32) -> (i32, i32) {
    %c0_i32 = arith.constant 0 : i32
    %c0_i32_0 = arith.constant 0 : i32
    return %arg0, %c0_i32 : i32, i32
  }
  func.func @transform_2(%arg0: i32) -> (i32, i32) {
    %c0_i32 = arith.constant 0 : i32
    %c0_i32_0 = arith.constant 0 : i32
    return %arg0, %c0_i32 : i32, i32
  }
  func.func @transform_3(%arg0: i32) -> (i32, i32) {
    %c0_i32 = arith.constant 0 : i32
    %c0_i32_0 = arith.constant 0 : i32
    return %arg0, %c0_i32 : i32, i32
  }
  func.func @transform_4(%arg0: i32) -> (i32, i32) {
    %c0_i32 = arith.constant 0 : i32
    %c0_i32_0 = arith.constant 0 : i32
    return %arg0, %c0_i32 : i32, i32
  }
}

module attributes {stable_mosaic.version = 14 : i64} {
  func.func @_prescale_body(%arg0: i32, %arg1: memref<1024x128xf32, #tpu.memory_space<vmem>>, %arg2: memref<1024x128xf32, #tpu.memory_space<vmem>>, %arg3: memref<1024x2xf32, #tpu.memory_space<vmem>>, %arg4: memref<1024x128xf32, #tpu.memory_space<vmem>>, %arg5: memref<1024x128xf32, #tpu.memory_space<vmem>>) attributes {dimension_semantics = [#tpu.dimension_semantics<arbitrary>], iteration_bounds = array<i64: 10>, scalar_prefetch = 0 : i64, scratch_operands = 0 : i64, tpu.core_type = #tpu.core_type<tc>, window_params = [{transform_indices = @transform_0, window_bounds = array<i64: 1024, 128>}, {transform_indices = @transform_1, window_bounds = array<i64: 1024, 128>}, {transform_indices = @transform_2, window_bounds = array<i64: 1024, 2>}, {transform_indices = @transform_3, window_bounds = array<i64: 1024, 128>}, {transform_indices = @transform_4, window_bounds = array<i64: 1024, 128>}]} {
    %get3A = arith.constant 0 : index
    %get3A_0 = arith.constant 0 : index
    %get3A_1 = vector.load %arg3[%get3A, %get3A_0] : memref<1024x2xf32, #tpu.memory_space<vmem>>, vector<1024x2xf32>
    %slice3A = vector.extract_strided_slice %get3A_1 {offsets = [0, 0], sizes = [1024, 1], strides = [1, 1]} : vector<1024x2xf32> to vector<1024x1xf32>
    %max3A = arith.constant 9.99999996E-13 : f32
    %max3A_2 = vector.broadcast %max3A : f32 to vector<1024x1xf32>
    %max3A_3 = arith.maximumf %slice3A, %max3A_2 : vector<1024x1xf32>
    %div3A = arith.constant 1.000000e+00 : f32
    %div3A_4 = vector.broadcast %div3A : f32 to vector<1024x1xf32>
    %div3A_5 = arith.divf %div3A_4, %max3A_3 : vector<1024x1xf32>
    %get3A_6 = arith.constant 0 : index
    %get3A_7 = arith.constant 0 : index
    %get3A_8 = vector.load %arg3[%get3A_6, %get3A_7] : memref<1024x2xf32, #tpu.memory_space<vmem>>, vector<1024x2xf32>
    %slice3A_9 = vector.extract_strided_slice %get3A_8 {offsets = [0, 1], sizes = [1024, 1], strides = [1, 1]} : vector<1024x2xf32> to vector<1024x1xf32>
    %max3A_10 = arith.constant 9.99999996E-13 : f32
    %max3A_11 = vector.broadcast %max3A_10 : f32 to vector<1024x1xf32>
    %max3A_12 = arith.maximumf %slice3A_9, %max3A_11 : vector<1024x1xf32>
    %div3A_13 = arith.constant 1.000000e+00 : f32
    %div3A_14 = vector.broadcast %div3A_13 : f32 to vector<1024x1xf32>
    %div3A_15 = arith.divf %div3A_14, %max3A_12 : vector<1024x1xf32>
    %get3A_16 = arith.constant 0 : index
    %get3A_17 = arith.constant 0 : index
    %get3A_18 = vector.load %arg1[%get3A_16, %get3A_17] : memref<1024x128xf32, #tpu.memory_space<vmem>>, vector<1024x128xf32>
    %mul3A = vector.broadcast %div3A_5 : vector<1024x1xf32> to vector<1024x128xf32>
    %mul3A_19 = arith.mulf %get3A_18, %mul3A : vector<1024x128xf32>
    %swap3A = arith.constant 0 : index
    %swap3A_20 = arith.constant 0 : index
    %swap3A_21 = vector.load %arg4[%swap3A, %swap3A_20] : memref<1024x128xf32, #tpu.memory_space<vmem>>, vector<1024x128xf32>
    tpu.vector_store %arg4[%swap3A, %swap3A_20], %mul3A_19 {strides = array<i32>} : memref<1024x128xf32, #tpu.memory_space<vmem>>, vector<1024x128xf32>,
    %get3A_22 = arith.constant 0 : index
    %get3A_23 = arith.constant 0 : index
    %get3A_24 = vector.load %arg2[%get3A_22, %get3A_23] : memref<1024x128xf32, #tpu.memory_space<vmem>>, vector<1024x128xf32>
    %mul3A_25 = vector.broadcast %div3A_15 : vector<1024x1xf32> to vector<1024x128xf32>
    %mul3A_26 = arith.mulf %get3A_24, %mul3A_25 : vector<1024x128xf32>
    %swap3A_27 = arith.constant 0 : index
    %swap3A_28 = arith.constant 0 : index
    %swap3A_29 = vector.load %arg5[%swap3A_27, %swap3A_28] : memref<1024x128xf32, #tpu.memory_space<vmem>>, vector<1024x128xf32>
    tpu.vector_store %arg5[%swap3A_27, %swap3A_28], %mul3A_26 {strides = array<i32>} : memref<1024x128xf32, #tpu.memory_space<vmem>>, vector<1024x128xf32>,
    return
  }
  func.func @transform_0(%arg0: i32) -> (i32, i32) {
    %c0_i32 = arith.constant 0 : i32
    %c0_i32_0 = arith.constant 0 : i32
    return %arg0, %c0_i32 : i32, i32
  }
  func.func @transform_1(%arg0: i32) -> (i32, i32) {
    %c0_i32 = arith.constant 0 : i32
    %c0_i32_0 = arith.constant 0 : i32
    return %arg0, %c0_i32 : i32, i32
  }
  func.func @transform_2(%arg0: i32) -> (i32, i32) {
    %c0_i32 = arith.constant 0 : i32
    %c0_i32_0 = arith.constant 0 : i32
    return %arg0, %c0_i32 : i32, i32
  }
  func.func @transform_3(%arg0: i32) -> (i32, i32) {
    %c0_i32 = arith.constant 0 : i32
    %c0_i32_0 = arith.constant 0 : i32
    return %arg0, %c0_i32 : i32, i32
  }
  func.func @transform_4(%arg0: i32) -> (i32, i32) {
    %c0_i32 = arith.constant 0 : i32
    %c0_i32_0 = arith.constant 0 : i32
    return %arg0, %c0_i32 : i32, i32
  }
}

module attributes {stable_mosaic.version = 14 : i64} {
  func.func @_final_body(%arg0: i32, %arg1: memref<1024x128xf32, #tpu.memory_space<vmem>>, %arg2: memref<1024x128xf32, #tpu.memory_space<vmem>>, %arg3: memref<1024x128xf32, #tpu.memory_space<vmem>>, %arg4: memref<1024x128xf32, #tpu.memory_space<vmem>>, %arg5: memref<1024x128xf32, #tpu.memory_space<vmem>>, %arg6: memref<2x3x256x128xf32, #tpu.memory_space<vmem>>, %arg7: memref<2x3x256x128xf32, #tpu.memory_space<vmem>>, %arg8: memref<1x128xf32, #tpu.memory_space<vmem>>, %arg9: memref<1x128xf32, #tpu.memory_space<vmem>>, %arg10: memref<128x1xf32, #tpu.memory_space<vmem>>, %arg11: memref<1x1xf32, #tpu.memory_space<vmem>>, %arg12: memref<1024x1xf32, #tpu.memory_space<vmem>>) attributes {dimension_semantics = [#tpu.dimension_semantics<arbitrary>], iteration_bounds = array<i64: 10>, scalar_prefetch = 0 : i64, scratch_operands = 0 : i64, tpu.core_type = #tpu.core_type<tc>, window_params = [{transform_indices = @transform_0, window_bounds = array<i64: 1024, 128>}, {transform_indices = @transform_1, window_bounds = array<i64: 1024, 128>}, {transform_indices = @transform_2, window_bounds = array<i64: 1024, 128>}, {transform_indices = @transform_3, window_bounds = array<i64: 1024, 128>}, {transform_indices = @transform_4, window_bounds = array<i64: 1024, 128>}, {pipeline_mode = #tpu.pipeline_mode<synchronous>, transform_indices = @transform_5, window_bounds = array<i64: 2, 3, 256, 128>}, {pipeline_mode = #tpu.pipeline_mode<synchronous>, transform_indices = @transform_6, window_bounds = array<i64: 2, 3, 256, 128>}, {pipeline_mode = #tpu.pipeline_mode<synchronous>, transform_indices = @transform_7, window_bounds = array<i64: 1, 128>}, {pipeline_mode = #tpu.pipeline_mode<synchronous>, transform_indices = @transform_8, window_bounds = array<i64: 1, 128>}, {pipeline_mode = #tpu.pipeline_mode<synchronous>, transform_indices = @transform_9, window_bounds = array<i64: 128, 1>}, {pipeline_mode = #tpu.pipeline_mode<synchronous>, transform_indices = @transform_10, window_bounds = array<i64: 1, 1>}, {transform_indices = @transform_11, window_bounds = array<i64: 1024, 1>}]} {
    %get3A = arith.constant 0 : index
    %get3A_0 = arith.constant 0 : index
    %get3A_1 = vector.load %arg1[%get3A, %get3A_0] : memref<1024x128xf32, #tpu.memory_space<vmem>>, vector<1024x128xf32>
    %get3A_2 = arith.constant 0 : index
    %get3A_3 = arith.constant 0 : index
    %get3A_4 = vector.load %arg2[%get3A_2, %get3A_3] : memref<1024x128xf32, #tpu.memory_space<vmem>>, vector<1024x128xf32>
    %get3A_5 = arith.constant 0 : index
    %get3A_6 = arith.constant 0 : index
    %get3A_7 = vector.load %arg3[%get3A_5, %get3A_6] : memref<1024x128xf32, #tpu.memory_space<vmem>>, vector<1024x128xf32>
    %get3A_8 = arith.constant 0 : index
    %get3A_9 = arith.constant 0 : index
    %get3A_10 = vector.load %arg4[%get3A_8, %get3A_9] : memref<1024x128xf32, #tpu.memory_space<vmem>>, vector<1024x128xf32>
    %get3A_11 = arith.constant 0 : index
    %get3A_12 = arith.constant 0 : index
    %get3A_13 = vector.load %arg5[%get3A_11, %get3A_12] : memref<1024x128xf32, #tpu.memory_space<vmem>>, vector<1024x128xf32>
    %get3A_14 = arith.constant 0 : index
    %get3A_15 = arith.constant 0 : index
    %get3A_16 = arith.constant 0 : index
    %get3A_17 = arith.constant 0 : index
    %get3A_18 = vector.load %arg6[%get3A_14, %get3A_15, %get3A_16, %get3A_17] : memref<2x3x256x128xf32, #tpu.memory_space<vmem>>, vector<2x3x256x128xf32>
    %get3A_19 = arith.constant 0 : index
    %get3A_20 = arith.constant 0 : index
    %get3A_21 = vector.load %arg8[%get3A_19, %get3A_20] : memref<1x128xf32, #tpu.memory_space<vmem>>, vector<1x128xf32>
    %slice3A = vector.extract_strided_slice %get3A_18 {offsets = [0, 0, 0, 0], sizes = [1, 1, 128, 128], strides = [1, 1, 1, 1]} : vector<2x3x256x128xf32> to vector<1x1x128x128xf32>
    %squeeze3A = vector.shape_cast %slice3A : vector<1x1x128x128xf32> to vector<128x128xf32>
    %slice3A_22 = vector.extract_strided_slice %get3A_18 {offsets = [1, 0, 0, 0], sizes = [1, 1, 128, 128], strides = [1, 1, 1, 1]} : vector<2x3x256x128xf32> to vector<1x1x128x128xf32>
    %squeeze3A_23 = vector.shape_cast %slice3A_22 : vector<1x1x128x128xf32> to vector<128x128xf32>
    %add3A = arith.addf %squeeze3A, %squeeze3A_23 : vector<128x128xf32>
    %slice3A_24 = vector.extract_strided_slice %get3A_18 {offsets = [0, 2, 0, 0], sizes = [1, 1, 128, 128], strides = [1, 1, 1, 1]} : vector<2x3x256x128xf32> to vector<1x1x128x128xf32>
    %squeeze3A_25 = vector.shape_cast %slice3A_24 : vector<1x1x128x128xf32> to vector<128x128xf32>
    %sub3A = arith.subf %add3A, %squeeze3A_25 : vector<128x128xf32>
    %slice3A_26 = vector.extract_strided_slice %get3A_18 {offsets = [1, 2, 0, 0], sizes = [1, 1, 128, 128], strides = [1, 1, 1, 1]} : vector<2x3x256x128xf32> to vector<1x1x128x128xf32>
    %squeeze3A_27 = vector.shape_cast %slice3A_26 : vector<1x1x128x128xf32> to vector<128x128xf32>
    %sub3A_28 = arith.subf %sub3A, %squeeze3A_27 : vector<128x128xf32>
    %dot_general3A = arith.constant dense<0.000000e+00> : vector<1024x128xf32>
    %dot_general3A_29 = tpu.matmul %get3A_1, %sub3A_28, %dot_general3A {dimension_numbers = #tpu.dot_dimension_numbers<[1], [0], [0], [1], [0, 0, 1, 1], [], []>, transpose_lhs_hint = false} : vector<1024x128xf32>, vector<128x128xf32>, vector<1024x128xf32> -> vector<1024x128xf32>
    %slice3A_30 = vector.extract_strided_slice %get3A_18 {offsets = [0, 1, 0, 0], sizes = [1, 1, 128, 128], strides = [1, 1, 1, 1]} : vector<2x3x256x128xf32> to vector<1x1x128x128xf32>
    %squeeze3A_31 = vector.shape_cast %slice3A_30 : vector<1x1x128x128xf32> to vector<128x128xf32>
    %dot_general3A_32 = arith.constant dense<0.000000e+00> : vector<1024x128xf32>
    %dot_general3A_33 = tpu.matmul %get3A_4, %squeeze3A_31, %dot_general3A_32 {dimension_numbers = #tpu.dot_dimension_numbers<[1], [0], [0], [1], [0, 0, 1, 1], [], []>, transpose_lhs_hint = false} : vector<1024x128xf32>, vector<128x128xf32>, vector<1024x128xf32> -> vector<1024x128xf32>
    %add3A_34 = arith.addf %dot_general3A_29, %dot_general3A_33 : vector<1024x128xf32>
    %slice3A_35 = vector.extract_strided_slice %get3A_18 {offsets = [1, 1, 0, 0], sizes = [1, 1, 128, 128], strides = [1, 1, 1, 1]} : vector<2x3x256x128xf32> to vector<1x1x128x128xf32>
    %squeeze3A_36 = vector.shape_cast %slice3A_35 : vector<1x1x128x128xf32> to vector<128x128xf32>
    %dot_general3A_37 = arith.constant dense<0.000000e+00> : vector<1024x128xf32>
    %dot_general3A_38 = tpu.matmul %get3A_7, %squeeze3A_36, %dot_general3A_37 {dimension_numbers = #tpu.dot_dimension_numbers<[1], [0], [0], [1], [0, 0, 1, 1], [], []>, transpose_lhs_hint = false} : vector<1024x128xf32>, vector<128x128xf32>, vector<1024x128xf32> -> vector<1024x128xf32>
    %add3A_39 = arith.addf %add3A_34, %dot_general3A_38 : vector<1024x128xf32>
    %slice3A_40 = vector.extract_strided_slice %get3A_18 {offsets = [0, 2, 0, 0], sizes = [1, 1, 128, 128], strides = [1, 1, 1, 1]} : vector<2x3x256x128xf32> to vector<1x1x128x128xf32>
    %squeeze3A_41 = vector.shape_cast %slice3A_40 : vector<1x1x128x128xf32> to vector<128x128xf32>
    %dot_general3A_42 = arith.constant dense<0.000000e+00> : vector<1024x128xf32>
    %dot_general3A_43 = tpu.matmul %get3A_10, %squeeze3A_41, %dot_general3A_42 {dimension_numbers = #tpu.dot_dimension_numbers<[1], [0], [0], [1], [0, 0, 1, 1], [], []>, transpose_lhs_hint = false} : vector<1024x128xf32>, vector<128x128xf32>, vector<1024x128xf32> -> vector<1024x128xf32>
    %mul3A = arith.constant 2.000000e+00 : f32
    %mul3A_44 = vector.broadcast %mul3A : f32 to vector<1024x128xf32>
    %mul3A_45 = arith.mulf %mul3A_44, %dot_general3A_43 : vector<1024x128xf32>
    %add3A_46 = arith.addf %add3A_39, %mul3A_45 : vector<1024x128xf32>
    %slice3A_47 = vector.extract_strided_slice %get3A_18 {offsets = [1, 2, 0, 0], sizes = [1, 1, 128, 128], strides = [1, 1, 1, 1]} : vector<2x3x256x128xf32> to vector<1x1x128x128xf32>
    %squeeze3A_48 = vector.shape_cast %slice3A_47 : vector<1x1x128x128xf32> to vector<128x128xf32>
    %dot_general3A_49 = arith.constant dense<0.000000e+00> : vector<1024x128xf32>
    %dot_general3A_50 = tpu.matmul %get3A_13, %squeeze3A_48, %dot_general3A_49 {dimension_numbers = #tpu.dot_dimension_numbers<[1], [0], [0], [1], [0, 0, 1, 1], [], []>, transpose_lhs_hint = false} : vector<1024x128xf32>, vector<128x128xf32>, vector<1024x128xf32> -> vector<1024x128xf32>
    %mul3A_51 = arith.constant 2.000000e+00 : f32
    %mul3A_52 = vector.broadcast %mul3A_51 : f32 to vector<1024x128xf32>
    %mul3A_53 = arith.mulf %mul3A_52, %dot_general3A_50 : vector<1024x128xf32>
    %add3A_54 = arith.addf %add3A_46, %mul3A_53 : vector<1024x128xf32>
    %add3A_55 = vector.broadcast %get3A_21 : vector<1x128xf32> to vector<1024x128xf32>
    %add3A_56 = arith.addf %add3A_54, %add3A_55 : vector<1024x128xf32>
    %logistic3A = arith.negf %add3A_56 : vector<1024x128xf32>
    %logistic3A_57 = math.exp %logistic3A : vector<1024x128xf32>
    %logistic3A_58 = arith.constant 1.000000e+00 : f32
    %logistic3A_59 = vector.broadcast %logistic3A_58 : f32 to vector<1024x128xf32>
    %logistic3A_60 = arith.addf %logistic3A_59, %logistic3A_57 : vector<1024x128xf32>
    %logistic3A_61 = arith.divf %logistic3A_59, %logistic3A_60 : vector<1024x128xf32>
    %get3A_62 = arith.constant 0 : index
    %get3A_63 = arith.constant 0 : index
    %get3A_64 = arith.constant 0 : index
    %get3A_65 = arith.constant 0 : index
    %get3A_66 = vector.load %arg7[%get3A_62, %get3A_63, %get3A_64, %get3A_65] : memref<2x3x256x128xf32, #tpu.memory_space<vmem>>, vector<2x3x256x128xf32>
    %get3A_67 = arith.constant 0 : index
    %get3A_68 = arith.constant 0 : index
    %get3A_69 = vector.load %arg9[%get3A_67, %get3A_68] : memref<1x128xf32, #tpu.memory_space<vmem>>, vector<1x128xf32>
    %slice3A_70 = vector.extract_strided_slice %get3A_66 {offsets = [0, 0, 0, 0], sizes = [1, 1, 128, 128], strides = [1, 1, 1, 1]} : vector<2x3x256x128xf32> to vector<1x1x128x128xf32>
    %squeeze3A_71 = vector.shape_cast %slice3A_70 : vector<1x1x128x128xf32> to vector<128x128xf32>
    %slice3A_72 = vector.extract_strided_slice %get3A_66 {offsets = [1, 0, 0, 0], sizes = [1, 1, 128, 128], strides = [1, 1, 1, 1]} : vector<2x3x256x128xf32> to vector<1x1x128x128xf32>
    %squeeze3A_73 = vector.shape_cast %slice3A_72 : vector<1x1x128x128xf32> to vector<128x128xf32>
    %add3A_74 = arith.addf %squeeze3A_71, %squeeze3A_73 : vector<128x128xf32>
    %slice3A_75 = vector.extract_strided_slice %get3A_66 {offsets = [0, 2, 0, 0], sizes = [1, 1, 128, 128], strides = [1, 1, 1, 1]} : vector<2x3x256x128xf32> to vector<1x1x128x128xf32>
    %squeeze3A_76 = vector.shape_cast %slice3A_75 : vector<1x1x128x128xf32> to vector<128x128xf32>
    %sub3A_77 = arith.subf %add3A_74, %squeeze3A_76 : vector<128x128xf32>
    %slice3A_78 = vector.extract_strided_slice %get3A_66 {offsets = [1, 2, 0, 0], sizes = [1, 1, 128, 128], strides = [1, 1, 1, 1]} : vector<2x3x256x128xf32> to vector<1x1x128x128xf32>
    %squeeze3A_79 = vector.shape_cast %slice3A_78 : vector<1x1x128x128xf32> to vector<128x128xf32>
    %sub3A_80 = arith.subf %sub3A_77, %squeeze3A_79 : vector<128x128xf32>
    %dot_general3A_81 = arith.constant dense<0.000000e+00> : vector<1024x128xf32>
    %dot_general3A_82 = tpu.matmul %get3A_1, %sub3A_80, %dot_general3A_81 {dimension_numbers = #tpu.dot_dimension_numbers<[1], [0], [0], [1], [0, 0, 1, 1], [], []>, transpose_lhs_hint = false} : vector<1024x128xf32>, vector<128x128xf32>, vector<1024x128xf32> -> vector<1024x128xf32>
    %slice3A_83 = vector.extract_strided_slice %get3A_66 {offsets = [0, 1, 0, 0], sizes = [1, 1, 128, 128], strides = [1, 1, 1, 1]} : vector<2x3x256x128xf32> to vector<1x1x128x128xf32>
    %squeeze3A_84 = vector.shape_cast %slice3A_83 : vector<1x1x128x128xf32> to vector<128x128xf32>
    %dot_general3A_85 = arith.constant dense<0.000000e+00> : vector<1024x128xf32>
    %dot_general3A_86 = tpu.matmul %get3A_4, %squeeze3A_84, %dot_general3A_85 {dimension_numbers = #tpu.dot_dimension_numbers<[1], [0], [0], [1], [0, 0, 1, 1], [], []>, transpose_lhs_hint = false} : vector<1024x128xf32>, vector<128x128xf32>, vector<1024x128xf32> -> vector<1024x128xf32>
    %add3A_87 = arith.addf %dot_general3A_82, %dot_general3A_86 : vector<1024x128xf32>
    %slice3A_88 = vector.extract_strided_slice %get3A_66 {offsets = [1, 1, 0, 0], sizes = [1, 1, 128, 128], strides = [1, 1, 1, 1]} : vector<2x3x256x128xf32> to vector<1x1x128x128xf32>
    %squeeze3A_89 = vector.shape_cast %slice3A_88 : vector<1x1x128x128xf32> to vector<128x128xf32>
    %dot_general3A_90 = arith.constant dense<0.000000e+00> : vector<1024x128xf32>
    %dot_general3A_91 = tpu.matmul %get3A_7, %squeeze3A_89, %dot_general3A_90 {dimension_numbers = #tpu.dot_dimension_numbers<[1], [0], [0], [1], [0, 0, 1, 1], [], []>, transpose_lhs_hint = false} : vector<1024x128xf32>, vector<128x128xf32>, vector<1024x128xf32> -> vector<1024x128xf32>
    %add3A_92 = arith.addf %add3A_87, %dot_general3A_91 : vector<1024x128xf32>
    %slice3A_93 = vector.extract_strided_slice %get3A_66 {offsets = [0, 2, 0, 0], sizes = [1, 1, 128, 128], strides = [1, 1, 1, 1]} : vector<2x3x256x128xf32> to vector<1x1x128x128xf32>
    %squeeze3A_94 = vector.shape_cast %slice3A_93 : vector<1x1x128x128xf32> to vector<128x128xf32>
    %dot_general3A_95 = arith.constant dense<0.000000e+00> : vector<1024x128xf32>
    %dot_general3A_96 = tpu.matmul %get3A_10, %squeeze3A_94, %dot_general3A_95 {dimension_numbers = #tpu.dot_dimension_numbers<[1], [0], [0], [1], [0, 0, 1, 1], [], []>, transpose_lhs_hint = false} : vector<1024x128xf32>, vector<128x128xf32>, vector<1024x128xf32> -> vector<1024x128xf32>
    %mul3A_97 = arith.constant 2.000000e+00 : f32
    %mul3A_98 = vector.broadcast %mul3A_97 : f32 to vector<1024x128xf32>
    %mul3A_99 = arith.mulf %mul3A_98, %dot_general3A_96 : vector<1024x128xf32>
    %add3A_100 = arith.addf %add3A_92, %mul3A_99 : vector<1024x128xf32>
    %slice3A_101 = vector.extract_strided_slice %get3A_66 {offsets = [1, 2, 0, 0], sizes = [1, 1, 128, 128], strides = [1, 1, 1, 1]} : vector<2x3x256x128xf32> to vector<1x1x128x128xf32>
    %squeeze3A_102 = vector.shape_cast %slice3A_101 : vector<1x1x128x128xf32> to vector<128x128xf32>
    %dot_general3A_103 = arith.constant dense<0.000000e+00> : vector<1024x128xf32>
    %dot_general3A_104 = tpu.matmul %get3A_13, %squeeze3A_102, %dot_general3A_103 {dimension_numbers = #tpu.dot_dimension_numbers<[1], [0], [0], [1], [0, 0, 1, 1], [], []>, transpose_lhs_hint = false} : vector<1024x128xf32>, vector<128x128xf32>, vector<1024x128xf32> -> vector<1024x128xf32>
    %mul3A_105 = arith.constant 2.000000e+00 : f32
    %mul3A_106 = vector.broadcast %mul3A_105 : f32 to vector<1024x128xf32>
    %mul3A_107 = arith.mulf %mul3A_106, %dot_general3A_104 : vector<1024x128xf32>
    %add3A_108 = arith.addf %add3A_100, %mul3A_107 : vector<1024x128xf32>
    %add3A_109 = vector.broadcast %get3A_69 : vector<1x128xf32> to vector<1024x128xf32>
    %add3A_110 = arith.addf %add3A_108, %add3A_109 : vector<1024x128xf32>
    %tanh3A = math.tanh %add3A_110 : vector<1024x128xf32>
    %sub3A_111 = arith.constant 1.000000e+00 : f32
    %sub3A_112 = vector.broadcast %sub3A_111 : f32 to vector<1024x128xf32>
    %sub3A_113 = arith.subf %sub3A_112, %logistic3A_61 : vector<1024x128xf32>
    %mul3A_114 = arith.mulf %sub3A_113, %tanh3A : vector<1024x128xf32>
    %max3A = arith.constant 0.000000e+00 : f32
    %max3A_115 = vector.broadcast %max3A : f32 to vector<1024x128xf32>
    %max3A_116 = arith.maximumf %mul3A_114, %max3A_115 : vector<1024x128xf32>
    %get3A_117 = arith.constant 0 : index
    %get3A_118 = arith.constant 0 : index
    %get3A_119 = vector.load %arg10[%get3A_117, %get3A_118] : memref<128x1xf32, #tpu.memory_space<vmem>>, vector<128x1xf32>
    %dot_general3A_120 = arith.constant dense<0.000000e+00> : vector<1024x1xf32>
    %dot_general3A_121 = tpu.matmul %max3A_116, %get3A_119, %dot_general3A_120 {dimension_numbers = #tpu.dot_dimension_numbers<[1], [0], [0], [1], [0, 0, 1, 1], [], []>, transpose_lhs_hint = false} : vector<1024x128xf32>, vector<128x1xf32>, vector<1024x1xf32> -> vector<1024x1xf32>
    %get3A_122 = arith.constant 0 : index
    %get3A_123 = arith.constant 0 : index
    %get3A_124 = vector.load %arg11[%get3A_122, %get3A_123] : memref<1x1xf32, #tpu.memory_space<vmem>>, vector<1x1xf32>
    %add3A_125 = vector.broadcast %get3A_124 : vector<1x1xf32> to vector<1024x1xf32>
    %add3A_126 = arith.addf %dot_general3A_121, %add3A_125 : vector<1024x1xf32>
    %swap3A = arith.constant 0 : index
    %swap3A_127 = arith.constant 0 : index
    %swap3A_128 = vector.load %arg12[%swap3A, %swap3A_127] : memref<1024x1xf32, #tpu.memory_space<vmem>>, vector<1024x1xf32>
    tpu.vector_store %arg12[%swap3A, %swap3A_127], %add3A_126 {strides = array<i32>} : memref<1024x1xf32, #tpu.memory_space<vmem>>, vector<1024x1xf32>,
    return
  }
  func.func @transform_0(%arg0: i32) -> (i32, i32) {
    %c0_i32 = arith.constant 0 : i32
    %c0_i32_0 = arith.constant 0 : i32
    return %arg0, %c0_i32 : i32, i32
  }
  func.func @transform_1(%arg0: i32) -> (i32, i32) {
    %c0_i32 = arith.constant 0 : i32
    %c0_i32_0 = arith.constant 0 : i32
    return %arg0, %c0_i32 : i32, i32
  }
  func.func @transform_2(%arg0: i32) -> (i32, i32) {
    %c0_i32 = arith.constant 0 : i32
    %c0_i32_0 = arith.constant 0 : i32
    return %arg0, %c0_i32 : i32, i32
  }
  func.func @transform_3(%arg0: i32) -> (i32, i32) {
    %c0_i32 = arith.constant 0 : i32
    %c0_i32_0 = arith.constant 0 : i32
    return %arg0, %c0_i32 : i32, i32
  }
  func.func @transform_4(%arg0: i32) -> (i32, i32) {
    %c0_i32 = arith.constant 0 : i32
    %c0_i32_0 = arith.constant 0 : i32
    return %arg0, %c0_i32 : i32, i32
  }
  func.func @transform_5(%arg0: i32) -> (i32, i32, i32, i32) {
    %c0_i32 = arith.constant 0 : i32
    %c0_i32_0 = arith.constant 0 : i32
    %c0_i32_1 = arith.constant 0 : i32
    %c0_i32_2 = arith.constant 0 : i32
    %c0_i32_3 = arith.constant 0 : i32
    return %c0_i32, %c0_i32_0, %c0_i32_1, %c0_i32_2 : i32, i32, i32, i32
  }
  func.func @transform_6(%arg0: i32) -> (i32, i32, i32, i32) {
    %c0_i32 = arith.constant 0 : i32
    %c0_i32_0 = arith.constant 0 : i32
    %c0_i32_1 = arith.constant 0 : i32
    %c0_i32_2 = arith.constant 0 : i32
    %c0_i32_3 = arith.constant 0 : i32
    return %c0_i32, %c0_i32_0, %c0_i32_1, %c0_i32_2 : i32, i32, i32, i32
  }
  func.func @transform_7(%arg0: i32) -> (i32, i32) {
    %c0_i32 = arith.constant 0 : i32
    %c0_i32_0 = arith.constant 0 : i32
    %c0_i32_1 = arith.constant 0 : i32
    return %c0_i32, %c0_i32_0 : i32, i32
  }
  func.func @transform_8(%arg0: i32) -> (i32, i32) {
    %c0_i32 = arith.constant 0 : i32
    %c0_i32_0 = arith.constant 0 : i32
    %c0_i32_1 = arith.constant 0 : i32
    return %c0_i32, %c0_i32_0 : i32, i32
  }
  func.func @transform_9(%arg0: i32) -> (i32, i32) {
    %c0_i32 = arith.constant 0 : i32
    %c0_i32_0 = arith.constant 0 : i32
    %c0_i32_1 = arith.constant 0 : i32
    return %c0_i32, %c0_i32_0 : i32, i32
  }
  func.func @transform_10(%arg0: i32) -> (i32, i32) {
    %c0_i32 = arith.constant 0 : i32
    %c0_i32_0 = arith.constant 0 : i32
    %c0_i32_1 = arith.constant 0 : i32
    return %c0_i32, %c0_i32_0 : i32, i32
  }
  func.func @transform_11(%arg0: i32) -> (i32, i32) {
    %c0_i32 = arith.constant 0 : i32
    %c0_i32_0 = arith.constant 0 : i32
    return %arg0, %c0_i32 : i32, i32
  }
}

</mosaic_0001>

<sc_bundles>
// kernel: kernel.11.cloned.1.call-start
scs
__scs_entry_jumppad:
0x0: {  	(pc) =	sbr.rel $0x88, $3  }
0x1: {  	(tag) =	ssettag $0x0;
	lr =	simm.s32 $0x1  }
0x2: {  	[smem:$0x3F98] =	sst lr;
	_ =	strace $0xD0000000  }
0x3: {  	_ = 	snop  }
0x4: {  	_ = 	snop  }
0x5: {  	_ = 	snop  }
0x6: {  	_ = 	snop  }
0x7: {  	_ = 	snop  }
__scs_overlays_trampoline_lowered:
0x8: {  	[smem:$0x3FA7] =	sst s0  }
0x9: {  	[smem:$0x3FA8] =	sst s1  }
0xa: {  	[smem:$0x3FA9] =	sst s2  }
0xb: {  	[smem:$0x3FAA] =	sst s3  }
0xc: {  	[smem:$0x3FAB] =	sst s4  }
0xd: {  	[smem:$0x3FAC] =	sst s5  }
0xe: {  	[smem:$0x3FAD] =	sst s6  }
0xf: {  	[smem:$0x3FAE] =	sst s7  }
0x10: {  	[smem:$0x3FAF] =	sst s8  }
0x11: {  	[smem:$0x3FB0] =	sst s9;
	s0 =	simm.s32 @!p0 $0x0  }
0x12: {  	s1 =	sld [smem:$0x3F96];
	s0 =	simm.s32 @p0 $0x1  }
0x13: {  	[smem:$0x3FB1] =	sst s0;
	s0 =	simm.s32 @!p1 $0x0  }
0x14: {  	s2 =	sld [smem:$0x3F95];
	s0 =	simm.s32 @p1 $0x1  }
0x15: {  	[smem:$0x3FB2] =	sst s0;
	s0 =	simm.s32 @!p2 $0x0  }
0x16: {  	s3 =	sld [smem:$0x3FDB];
	s0 =	simm.s32 @p2 $0x1  }
0x17: {  	s4 =	simm.s32 $0x1BF5;
	[smem:$0x3FB4] =	sst s0  }
0x18: {  	s0 =	sld [smem:$0x3F97];
	_ =	swait.ge [sflag:s4], $0x0  }
0x19: {  	s7 =	sld [smem:$0x3F98]  }
0x1a: {  	s8 =	sadd.s32 $0xFFFFE003, lr  }
0x1b: {  	s9 =	sadd.s32 $0xFFFFFEF7, lr;
	s5 =	simm.s32 $0xFFFFFFFF;
	p2 =	slt.u32 s8, $0xFFFFF086  }
0x1c: {  	p1 =	slt.u32 s9, $0xF7A;
	s5 =	simm.s32 @!p2 $0x0  }
0x1d: {  	s5 =	simm.s32 @p1 $0x1;
	p0 =	seq.s32 s7, s2  }
0x1e: {  	s7 =	smul.u32 @!p0 $0xF7A, s2;
	p2 =	seq.s32 @!p0 s5, $0x0  }
0x1f: {  	s9 =	smul.u32 $0xF7A, s1;
	s8 =	simm.s32 @!p0 $0x1BF5;
	p2 =	por !p2, p0  }
0x20: {  	[sflag:s8] =	ssyncset.s32 @!p0 $0xFFFFF086;
	s6 =	sadd.s32 @!p0 s3, s7;
	s7 =	simm.s32 @!p0 $0x108  }
0x21: {  	s3 =	sadd.s32 s3, s9;
	s6 =	sadd.s32 @!p0 $0x88, s6;
	s7 =	simm.s32 @p2 $0x1082  }
0x22: {  	[simem:s7], [sflag:s8] =	dma.local @!p0 [hbm:s6], $0xF7A  }
0x23: {  	s9 =	sor.u32 $0xD0000000, s2;
	s6 =	simm.s32 $0x108;
	_ =	swait.ge @!p0 [sflag:s8], $0x0  }
0x24: {  	s3 =	sadd.s32 $0x88, s3;
	s6 =	simm.s32 @!p1 $0x1082;
	[sflag:s4] =	ssyncset.s32 $0xFFFFF086  }
0x25: {  	[simem:s6], [sflag:s4] =	dma.local [hbm:s3], $0xF7A  }
0x26: {  	[smem:$0x3F98] =	sst s1;
	(tag) =	ssettag s2;
	_ =	strace s9  }
0x27: {  	s1 =	sld [smem:$0x3FA8]  }
0x28: {  	s2 =	sld [smem:$0x3FA9]  }
0x29: {  	s4 =	sld [smem:$0x3FAB]  }
0x2a: {  	p0 =	seq.s32 s5, $0x0;
	s5 =	sld [smem:$0x3FAC]  }
0x2b: {  	s6 =	sld [smem:$0x3FAD]  }
0x2c: {  	s7 =	sld [smem:$0x3FAE]  }
0x2d: {  	s3 =	simm.s32 $0x108;
	s8 =	sld [smem:$0x3FAF]  }
0x2e: {  	s3 =	simm.s32 @!p0 $0x1082;
	s9 =	sld [smem:$0x3FB0]  }
0x2f: {  	lr =	sadd.s32 s0, s3;
	s0 =	sld [smem:$0x3FA7]  }
0x30: {  	s3 =	sld [smem:$0x3FAA]  }
0x31: {  	[smem:$0x3FB3] =	sst s10  }
0x32: {  	s10 =	sld [smem:$0x3FB1];
	_ =	sdelay $0x3  }
0x33: {  	p0 =	seq.s32 s10, $0x1;
	s10 =	sld [smem:$0x3FB3];
	_ =	sdelay $0x3  }
0x34: {  	[smem:$0x3FB3] =	sst s10  }
0x35: {  	s10 =	sld [smem:$0x3FB2];
	_ =	sdelay $0x3  }
0x36: {  	p1 =	seq.s32 s10, $0x1;
	s10 =	sld [smem:$0x3FB3];
	_ =	sdelay $0x3  }
0x37: {  	[smem:$0x3FB3] =	sst s10  }
0x38: {  	s10 =	sld [smem:$0x3FB4]  }
0x39: {  	_ = 	snop;
	(pc) =	sbr.ind lr, $3  }
0x3a: {  	_ = 	snop  }
0x3b: {  	_ = 	snop  }
0x3c: {  	p2 =	seq.s32 s10, $0x1;
	s10 =	sld [smem:$0x3FB3]  }
0x3d: {  	_ =	shalt  }
0x3e: {  	_ =	shalt  }
0x3f: {  	_ =	shalt  }
0x40: {  	_ =	shalt  }
0x41: {  	_ =	shalt  }
0x42: {  	_ =	shalt  }
0x43: {  	_ =	shalt  }
0x44: {  	_ =	shalt  }
0x45: {  	_ =	shalt  }
0x46: {  	_ =	shalt  }
0x47: {  	_ =	shalt  }
0x48: {  	_ =	shalt  }
0x49: {  	_ =	shalt  }
0x4a: {  	_ =	shalt  }
0x4b: {  	_ =	shalt  }
0x4c: {  	_ =	shalt  }
0x4d: {  	_ =	shalt  }
0x4e: {  	_ =	shalt  }
0x4f: {  	_ =	shalt  }
0x50: {  	_ =	shalt  }
0x51: {  	_ =	shalt  }
0x52: {  	_ =	shalt  }
0x53: {  	_ =	shalt  }
0x54: {  	_ =	shalt  }
0x55: {  	_ =	shalt  }
0x56: {  	_ =	shalt  }
0x57: {  	_ =	shalt  }
0x58: {  	_ =	shalt  }
0x59: {  	_ =	shalt  }
0x5a: {  	_ =	shalt  }
0x5b: {  	_ =	shalt  }
0x5c: {  	_ =	shalt  }
0x5d: {  	_ =	shalt  }
0x5e: {  	_ =	shalt  }
0x5f: {  	_ =	shalt  }
0x60: {  	_ =	shalt  }
0x61: {  	_ =	shalt  }
0x62: {  	_ =	shalt  }
0x63: {  	_ =	shalt  }
0x64: {  	_ =	shalt  }
0x65: {  	_ =	shalt  }
0x66: {  	_ =	shalt  }
0x67: {  	_ =	shalt  }
0x68: {  	_ =	shalt  }
0x69: {  	_ =	shalt  }
0x6a: {  	_ =	shalt  }
0x6b: {  	_ =	shalt  }
0x6c: {  	_ =	shalt  }
0x6d: {  	_ =	shalt  }
0x6e: {  	_ =	shalt  }
0x6f: {  	_ =	shalt  }
0x70: {  	_ =	shalt  }
0x71: {  	_ =	shalt  }
0x72: {  	_ =	shalt  }
0x73: {  	_ =	shalt  }
0x74: {  	_ =	shalt  }
0x75: {  	_ =	shalt  }
0x76: {  	_ =	shalt  }
0x77: {  	_ =	shalt  }
0x78: {  	_ =	shalt  }
0x79: {  	_ =	shalt  }
0x7a: {  	_ =	shalt  }
0x7b: {  	_ =	shalt  }
0x7c: {  	_ =	shalt  }
0x7d: {  	_ =	shalt  }
0x7e: {  	_ =	shalt  }
0x7f: {  	_ =	shalt  }
0x80: {  	_ =	shalt  }
0x81: {  	_ =	shalt  }
0x82: {  	_ =	shalt  }
0x83: {  	_ =	shalt  }
0x84: {  	_ =	shalt  }
0x85: {  	_ =	shalt  }
0x86: {  	_ =	shalt  }
0x87: {  	_ =	shalt  }
.Lfunc_end0:
.L_simem_size_0:
called_computation.1_lowered:
.L_overlay_start_0:
0x88: {  	s2 =	sld [smem:$0x3FD9]  }
0x89: {  	s3 =	sld [smem:$0x3FFE];
	_ =	sdelay $0x1  }
0x8a: {  	s1 =	srdreg.scid  }
0x8b: {  	s0 =	sand.u32 $0x1, s1  }
0x8c: {  	s16 =	sshll.u32 s0, $0xA;
	s2 =	sadd.s32 s3, s2  }
0x8d: {  	s2 =	sadd.s32 s2, s16  }
0x8e: {  	[smem:$0x3FBF] =	sst s2  }
0x8f: {  	_ = 	snop  }
0x90: {  	(tm) =	ssettm $0x1  }
0x91: {  	s17 =	sld [smem:$0x3FFB];
	_ =	sdelay $0x3  }
0x92: {  	_ =	strace s17  }
0x93: {  	s2 =	sld [smem:$0x3FFC];
	_ =	sdelay $0x3  }
0x94: {  	_ =	strace s2  }
0x95: {  	s2 =	sld [smem:$0x3FFD];
	_ =	sdelay $0x3  }
0x96: {  	_ =	strace s2  }
0x97: {  	_ =	strace $0x8FFFFFFF  }
0x98: {  	s18 =	sld [smem:$0x3FDB];
	_ =	sdelay $0x1  }
0x99: {  	s19 =	simm.s32 $_scs_section_size  }
0x9a: {  	s4 =	simm.s32 $_size__tile_overlayer_lowered;
	s5 =	simm.s32 $_tile_overlayer_lowered  }
0x9b: {  	s22 =	simm.s32 $0x1BFF;
	s21 =	sshll.u32 s5, $0x1;
	s2 =	sadd.s32 s19, s18  }
0x9c: {  	s6 =	simm.s32 $0x0;
	s20 =	sshll.u32 s4, $0x1;
	s4 =	sadd.s32 s21, s2  }
0x9d: {  	[timem:s6], [sflag:s22] =	dma.local [hbm:s4], s20  }
0x9e: {  	_ =	swait.ge [sflag:s22], s20  }
0x9f: {  	s3 =	ssub.s32 $0x0, s20;
	[sflag:s22] =	ssyncset.done $0x0  }
0xa0: {  	[sflag:s22] =	ssyncadd.s32 s3;
	_ =	sdelay $0x1  }
0xa1: {  	s23 =	simm.s32 $0x1B8B  }
0xa2: {  	_ =	swait.ge [sflag:s23], $0x1  }
0xa3: {  	[sflag:s23] =	ssyncset.done $0x0  }
0xa4: {  	s25 =	simm.s32 $0x1B8E;
	s24 =	sld [smem:$0x3FFE];
	[sflag:s23] =	ssyncadd.s32 $0xFFFFFFFF  }
0xa5: {  	s26 =	simm.s32 $execute0_lowered;
	[smem:$0x3FD2] =	sst s25  }
0xa6: {  	s4 =	sshll.u32 s26, $0x1;
	_ =	strace $0x80000049;
	[dreg:$0x1] =	wrdreg $0xFFFFFFFF  }
0xa7: {  	s28 =	simm.s32 $_size_execute0_lowered;
	s2 =	sadd.s32 s2, s4;
	[dreg:$0x0] =	wrdreg $0x0  }
0xa8: {  	s4 =	sshll.u32 s28, $0x1;
	[dreg:$0x2] =	wrdreg s2  }
0xa9: {  	[dreg:$0x3] =	wrdreg s4  }
0xaa: {  	[dreg:$0x4] =	wrdreg $0xC0  }
0xab: {  	_ =	task [dreg:s6], $0x5FFFF  }
0xac: {  	[dreg:$0x1] =	wrdreg $0xFFFFFFFF  }
0xad: {  	[dreg:$0x0] =	wrdreg $0x60  }
0xae: {  	[dreg:$0x2] =	wrdreg s24  }
0xaf: {  	[dreg:$0x3] =	wrdreg $0xA8000  }
0xb0: {  	[dreg:$0x4] =	wrdreg $0x9  }
0xb1: {  	_ =	task.clear_ibuf [dreg:s6], $0x5FFFF;
	_ =	strace $0x90000049  }
0xb2: {  	s29 =	simm.s32 $0x9;
	_ =	strace $0x8000004B  }
0xb3: {  	_ =	swait.ge [sflag:s29], $0x1  }
0xb4: {  	[sflag:s29] =	ssyncadd.s32 $0xFFFFFFFF  }
0xb5: {  	_ =	strace $0x9000004B  }
0xb6: {  	_ =	sfence  }
0xb7: {  	s30 =	sld [smem:$0x0];
	_ =	sdelay $0x2  }
0xb8: {  	s31 =	sshll.u32 s1, $0xD;
	s1 =	sshrl.u32 s1, $0x2  }
0xb9: {  	s3 =	sand.u32 $0x4000, s31;
	s1 =	sadd.s32 s1, s30  }
0xba: {  	s0 =	sor.u32 s3, s0;
	s1 =	sshll.u32 s1, $0x11  }
0xbb: {  	s0 =	sor.u32 s1, s0  }
0xbc: {  	s0 =	sadd.s32 $0x8F2B, s0  }
0xbd: {  	[sflag:s0] =	ssyncadd.remote.s32 $0x1  }
0xbe: {  	_ =	sfence.sel $0xFFFF  }
0xbf: {  	[dreg:$0x0] =	wrdreg $0xFFFFFFFF;
	(pc) =	sbr.abs _section_cstart, $3  }
0xc0: {  	[dreg:$0x1] =	wrdreg $0xFFFFFFFF  }
0xc1: {  	_ =	task.clear_ibuf [dreg:s6], $0x2FFFF;
	_ =	strace $0x9FFFFFFF  }
0xc2: {  	(tm) =	ssettm $0x7FFFFFFF  }
0xc3: {  	_ =	shalt  }
tec
execute0_lowered:
.L_overlay_start_1:
0x0: {  	(tag) =	ssettag $0x1  }
0x1: {  	s0 =	rddreg [dreg:$0x0]  }
0x2: {  	s1 =	rddreg [dreg:$0x1];
	s2 =	srdreg.scid  }
0x3: {  	s4 =	simm.s32 $0x0;
	s11 =	stileid.u32;
	s28 =	simm.s32 $0x6800  }
0x4: {  	s29 =	simm.s32 $0xC0;
	s30 =	simm.s32 $0x8800;
	s31 =	simm.s32 $0x1  }
0x5: {  	s2 =	sand.u32 $0x1, s2;
	[smem:$0x7FF] =	sst s4;
	s8 =	smul.u32 $0x14000, s11  }
0x6: {  	s4 =	sadd.s32 $0x71C00, s0;
	s5 =	sadd.s32 $0x99C00, s0;
	s6 =	sadd.s32 $0x35C00, s0  }
0x7: {  	s7 =	sadd.s32 $0x21C00, s0;
	s9 =	smul.u32 $0x50000, s11;
	s10 =	sadd.s32 $0x2C00, s0  }
0x8: {  	s21 =	sshrl.u32 s11, $0x3;
	s23 =	sshll.u32 s11, $0x7;
	s14 =	smul.u32 $0x5000, s11  }
0x9: {  	s3 =	smul.u32 $0x140000, s2;
	_ =	strace $0x8000004A;
	s18 =	ssub.s32 $0x2, s2  }
0xa: {  	[dreg:$0x3] =	wrdreg s10;
	s22 =	smul.u32 $0x28000, s21;
	s10 =	sand.u32 $0x380, s23  }
0xb: {  	p0 =	seq.s32 s2, $0x1;
	s21 =	simm.s32 $0x3;
	s23 =	simm.s32 $0x400  }
0xc: {  	s2 =	simm.s32 $0x2780;
	s19 =	sshrl.u32 s18, $0x1;
	s20 =	sshrl.u32 s9, $0x2  }
0xd: {  	s17 =	sadd.s32 $0x50000, s14;
	s3 =	sadd.s32 s8, s3;
	s9 =	sadd.s32 s20, s1  }
0xe: {  	s13 =	sor.u32 s10, s22;
	s20 =	simm.s32 $0x2800;
	s22 =	simm.s32 $0x80  }
0xf: {  	s8 =	simm.s32 $0x0;
	s3 =	sshrl.u32 s3, $0x3;
	s12 =	sadd.s32 $0x4000, s9  }
0x10: {  	s24 =	sadd.s32 $0x8000, s9;
	s25 =	sadd.s32 $0xC000, s9;
	[dreg:$0x4] =	wrdreg s12  }
.Ltmp0:
0x11: {  	s26 =	sadd.s32 $0x10000, s9;
	[dreg:$0x5] =	wrdreg s24;
	(pc) =	sbr.rel .LBB2_1-.Ltmp0, $4  }
0x12: {  	s16 =	sadd.s32 $0x50000, s13;
	s0 =	sadd.s32 s3, s0;
	[dreg:$0x6] =	wrdreg s25  }
0x13: {  	s3 =	ssub.s32 s18, s19;
	[dreg:$0x7] =	wrdreg s26;
	s24 =	simm.s32 $0x1400  }
0x14: {  	s25 =	simm.s32 $0x40;
	s26 =	simm.s32 $0x4800;
	s18 =	sadd.s32 $0xC1C00, s0  }
0x15: {  	s19 =	smax.u32 s3, $0x1;
	s0 =	simm.s32 $0x2;
	s3 =	simm.s32 $0x2700  }
.LBB2_8:
0x16: {  	s10 =	stileid.u32;
	s8 =	sadd.s32 $0x1, s8  }
0x17: {  	[bflag:$0x0] =	sbarrier.arrive $0xFFFF;
	s10 =	sshll.u32 s10, $0x6;
	p1 =	sne.s32 s8, s19  }
.Ltmp1:
0x18: {  	s11 =	sshrl.u32 s9, $0x3;
	s10 =	sor.u32 $0x1C03, s10;
	(pc) =	sbr.rel @!p1 .LBB2_9-.Ltmp1, $4  }
0x19: {  	[hbm:s18], [sflag:s10] =	dma.local [spmem:s11], $0x2800  }
0x1a: {  	_ =	swait.ge [sflag:s21], $0x2800  }
0x1b: {  	[sflag:s21] =	ssyncset.done $0x0  }
0x1c: {  	[sflag:s21] =	ssyncadd.s32 $0xFFFFD800  }
.LBB2_1:
0x1d: {  	s10 =	simm.s32 $0x0;
	s11 =	rddreg [dreg:$0x3]  }
0x1e: {  	[tilespmem:s20], [sflag:$0x3] =	stream.linear.gather [hbm4b:s11+s10], $0x4000, $0x38;
	[tilespmem:$0x1E800] =	vst v63  }
0x1f: {  	_ =	swait.ge [sflag:s21], $0x4000  }
0x20: {  	[sflag:s21] =	ssyncset.done $0x0  }
0x21: {  	[sflag:s21] =	ssyncadd.s32 $0xFFFFC000  }
0x22: {  	[spmem:s9] =	stream.linear.scatter [tilespmem:s20], [sflag:$0x3], $0x4000, $0x38;
	[tilespmem:$0x1E800] =	vst v63  }
0x23: {  	_ =	swait.ge [sflag:s21], $0x4000  }
0x24: {  	[sflag:s21] =	ssyncset.done $0x0  }
0x25: {  	s15 =	rddreg [dreg:$0x4];
	[sflag:s21] =	ssyncadd.s32 $0xFFFFC000  }
0x26: {  	[spmem:s15] =	stream.linear.scatter [tilespmem:s20], [sflag:$0x3], $0x4000, $0x38;
	[tilespmem:$0x1E800] =	vst v63  }
0x27: {  	_ =	swait.ge [sflag:s21], $0x4000  }
0x28: {  	[sflag:s21] =	ssyncset.done $0x0  }
0x29: {  	s11 =	rddreg [dreg:$0x5];
	[sflag:s21] =	ssyncadd.s32 $0xFFFFC000  }
0x2a: {  	[spmem:s11] =	stream.linear.scatter [tilespmem:s20], [sflag:$0x3], $0x4000, $0x38;
	[tilespmem:$0x1E800] =	vst v63  }
0x2b: {  	_ =	swait.ge [sflag:s21], $0x4000  }
0x2c: {  	[sflag:s21] =	ssyncset.done $0x0  }
0x2d: {  	s12 =	rddreg [dreg:$0x6];
	[sflag:s21] =	ssyncadd.s32 $0xFFFFC000  }
0x2e: {  	[spmem:s12] =	stream.linear.scatter [tilespmem:s20], [sflag:$0x3], $0x4000, $0x38;
	[tilespmem:$0x1E800] =	vst v63  }
0x2f: {  	_ =	swait.ge [sflag:s21], $0x4000  }
0x30: {  	[sflag:s21] =	ssyncset.done $0x0  }
0x31: {  	s15 =	rddreg [dreg:$0x7];
	[sflag:s21] =	ssyncadd.s32 $0xFFFFC000  }
0x32: {  	[spmem:s15] =	stream.linear.scatter [tilespmem:s20], [sflag:$0x3], $0x4000, $0x38;
	[tilespmem:$0x1E800] =	vst v63  }
.Ltmp2:
0x33: {  	_ =	swait.ge [sflag:s21], $0x4000;
	(pc) =	sbr.rel @!p0 .LBB2_2-.Ltmp2, $4  }
0x34: {  	[sflag:s21] =	ssyncset.done $0x0  }
0x35: {  	[sflag:s21] =	ssyncadd.s32 $0xFFFFC000  }
0x36: {  	[bflag:$0x0] =	sbarrier.arrive $0xFFFF  }
0x37: {  	s10 =	simm.s32 $0x0;
	s11 =	simm.s32 $0x0  }
.LBB2_5:
0x38: {  	s10 =	smul.u32 $0xA000, s11;
	_ =	sdelay $0x1  }
0x39: {  	s10 =	sadd.s32 s10, s16  }
0x3a: {  	s10 =	sshrl.u32 s10, $0x3  }
0x3b: {  	s12 =	simm.s32 $0x0;
	s15 =	smul.u32 $0x1400, s11;
	s10 =	sadd.s32 s6, s10  }
0x3c: {  	[tilespmem:s12], [sflag:$0x3] =	stream.strided.gather [hbm4b:s10+s22], $0x1400, s23, s22, $0x38;
	[tilespmem:$0x1E800] =	vst v63  }
0x3d: {  	s15 =	sadd.s32 s15, s17;
	_ =	swait.ge [sflag:s21], $0x1400  }
0x3e: {  	s10 =	sshrl.u32 s15, $0x3;
	[sflag:s21] =	ssyncset.done $0x0  }
0x3f: {  	s10 =	sadd.s32 s7, s10;
	[sflag:s21] =	ssyncadd.s32 $0xFFFFEC00  }
0x40: {  	[tilespmem:s24], [sflag:$0x3] =	stream.linear.gather [hbm4b:s10+s12], $0x1400, $0x38;
	[tilespmem:$0x1E800] =	vst v63  }
0x41: {  	_ =	swait.ge [sflag:s21], $0x1400  }
0x42: {  	[sflag:s21] =	ssyncset.done $0x0  }
0x43: {  	[sflag:s21] =	ssyncadd.s32 $0xFFFFEC00  }
0x44: {  	[tilespmem:s20], [sflag:$0x1] =	stream.indirect.gather [hbm4b:s5+s25], $0x80, s12, s25, $0xb8;
	[tilespmem:$0x1E800] =	vst v63  }
0x45: {  	_ = 	snop  }
0x46: {  	[tilespmem:s26], [sflag:$0x1] =	stream.indirect.gather [hbm4b:s5+s25], $0x80, s25, s25, $0xb8;
	[tilespmem:$0x1E800] =	vst v63  }
0x47: {  	_ = 	snop  }
0x48: {  	[tilespmem:s28], [sflag:$0x2] =	stream.indirect.gather [hbm4b:s5+s25], $0x80, s22, s25, $0xb8;
	[tilespmem:$0x1E800] =	vst v63  }
0x49: {  	_ = 	snop  }
0x4a: {  	[tilespmem:s30], [sflag:$0x2] =	stream.indirect.gather [hbm4b:s5+s25], $0x80, s29, s25, $0xb8;
	[tilespmem:$0x1E800] =	vst v63  }
0x4b: {  	_ =	swait.ge [sflag:s31], $0x4000  }
0x4c: {  	[sflag:s31] =	ssyncset.done $0x0  }
0x4d: {  	s15 =	simm.s32 $0x1400;
	[sflag:s31] =	ssyncadd.s32 $0xFFFFC000  }
0x4e: {  	[spmem:s1] =	stream.indirect.scatter.add.f32 [tilespmem:s20], [sflag:$0x3], $0x80, s15, s22, $0xb8;
	[tilespmem:$0x1E800] =	vst v63  }
0x4f: {  	_ =	swait.ge [sflag:s21], $0x4000  }
0x50: {  	[sflag:s21] =	ssyncset.done $0x0  }
0x51: {  	s12 =	simm.s32 $0x100;
	[sflag:s21] =	ssyncadd.s32 $0xFFFFC000  }
0x52: {  	[tilespmem:s20], [sflag:$0x1] =	stream.indirect.gather [hbm4b:s5+s25], $0x80, s12, s25, $0xb8;
	[tilespmem:$0x1E800] =	vst v63  }
0x53: {  	s15 =	simm.s32 $0x140  }
0x54: {  	[tilespmem:s26], [sflag:$0x1] =	stream.indirect.gather [hbm4b:s5+s25], $0x80, s15, s25, $0xb8;
	[tilespmem:$0x1E800] =	vst v63  }
0x55: {  	_ =	swait.ge [sflag:s0], $0x4000  }
0x56: {  	[sflag:s0] =	ssyncset.done $0x0  }
0x57: {  	s12 =	simm.s32 $0x1480;
	[sflag:s0] =	ssyncadd.s32 $0xFFFFC000  }
0x58: {  	[spmem:s1] =	stream.indirect.scatter.add.f32 [tilespmem:s28], [sflag:$0x3], $0x80, s12, s22, $0xb8;
	[tilespmem:$0x1E800] =	vst v63  }
0x59: {  	_ =	swait.ge [sflag:s21], $0x4000  }
0x5a: {  	s10 =	simm.s32 $0x400;
	[sflag:s21] =	ssyncset.done $0x0  }
0x5b: {  	s15 =	simm.s32 $0x180;
	s12 =	simm.s32 $0x1C0;
	[sflag:s21] =	ssyncadd.s32 $0xFFFFC000  }
0x5c: {  	[tilespmem:s28], [sflag:$0x2] =	stream.indirect.gather [hbm4b:s5+s25], $0x80, s15, s25, $0xb8;
	[tilespmem:$0x1E800] =	vst v63  }
.LBB2_6:
0x5d: {  	[tilespmem:s30], [sflag:$0x2] =	stream.indirect.gather [hbm4b:s5+s25], $0x80, s12, s25, $0xb8;
	[tilespmem:$0x1E800] =	vst v63  }
0x5e: {  	s12 =	smov.u32 s10  }
0x5f: {  	p1 =	sne.s32 s10, $0x4800;
	s10 =	sadd.s32 $0x400, s10;
	_ =	swait.ge [sflag:s31], $0x4000  }
0x60: {  	s12 =	sshra.s32 s12, $0x2;
	[sflag:s31] =	ssyncset.done $0x0  }
0x61: {  	s15 =	sadd.s32 $0x1400, s12;
	[sflag:s31] =	ssyncadd.s32 $0xFFFFC000  }
0x62: {  	[spmem:s1] =	stream.indirect.scatter.add.f32 [tilespmem:s20], [sflag:$0x3], $0x80, s15, s22, $0xb8;
	[tilespmem:$0x1E800] =	vst v63  }
0x63: {  	_ =	swait.ge [sflag:s21], $0x4000  }
0x64: {  	[sflag:s21] =	ssyncset.done $0x0  }
0x65: {  	s15 =	sadd.s32 $0x100, s12;
	[sflag:s21] =	ssyncadd.s32 $0xFFFFC000  }
0x66: {  	[tilespmem:s20], [sflag:$0x1] =	stream.indirect.gather [hbm4b:s5+s25], $0x80, s15, s25, $0xb8;
	[tilespmem:$0x1E800] =	vst v63  }
0x67: {  	s15 =	sadd.s32 $0x140, s12  }
0x68: {  	[tilespmem:s26], [sflag:$0x1] =	stream.indirect.gather [hbm4b:s5+s25], $0x80, s15, s25, $0xb8;
	[tilespmem:$0x1E800] =	vst v63  }
0x69: {  	_ =	swait.ge [sflag:s0], $0x4000  }
0x6a: {  	[sflag:s0] =	ssyncset.done $0x0  }
0x6b: {  	s15 =	sadd.s32 $0x1480, s12;
	[sflag:s0] =	ssyncadd.s32 $0xFFFFC000  }
0x6c: {  	[spmem:s1] =	stream.indirect.scatter.add.f32 [tilespmem:s28], [sflag:$0x3], $0x80, s15, s22, $0xb8;
	[tilespmem:$0x1E800] =	vst v63  }
.Ltmp3:
0x6d: {  	_ =	swait.ge [sflag:s21], $0x4000;
	(pc) =	sbr.rel @p1 .LBB2_6-.Ltmp3, $4  }
0x6e: {  	[sflag:s21] =	ssyncset.done $0x0  }
0x6f: {  	s15 =	sadd.s32 $0x180, s12;
	[sflag:s21] =	ssyncadd.s32 $0xFFFFC000  }
0x70: {  	[tilespmem:s28], [sflag:$0x2] =	stream.indirect.gather [hbm4b:s5+s25], $0x80, s15, s25, $0xb8;
	[tilespmem:$0x1E800] =	vst v63  }
0x71: {  	s12 =	sadd.s32 $0x1C0, s12  }
0x72: {  	[tilespmem:s30], [sflag:$0x2] =	stream.indirect.gather [hbm4b:s5+s25], $0x80, s12, s25, $0xb8;
	[tilespmem:$0x1E800] =	vst v63  }
0x73: {  	_ =	swait.ge [sflag:s31], $0x4000  }
0x74: {  	[sflag:s31] =	ssyncset.done $0x0  }
0x75: {  	[sflag:s31] =	ssyncadd.s32 $0xFFFFC000  }
0x76: {  	[spmem:s1] =	stream.indirect.scatter.add.f32 [tilespmem:s20], [sflag:$0x3], $0x80, s3, s22, $0xb8;
	[tilespmem:$0x1E800] =	vst v63  }
0x77: {  	_ =	swait.ge [sflag:s21], $0x4000  }
0x78: {  	[sflag:s21] =	ssyncset.done $0x0  }
0x79: {  	[sflag:s21] =	ssyncadd.s32 $0xFFFFC000  }
0x7a: {  	_ =	swait.ge [sflag:s0], $0x4000  }
0x7b: {  	s11 =	sadd.s32 $0x1, s11;
	[sflag:s0] =	ssyncset.done $0x0  }
0x7c: {  	p1 =	sne.s32 s11, $0x4;
	[sflag:s0] =	ssyncadd.s32 $0xFFFFC000  }
0x7d: {  	[spmem:s1] =	stream.indirect.scatter.add.f32 [tilespmem:s28], [sflag:$0x3], $0x80, s2, s22, $0xb8;
	[tilespmem:$0x1E800] =	vst v63  }
.Ltmp4:
0x7e: {  	_ = 	snop;
	(pc) =	sbr.rel @p1 .LBB2_5-.Ltmp4, $4  }
.Ltmp5:
0x7f: {  	_ = 	snop;
	(pc) =	sbr.rel @!p1 .LBB2_8-.Ltmp5, $4  }
0x80: {  	_ =	swait.ge [sflag:s21], $0x4000  }
0x81: {  	[sflag:s21] =	ssyncset.done $0x0  }
0x82: {  	[sflag:s21] =	ssyncadd.s32 $0xFFFFC000  }
0x83: {  	_ = 	snop  }
.LBB2_2:
0x84: {  	s11 =	smul.u32 $0xA000, s10;
	_ =	sdelay $0x1  }
0x85: {  	s11 =	sadd.s32 s13, s11  }
0x86: {  	s11 =	sshrl.u32 s11, $0x3  }
0x87: {  	s12 =	simm.s32 $0x0;
	s15 =	smul.u32 $0x1400, s10;
	s11 =	sadd.s32 s6, s11  }
0x88: {  	[tilespmem:s12], [sflag:$0x3] =	stream.strided.gather [hbm4b:s11+s22], $0x1400, s23, s22, $0x38;
	[tilespmem:$0x1E800] =	vst v63  }
0x89: {  	s15 =	sadd.s32 s14, s15;
	_ =	swait.ge [sflag:s21], $0x1400  }
0x8a: {  	s11 =	sshrl.u32 s15, $0x3;
	[sflag:s21] =	ssyncset.done $0x0  }
0x8b: {  	s11 =	sadd.s32 s7, s11;
	[sflag:s21] =	ssyncadd.s32 $0xFFFFEC00  }
0x8c: {  	[tilespmem:s24], [sflag:$0x3] =	stream.linear.gather [hbm4b:s11+s12], $0x1400, $0x38;
	[tilespmem:$0x1E800] =	vst v63  }
0x8d: {  	_ =	swait.ge [sflag:s21], $0x1400  }
0x8e: {  	[sflag:s21] =	ssyncset.done $0x0  }
0x8f: {  	[sflag:s21] =	ssyncadd.s32 $0xFFFFEC00  }
0x90: {  	[tilespmem:s20], [sflag:$0x1] =	stream.indirect.gather [hbm4b:s4+s25], $0x80, s12, s25, $0xb8;
	[tilespmem:$0x1E800] =	vst v63  }
0x91: {  	_ = 	snop  }
0x92: {  	[tilespmem:s26], [sflag:$0x1] =	stream.indirect.gather [hbm4b:s4+s25], $0x80, s25, s25, $0xb8;
	[tilespmem:$0x1E800] =	vst v63  }
0x93: {  	_ = 	snop  }
0x94: {  	[tilespmem:s28], [sflag:$0x2] =	stream.indirect.gather [hbm4b:s4+s25], $0x80, s22, s25, $0xb8;
	[tilespmem:$0x1E800] =	vst v63  }
0x95: {  	_ = 	snop  }
0x96: {  	[tilespmem:s30], [sflag:$0x2] =	stream.indirect.gather [hbm4b:s4+s25], $0x80, s29, s25, $0xb8;
	[tilespmem:$0x1E800] =	vst v63  }
0x97: {  	_ =	swait.ge [sflag:s31], $0x4000  }
0x98: {  	[sflag:s31] =	ssyncset.done $0x0  }
0x99: {  	s15 =	simm.s32 $0x1400;
	[sflag:s31] =	ssyncadd.s32 $0xFFFFC000  }
0x9a: {  	[spmem:s1] =	stream.indirect.scatter.add.f32 [tilespmem:s20], [sflag:$0x3], $0x80, s15, s22, $0xb8;
	[tilespmem:$0x1E800] =	vst v63  }
0x9b: {  	_ =	swait.ge [sflag:s21], $0x4000  }
0x9c: {  	[sflag:s21] =	ssyncset.done $0x0  }
0x9d: {  	s12 =	simm.s32 $0x100;
	[sflag:s21] =	ssyncadd.s32 $0xFFFFC000  }
0x9e: {  	[tilespmem:s20], [sflag:$0x1] =	stream.indirect.gather [hbm4b:s4+s25], $0x80, s12, s25, $0xb8;
	[tilespmem:$0x1E800] =	vst v63  }
0x9f: {  	s15 =	simm.s32 $0x140  }
0xa0: {  	[tilespmem:s26], [sflag:$0x1] =	stream.indirect.gather [hbm4b:s4+s25], $0x80, s15, s25, $0xb8;
	[tilespmem:$0x1E800] =	vst v63  }
0xa1: {  	_ =	swait.ge [sflag:s0], $0x4000  }
0xa2: {  	[sflag:s0] =	ssyncset.done $0x0  }
0xa3: {  	s12 =	simm.s32 $0x1480;
	[sflag:s0] =	ssyncadd.s32 $0xFFFFC000  }
0xa4: {  	[spmem:s1] =	stream.indirect.scatter.add.f32 [tilespmem:s28], [sflag:$0x3], $0x80, s12, s22, $0xb8;
	[tilespmem:$0x1E800] =	vst v63  }
0xa5: {  	_ =	swait.ge [sflag:s21], $0x4000  }
0xa6: {  	s11 =	simm.s32 $0x400;
	[sflag:s21] =	ssyncset.done $0x0  }
0xa7: {  	s15 =	simm.s32 $0x180;
	s12 =	simm.s32 $0x1C0;
	[sflag:s21] =	ssyncadd.s32 $0xFFFFC000  }
0xa8: {  	[tilespmem:s28], [sflag:$0x2] =	stream.indirect.gather [hbm4b:s4+s25], $0x80, s15, s25, $0xb8;
	[tilespmem:$0x1E800] =	vst v63  }
.LBB2_3:
0xa9: {  	[tilespmem:s30], [sflag:$0x2] =	stream.indirect.gather [hbm4b:s4+s25], $0x80, s12, s25, $0xb8;
	[tilespmem:$0x1E800] =	vst v63  }
0xaa: {  	s12 =	smov.u32 s11  }
0xab: {  	p1 =	sne.s32 s11, $0x4800;
	s11 =	sadd.s32 $0x400, s11;
	_ =	swait.ge [sflag:s31], $0x4000  }
0xac: {  	s12 =	sshra.s32 s12, $0x2;
	[sflag:s31] =	ssyncset.done $0x0  }
0xad: {  	s15 =	sadd.s32 $0x1400, s12;
	[sflag:s31] =	ssyncadd.s32 $0xFFFFC000  }
0xae: {  	[spmem:s1] =	stream.indirect.scatter.add.f32 [tilespmem:s20], [sflag:$0x3], $0x80, s15, s22, $0xb8;
	[tilespmem:$0x1E800] =	vst v63  }
0xaf: {  	_ =	swait.ge [sflag:s21], $0x4000  }
0xb0: {  	[sflag:s21] =	ssyncset.done $0x0  }
0xb1: {  	s15 =	sadd.s32 $0x100, s12;
	[sflag:s21] =	ssyncadd.s32 $0xFFFFC000  }
0xb2: {  	[tilespmem:s20], [sflag:$0x1] =	stream.indirect.gather [hbm4b:s4+s25], $0x80, s15, s25, $0xb8;
	[tilespmem:$0x1E800] =	vst v63  }
0xb3: {  	s15 =	sadd.s32 $0x140, s12  }
0xb4: {  	[tilespmem:s26], [sflag:$0x1] =	stream.indirect.gather [hbm4b:s4+s25], $0x80, s15, s25, $0xb8;
	[tilespmem:$0x1E800] =	vst v63  }
0xb5: {  	_ =	swait.ge [sflag:s0], $0x4000  }
0xb6: {  	[sflag:s0] =	ssyncset.done $0x0  }
0xb7: {  	s15 =	sadd.s32 $0x1480, s12;
	[sflag:s0] =	ssyncadd.s32 $0xFFFFC000  }
0xb8: {  	[spmem:s1] =	stream.indirect.scatter.add.f32 [tilespmem:s28], [sflag:$0x3], $0x80, s15, s22, $0xb8;
	[tilespmem:$0x1E800] =	vst v63  }
.Ltmp6:
0xb9: {  	_ =	swait.ge [sflag:s21], $0x4000;
	(pc) =	sbr.rel @p1 .LBB2_3-.Ltmp6, $4  }
0xba: {  	[sflag:s21] =	ssyncset.done $0x0  }
0xbb: {  	s15 =	sadd.s32 $0x180, s12;
	[sflag:s21] =	ssyncadd.s32 $0xFFFFC000  }
0xbc: {  	[tilespmem:s28], [sflag:$0x2] =	stream.indirect.gather [hbm4b:s4+s25], $0x80, s15, s25, $0xb8;
	[tilespmem:$0x1E800] =	vst v63  }
0xbd: {  	s12 =	sadd.s32 $0x1C0, s12  }
0xbe: {  	[tilespmem:s30], [sflag:$0x2] =	stream.indirect.gather [hbm4b:s4+s25], $0x80, s12, s25, $0xb8;
	[tilespmem:$0x1E800] =	vst v63  }
0xbf: {  	_ =	swait.ge [sflag:s31], $0x4000  }
0xc0: {  	[sflag:s31] =	ssyncset.done $0x0  }
0xc1: {  	[sflag:s31] =	ssyncadd.s32 $0xFFFFC000  }
0xc2: {  	[spmem:s1] =	stream.indirect.scatter.add.f32 [tilespmem:s20], [sflag:$0x3], $0x80, s3, s22, $0xb8;
	[tilespmem:$0x1E800] =	vst v63  }
0xc3: {  	_ =	swait.ge [sflag:s21], $0x4000  }
0xc4: {  	[sflag:s21] =	ssyncset.done $0x0  }
0xc5: {  	[sflag:s21] =	ssyncadd.s32 $0xFFFFC000  }
0xc6: {  	_ =	swait.ge [sflag:s0], $0x4000  }
0xc7: {  	s10 =	sadd.s32 $0x1, s10;
	[sflag:s0] =	ssyncset.done $0x0  }
0xc8: {  	p1 =	seq.s32 s10, $0x4;
	[sflag:s0] =	ssyncadd.s32 $0xFFFFC000  }
0xc9: {  	[spmem:s1] =	stream.indirect.scatter.add.f32 [tilespmem:s28], [sflag:$0x3], $0x80, s2, s22, $0xb8;
	[tilespmem:$0x1E800] =	vst v63  }
.Ltmp7:
0xca: {  	_ = 	snop;
	(pc) =	sbr.rel @!p1 .LBB2_2-.Ltmp7, $4  }
.Ltmp8:
0xcb: {  	_ = 	snop;
	(pc) =	sbr.rel @p1 .LBB2_8-.Ltmp8, $4  }
0xcc: {  	_ =	swait.ge [sflag:s21], $0x4000  }
0xcd: {  	[sflag:s21] =	ssyncset.done $0x0  }
0xce: {  	[sflag:s21] =	ssyncadd.s32 $0xFFFFC000  }
0xcf: {  	_ = 	snop  }
.LBB2_9:
0xd0: {  	_ =	sfence.sel $0x180000  }
0xd1: {  	[bflag:$0x0] =	sbarrier.arrive $0xFFFF  }
0xd2: {  	_ =	strace $0x9000004A  }
0xd3: {  	s0 =	stileid.u32;
	[bflag:$0x2] =	sbarrier.arrive $0xFFFF  }
0xd4: {  	p0 =	sne.s32 s0, $0x0;
	s0 =	rddreg [dreg:$0x2]  }
0xd5: {  	s0 =	sadd.s32 @!p0 $0x100000, s0  }
0xd6: {  	[sflag:s0] =	ssyncadd.tile.s32 @!p0 $0x1;
	_ =	shalt  }
.Lfunc_end2:
_tile_overlayer_lowered:
.L_overlay_start_2:
0xd7: {  	(tag) =	ssettag $0x2  }
0xd8: {  	s0 =	rddreg [dreg:$0x0];
	s2 =	stileid.u32  }
0xd9: {  	s1 =	rddreg [dreg:$0x1];
	p0 =	sne.s32 s2, $0x0  }
0xda: {  	s3 =	rddreg [dreg:$0x2];
	[bflag:$0x3] =	sbarrier.arrive $0xFFFF;
	s2 =	simm.s32 @!p0 $0x1C03  }
0xdb: {  	[timem:s3], [sflag:s2] =	dma.local @!p0 [hbm:s0], s1  }
0xdc: {  	s0 =	simm.s32 @!p0 $0x3  }
0xdd: {  	_ =	swait.ge @!p0 [sflag:s0], s1  }
0xde: {  	s1 =	ssub.s32 @!p0 $0x0, s1;
	[sflag:s0] =	ssyncset.done @!p0 $0x0  }
0xdf: {  	[sflag:s0] =	ssyncadd.s32 @!p0 s1  }
0xe0: {  	[bflag:$0x3] =	sbarrier.arrive $0xFFFF  }
0xe1: {  	_ =	shalt  }

// kernel: kernel.14.cloned.1.call-start
scs
__scs_entry_jumppad:
0x0: {  	(pc) =	sbr.rel $0x88, $3  }
0x1: {  	(tag) =	ssettag $0x0;
	lr =	simm.s32 $0x1  }
0x2: {  	[smem:$0x3F98] =	sst lr;
	_ =	strace $0xD0000000  }
0x3: {  	_ = 	snop  }
0x4: {  	_ = 	snop  }
0x5: {  	_ = 	snop  }
0x6: {  	_ = 	snop  }
0x7: {  	_ = 	snop  }
__scs_overlays_trampoline_lowered:
0x8: {  	[smem:$0x3FA7] =	sst s0  }
0x9: {  	[smem:$0x3FA8] =	sst s1  }
0xa: {  	[smem:$0x3FA9] =	sst s2  }
0xb: {  	[smem:$0x3FAA] =	sst s3  }
0xc: {  	[smem:$0x3FAB] =	sst s4  }
0xd: {  	[smem:$0x3FAC] =	sst s5  }
0xe: {  	[smem:$0x3FAD] =	sst s6  }
0xf: {  	[smem:$0x3FAE] =	sst s7  }
0x10: {  	[smem:$0x3FAF] =	sst s8  }
0x11: {  	[smem:$0x3FB0] =	sst s9;
	s0 =	simm.s32 @!p0 $0x0  }
0x12: {  	s1 =	sld [smem:$0x3F96];
	s0 =	simm.s32 @p0 $0x1  }
0x13: {  	[smem:$0x3FB1] =	sst s0;
	s0 =	simm.s32 @!p1 $0x0  }
0x14: {  	s2 =	sld [smem:$0x3F95];
	s0 =	simm.s32 @p1 $0x1  }
0x15: {  	[smem:$0x3FB2] =	sst s0;
	s0 =	simm.s32 @!p2 $0x0  }
0x16: {  	s3 =	sld [smem:$0x3FDB];
	s0 =	simm.s32 @p2 $0x1  }
0x17: {  	s4 =	simm.s32 $0x1BF5;
	[smem:$0x3FB4] =	sst s0  }
0x18: {  	s0 =	sld [smem:$0x3F97];
	_ =	swait.ge [sflag:s4], $0x0  }
0x19: {  	s7 =	sld [smem:$0x3F98]  }
0x1a: {  	s8 =	sadd.s32 $0xFFFFE003, lr  }
0x1b: {  	s9 =	sadd.s32 $0xFFFFFEF7, lr;
	s5 =	simm.s32 $0xFFFFFFFF;
	p2 =	slt.u32 s8, $0xFFFFF086  }
0x1c: {  	p1 =	slt.u32 s9, $0xF7A;
	s5 =	simm.s32 @!p2 $0x0  }
0x1d: {  	s5 =	simm.s32 @p1 $0x1;
	p0 =	seq.s32 s7, s2  }
0x1e: {  	s7 =	smul.u32 @!p0 $0xF7A, s2;
	p2 =	seq.s32 @!p0 s5, $0x0  }
0x1f: {  	s9 =	smul.u32 $0xF7A, s1;
	s8 =	simm.s32 @!p0 $0x1BF5;
	p2 =	por !p2, p0  }
0x20: {  	[sflag:s8] =	ssyncset.s32 @!p0 $0xFFFFF086;
	s6 =	sadd.s32 @!p0 s3, s7;
	s7 =	simm.s32 @!p0 $0x108  }
0x21: {  	s3 =	sadd.s32 s3, s9;
	s6 =	sadd.s32 @!p0 $0x88, s6;
	s7 =	simm.s32 @p2 $0x1082  }
0x22: {  	[simem:s7], [sflag:s8] =	dma.local @!p0 [hbm:s6], $0xF7A  }
0x23: {  	s9 =	sor.u32 $0xD0000000, s2;
	s6 =	simm.s32 $0x108;
	_ =	swait.ge @!p0 [sflag:s8], $0x0  }
0x24: {  	s3 =	sadd.s32 $0x88, s3;
	s6 =	simm.s32 @!p1 $0x1082;
	[sflag:s4] =	ssyncset.s32 $0xFFFFF086  }
0x25: {  	[simem:s6], [sflag:s4] =	dma.local [hbm:s3], $0xF7A  }
0x26: {  	[smem:$0x3F98] =	sst s1;
	(tag) =	ssettag s2;
	_ =	strace s9  }
0x27: {  	s1 =	sld [smem:$0x3FA8]  }
0x28: {  	s2 =	sld [smem:$0x3FA9]  }
0x29: {  	s4 =	sld [smem:$0x3FAB]  }
0x2a: {  	p0 =	seq.s32 s5, $0x0;
	s5 =	sld [smem:$0x3FAC]  }
0x2b: {  	s6 =	sld [smem:$0x3FAD]  }
0x2c: {  	s7 =	sld [smem:$0x3FAE]  }
0x2d: {  	s3 =	simm.s32 $0x108;
	s8 =	sld [smem:$0x3FAF]  }
0x2e: {  	s3 =	simm.s32 @!p0 $0x1082;
	s9 =	sld [smem:$0x3FB0]  }
0x2f: {  	lr =	sadd.s32 s0, s3;
	s0 =	sld [smem:$0x3FA7]  }
0x30: {  	s3 =	sld [smem:$0x3FAA]  }
0x31: {  	[smem:$0x3FB3] =	sst s10  }
0x32: {  	s10 =	sld [smem:$0x3FB1];
	_ =	sdelay $0x3  }
0x33: {  	p0 =	seq.s32 s10, $0x1;
	s10 =	sld [smem:$0x3FB3];
	_ =	sdelay $0x3  }
0x34: {  	[smem:$0x3FB3] =	sst s10  }
0x35: {  	s10 =	sld [smem:$0x3FB2];
	_ =	sdelay $0x3  }
0x36: {  	p1 =	seq.s32 s10, $0x1;
	s10 =	sld [smem:$0x3FB3];
	_ =	sdelay $0x3  }
0x37: {  	[smem:$0x3FB3] =	sst s10  }
0x38: {  	s10 =	sld [smem:$0x3FB4]  }
0x39: {  	_ = 	snop;
	(pc) =	sbr.ind lr, $3  }
0x3a: {  	_ = 	snop  }
0x3b: {  	_ = 	snop  }
0x3c: {  	p2 =	seq.s32 s10, $0x1;
	s10 =	sld [smem:$0x3FB3]  }
0x3d: {  	_ =	shalt  }
0x3e: {  	_ =	shalt  }
0x3f: {  	_ =	shalt  }
0x40: {  	_ =	shalt  }
0x41: {  	_ =	shalt  }
0x42: {  	_ =	shalt  }
0x43: {  	_ =	shalt  }
0x44: {  	_ =	shalt  }
0x45: {  	_ =	shalt  }
0x46: {  	_ =	shalt  }
0x47: {  	_ =	shalt  }
0x48: {  	_ =	shalt  }
0x49: {  	_ =	shalt  }
0x4a: {  	_ =	shalt  }
0x4b: {  	_ =	shalt  }
0x4c: {  	_ =	shalt  }
0x4d: {  	_ =	shalt  }
0x4e: {  	_ =	shalt  }
0x4f: {  	_ =	shalt  }
0x50: {  	_ =	shalt  }
0x51: {  	_ =	shalt  }
0x52: {  	_ =	shalt  }
0x53: {  	_ =	shalt  }
0x54: {  	_ =	shalt  }
0x55: {  	_ =	shalt  }
0x56: {  	_ =	shalt  }
0x57: {  	_ =	shalt  }
0x58: {  	_ =	shalt  }
0x59: {  	_ =	shalt  }
0x5a: {  	_ =	shalt  }
0x5b: {  	_ =	shalt  }
0x5c: {  	_ =	shalt  }
0x5d: {  	_ =	shalt  }
0x5e: {  	_ =	shalt  }
0x5f: {  	_ =	shalt  }
0x60: {  	_ =	shalt  }
0x61: {  	_ =	shalt  }
0x62: {  	_ =	shalt  }
0x63: {  	_ =	shalt  }
0x64: {  	_ =	shalt  }
0x65: {  	_ =	shalt  }
0x66: {  	_ =	shalt  }
0x67: {  	_ =	shalt  }
0x68: {  	_ =	shalt  }
0x69: {  	_ =	shalt  }
0x6a: {  	_ =	shalt  }
0x6b: {  	_ =	shalt  }
0x6c: {  	_ =	shalt  }
0x6d: {  	_ =	shalt  }
0x6e: {  	_ =	shalt  }
0x6f: {  	_ =	shalt  }
0x70: {  	_ =	shalt  }
0x71: {  	_ =	shalt  }
0x72: {  	_ =	shalt  }
0x73: {  	_ =	shalt  }
0x74: {  	_ =	shalt  }
0x75: {  	_ =	shalt  }
0x76: {  	_ =	shalt  }
0x77: {  	_ =	shalt  }
0x78: {  	_ =	shalt  }
0x79: {  	_ =	shalt  }
0x7a: {  	_ =	shalt  }
0x7b: {  	_ =	shalt  }
0x7c: {  	_ =	shalt  }
0x7d: {  	_ =	shalt  }
0x7e: {  	_ =	shalt  }
0x7f: {  	_ =	shalt  }
0x80: {  	_ =	shalt  }
0x81: {  	_ =	shalt  }
0x82: {  	_ =	shalt  }
0x83: {  	_ =	shalt  }
0x84: {  	_ =	shalt  }
0x85: {  	_ =	shalt  }
0x86: {  	_ =	shalt  }
0x87: {  	_ =	shalt  }
.Lfunc_end0:
.L_simem_size_0:
called_computation.2_lowered:
.L_overlay_start_0:
0x88: {  	s2 =	sld [smem:$0x3FD9]  }
0x89: {  	s3 =	sld [smem:$0x3FFE];
	_ =	sdelay $0x1  }
0x8a: {  	s1 =	srdreg.scid  }
0x8b: {  	s0 =	sand.u32 $0x1, s1  }
0x8c: {  	s16 =	sshll.u32 s0, $0xA;
	s2 =	sadd.s32 s3, s2  }
0x8d: {  	s2 =	sadd.s32 s2, s16  }
0x8e: {  	[smem:$0x3FBF] =	sst s2  }
0x8f: {  	_ = 	snop  }
0x90: {  	(tm) =	ssettm $0x1  }
0x91: {  	s17 =	sld [smem:$0x3FFB];
	_ =	sdelay $0x3  }
0x92: {  	_ =	strace s17  }
0x93: {  	s2 =	sld [smem:$0x3FFC];
	_ =	sdelay $0x3  }
0x94: {  	_ =	strace s2  }
0x95: {  	s2 =	sld [smem:$0x3FFD];
	_ =	sdelay $0x3  }
0x96: {  	_ =	strace s2  }
0x97: {  	_ =	strace $0x8FFFFFFF  }
0x98: {  	s18 =	sld [smem:$0x3FDB];
	_ =	sdelay $0x1  }
0x99: {  	s19 =	simm.s32 $_scs_section_size  }
0x9a: {  	s4 =	simm.s32 $_size__tile_overlayer_lowered;
	s5 =	simm.s32 $_tile_overlayer_lowered  }
0x9b: {  	s22 =	simm.s32 $0x1BFF;
	s21 =	sshll.u32 s5, $0x1;
	s2 =	sadd.s32 s19, s18  }
0x9c: {  	s6 =	simm.s32 $0x0;
	s20 =	sshll.u32 s4, $0x1;
	s4 =	sadd.s32 s21, s2  }
0x9d: {  	[timem:s6], [sflag:s22] =	dma.local [hbm:s4], s20  }
0x9e: {  	_ =	swait.ge [sflag:s22], s20  }
0x9f: {  	s3 =	ssub.s32 $0x0, s20;
	[sflag:s22] =	ssyncset.done $0x0  }
0xa0: {  	[sflag:s22] =	ssyncadd.s32 s3;
	_ =	sdelay $0x1  }
0xa1: {  	s23 =	simm.s32 $0x1B8B  }
0xa2: {  	_ =	swait.ge [sflag:s23], $0x1  }
0xa3: {  	[sflag:s23] =	ssyncset.done $0x0  }
0xa4: {  	s25 =	simm.s32 $0x1B8E;
	s24 =	sld [smem:$0x3FFE];
	[sflag:s23] =	ssyncadd.s32 $0xFFFFFFFF  }
0xa5: {  	s26 =	simm.s32 $execute0_lowered;
	[smem:$0x3FD2] =	sst s25  }
0xa6: {  	s4 =	sshll.u32 s26, $0x1;
	_ =	strace $0x8000004C;
	[dreg:$0x1] =	wrdreg $0xFFFFFFFF  }
0xa7: {  	s28 =	simm.s32 $_size_execute0_lowered;
	s2 =	sadd.s32 s2, s4;
	[dreg:$0x0] =	wrdreg $0x0  }
0xa8: {  	s4 =	sshll.u32 s28, $0x1;
	[dreg:$0x2] =	wrdreg s2  }
0xa9: {  	[dreg:$0x3] =	wrdreg s4  }
0xaa: {  	[dreg:$0x4] =	wrdreg $0xC0  }
0xab: {  	_ =	task [dreg:s6], $0x5FFFF  }
0xac: {  	[dreg:$0x1] =	wrdreg $0xFFFFFFFF  }
0xad: {  	[dreg:$0x0] =	wrdreg $0x60  }
0xae: {  	[dreg:$0x2] =	wrdreg s24  }
0xaf: {  	[dreg:$0x3] =	wrdreg $0xA8000  }
0xb0: {  	[dreg:$0x4] =	wrdreg $0x9  }
0xb1: {  	_ =	task.clear_ibuf [dreg:s6], $0x5FFFF;
	_ =	strace $0x9000004C  }
0xb2: {  	s29 =	simm.s32 $0x9;
	_ =	strace $0x8000004E  }
0xb3: {  	_ =	swait.ge [sflag:s29], $0x1  }
0xb4: {  	[sflag:s29] =	ssyncadd.s32 $0xFFFFFFFF  }
0xb5: {  	_ =	strace $0x9000004E  }
0xb6: {  	_ =	sfence  }
0xb7: {  	s30 =	sld [smem:$0x0];
	_ =	sdelay $0x2  }
0xb8: {  	s31 =	sshll.u32 s1, $0xD;
	s1 =	sshrl.u32 s1, $0x2  }
0xb9: {  	s3 =	sand.u32 $0x4000, s31;
	s1 =	sadd.s32 s1, s30  }
0xba: {  	s0 =	sor.u32 s3, s0;
	s1 =	sshll.u32 s1, $0x11  }
0xbb: {  	s0 =	sor.u32 s1, s0  }
0xbc: {  	s0 =	sadd.s32 $0x8F2B, s0  }
0xbd: {  	[sflag:s0] =	ssyncadd.remote.s32 $0x1  }
0xbe: {  	_ =	sfence.sel $0xFFFF  }
0xbf: {  	[dreg:$0x0] =	wrdreg $0xFFFFFFFF;
	(pc) =	sbr.abs _section_cstart, $3  }
0xc0: {  	[dreg:$0x1] =	wrdreg $0xFFFFFFFF  }
0xc1: {  	_ =	task.clear_ibuf [dreg:s6], $0x2FFFF;
	_ =	strace $0x9FFFFFFF  }
0xc2: {  	(tm) =	ssettm $0x7FFFFFFF  }
0xc3: {  	_ =	shalt  }
tec
execute0_lowered:
.L_overlay_start_1:
0x0: {  	(tag) =	ssettag $0x1  }
0x1: {  	s0 =	rddreg [dreg:$0x0]  }
0x2: {  	s1 =	rddreg [dreg:$0x1];
	s2 =	srdreg.scid  }
0x3: {  	s4 =	simm.s32 $0x0;
	s11 =	stileid.u32;
	s28 =	simm.s32 $0x6800  }
0x4: {  	s29 =	simm.s32 $0xC0;
	s30 =	simm.s32 $0x8800;
	s31 =	simm.s32 $0x1  }
0x5: {  	s2 =	sand.u32 $0x1, s2;
	[smem:$0x7FF] =	sst s4;
	s8 =	smul.u32 $0x14000, s11  }
0x6: {  	s4 =	sadd.s32 $0x49C00, s0;
	s5 =	sadd.s32 $0x71C00, s0;
	s6 =	sadd.s32 $0x35C00, s0  }
0x7: {  	s7 =	sadd.s32 $0x21C00, s0;
	s9 =	smul.u32 $0x50000, s11;
	s10 =	sadd.s32 $0x2C00, s0  }
0x8: {  	s21 =	sshrl.u32 s11, $0x3;
	s23 =	sshll.u32 s11, $0x7;
	s14 =	smul.u32 $0x5000, s11  }
0x9: {  	s3 =	smul.u32 $0x140000, s2;
	_ =	strace $0x8000004D;
	s18 =	ssub.s32 $0x2, s2  }
0xa: {  	[dreg:$0x3] =	wrdreg s10;
	s22 =	smul.u32 $0x28000, s21;
	s10 =	sand.u32 $0x380, s23  }
0xb: {  	p0 =	seq.s32 s2, $0x1;
	s21 =	simm.s32 $0x3;
	s23 =	simm.s32 $0x400  }
0xc: {  	s2 =	simm.s32 $0x2780;
	s19 =	sshrl.u32 s18, $0x1;
	s20 =	sshrl.u32 s9, $0x2  }
0xd: {  	s17 =	sadd.s32 $0x50000, s14;
	s3 =	sadd.s32 s8, s3;
	s9 =	sadd.s32 s20, s1  }
0xe: {  	s13 =	sor.u32 s10, s22;
	s20 =	simm.s32 $0x2800;
	s22 =	simm.s32 $0x80  }
0xf: {  	s8 =	simm.s32 $0x0;
	s3 =	sshrl.u32 s3, $0x3;
	s12 =	sadd.s32 $0x4000, s9  }
0x10: {  	s24 =	sadd.s32 $0x8000, s9;
	s25 =	sadd.s32 $0xC000, s9;
	[dreg:$0x4] =	wrdreg s12  }
.Ltmp0:
0x11: {  	s26 =	sadd.s32 $0x10000, s9;
	[dreg:$0x5] =	wrdreg s24;
	(pc) =	sbr.rel .LBB2_1-.Ltmp0, $4  }
0x12: {  	s16 =	sadd.s32 $0x50000, s13;
	s0 =	sadd.s32 s3, s0;
	[dreg:$0x6] =	wrdreg s25  }
0x13: {  	s3 =	ssub.s32 s18, s19;
	[dreg:$0x7] =	wrdreg s26;
	s24 =	simm.s32 $0x1400  }
0x14: {  	s25 =	simm.s32 $0x40;
	s26 =	simm.s32 $0x4800;
	s18 =	sadd.s32 $0x99C00, s0  }
0x15: {  	s19 =	smax.u32 s3, $0x1;
	s0 =	simm.s32 $0x2;
	s3 =	simm.s32 $0x2700  }
.LBB2_8:
0x16: {  	s10 =	stileid.u32;
	s8 =	sadd.s32 $0x1, s8  }
0x17: {  	[bflag:$0x0] =	sbarrier.arrive $0xFFFF;
	s10 =	sshll.u32 s10, $0x6;
	p1 =	sne.s32 s8, s19  }
.Ltmp1:
0x18: {  	s11 =	sshrl.u32 s9, $0x3;
	s10 =	sor.u32 $0x1C03, s10;
	(pc) =	sbr.rel @!p1 .LBB2_9-.Ltmp1, $4  }
0x19: {  	[hbm:s18], [sflag:s10] =	dma.local [spmem:s11], $0x2800  }
0x1a: {  	_ =	swait.ge [sflag:s21], $0x2800  }
0x1b: {  	[sflag:s21] =	ssyncset.done $0x0  }
0x1c: {  	[sflag:s21] =	ssyncadd.s32 $0xFFFFD800  }
.LBB2_1:
0x1d: {  	s10 =	simm.s32 $0x0;
	s11 =	rddreg [dreg:$0x3]  }
0x1e: {  	[tilespmem:s20], [sflag:$0x3] =	stream.linear.gather [hbm4b:s11+s10], $0x4000, $0x38;
	[tilespmem:$0x1E800] =	vst v63  }
0x1f: {  	_ =	swait.ge [sflag:s21], $0x4000  }
0x20: {  	[sflag:s21] =	ssyncset.done $0x0  }
0x21: {  	[sflag:s21] =	ssyncadd.s32 $0xFFFFC000  }
0x22: {  	[spmem:s9] =	stream.linear.scatter [tilespmem:s20], [sflag:$0x3], $0x4000, $0x38;
	[tilespmem:$0x1E800] =	vst v63  }
0x23: {  	_ =	swait.ge [sflag:s21], $0x4000  }
0x24: {  	[sflag:s21] =	ssyncset.done $0x0  }
0x25: {  	s15 =	rddreg [dreg:$0x4];
	[sflag:s21] =	ssyncadd.s32 $0xFFFFC000  }
0x26: {  	[spmem:s15] =	stream.linear.scatter [tilespmem:s20], [sflag:$0x3], $0x4000, $0x38;
	[tilespmem:$0x1E800] =	vst v63  }
0x27: {  	_ =	swait.ge [sflag:s21], $0x4000  }
0x28: {  	[sflag:s21] =	ssyncset.done $0x0  }
0x29: {  	s11 =	rddreg [dreg:$0x5];
	[sflag:s21] =	ssyncadd.s32 $0xFFFFC000  }
0x2a: {  	[spmem:s11] =	stream.linear.scatter [tilespmem:s20], [sflag:$0x3], $0x4000, $0x38;
	[tilespmem:$0x1E800] =	vst v63  }
0x2b: {  	_ =	swait.ge [sflag:s21], $0x4000  }
0x2c: {  	[sflag:s21] =	ssyncset.done $0x0  }
0x2d: {  	s12 =	rddreg [dreg:$0x6];
	[sflag:s21] =	ssyncadd.s32 $0xFFFFC000  }
0x2e: {  	[spmem:s12] =	stream.linear.scatter [tilespmem:s20], [sflag:$0x3], $0x4000, $0x38;
	[tilespmem:$0x1E800] =	vst v63  }
0x2f: {  	_ =	swait.ge [sflag:s21], $0x4000  }
0x30: {  	[sflag:s21] =	ssyncset.done $0x0  }
0x31: {  	s15 =	rddreg [dreg:$0x7];
	[sflag:s21] =	ssyncadd.s32 $0xFFFFC000  }
0x32: {  	[spmem:s15] =	stream.linear.scatter [tilespmem:s20], [sflag:$0x3], $0x4000, $0x38;
	[tilespmem:$0x1E800] =	vst v63  }
.Ltmp2:
0x33: {  	_ =	swait.ge [sflag:s21], $0x4000;
	(pc) =	sbr.rel @!p0 .LBB2_2-.Ltmp2, $4  }
0x34: {  	[sflag:s21] =	ssyncset.done $0x0  }
0x35: {  	[sflag:s21] =	ssyncadd.s32 $0xFFFFC000  }
0x36: {  	[bflag:$0x0] =	sbarrier.arrive $0xFFFF  }
0x37: {  	s10 =	simm.s32 $0x0;
	s11 =	simm.s32 $0x0  }
.LBB2_5:
0x38: {  	s10 =	smul.u32 $0xA000, s11;
	_ =	sdelay $0x1  }
0x39: {  	s10 =	sadd.s32 s10, s16  }
0x3a: {  	s10 =	sshrl.u32 s10, $0x3  }
0x3b: {  	s12 =	simm.s32 $0x0;
	s15 =	smul.u32 $0x1400, s11;
	s10 =	sadd.s32 s6, s10  }
0x3c: {  	[tilespmem:s12], [sflag:$0x3] =	stream.strided.gather [hbm4b:s10+s22], $0x1400, s23, s22, $0x38;
	[tilespmem:$0x1E800] =	vst v63  }
0x3d: {  	s15 =	sadd.s32 s15, s17;
	_ =	swait.ge [sflag:s21], $0x1400  }
0x3e: {  	s10 =	sshrl.u32 s15, $0x3;
	[sflag:s21] =	ssyncset.done $0x0  }
0x3f: {  	s10 =	sadd.s32 s7, s10;
	[sflag:s21] =	ssyncadd.s32 $0xFFFFEC00  }
0x40: {  	[tilespmem:s24], [sflag:$0x3] =	stream.linear.gather [hbm4b:s10+s12], $0x1400, $0x38;
	[tilespmem:$0x1E800] =	vst v63  }
0x41: {  	_ =	swait.ge [sflag:s21], $0x1400  }
0x42: {  	[sflag:s21] =	ssyncset.done $0x0  }
0x43: {  	[sflag:s21] =	ssyncadd.s32 $0xFFFFEC00  }
0x44: {  	[tilespmem:s20], [sflag:$0x1] =	stream.indirect.gather [hbm4b:s5+s25], $0x80, s12, s25, $0xb8;
	[tilespmem:$0x1E800] =	vst v63  }
0x45: {  	_ = 	snop  }
0x46: {  	[tilespmem:s26], [sflag:$0x1] =	stream.indirect.gather [hbm4b:s5+s25], $0x80, s25, s25, $0xb8;
	[tilespmem:$0x1E800] =	vst v63  }
0x47: {  	_ = 	snop  }
0x48: {  	[tilespmem:s28], [sflag:$0x2] =	stream.indirect.gather [hbm4b:s5+s25], $0x80, s22, s25, $0xb8;
	[tilespmem:$0x1E800] =	vst v63  }
0x49: {  	_ = 	snop  }
0x4a: {  	[tilespmem:s30], [sflag:$0x2] =	stream.indirect.gather [hbm4b:s5+s25], $0x80, s29, s25, $0xb8;
	[tilespmem:$0x1E800] =	vst v63  }
0x4b: {  	_ =	swait.ge [sflag:s31], $0x4000  }
0x4c: {  	[sflag:s31] =	ssyncset.done $0x0  }
0x4d: {  	s15 =	simm.s32 $0x1400;
	[sflag:s31] =	ssyncadd.s32 $0xFFFFC000  }
0x4e: {  	[spmem:s1] =	stream.indirect.scatter.add.f32 [tilespmem:s20], [sflag:$0x3], $0x80, s15, s22, $0xb8;
	[tilespmem:$0x1E800] =	vst v63  }
0x4f: {  	_ =	swait.ge [sflag:s21], $0x4000  }
0x50: {  	[sflag:s21] =	ssyncset.done $0x0  }
0x51: {  	s12 =	simm.s32 $0x100;
	[sflag:s21] =	ssyncadd.s32 $0xFFFFC000  }
0x52: {  	[tilespmem:s20], [sflag:$0x1] =	stream.indirect.gather [hbm4b:s5+s25], $0x80, s12, s25, $0xb8;
	[tilespmem:$0x1E800] =	vst v63  }
0x53: {  	s15 =	simm.s32 $0x140  }
0x54: {  	[tilespmem:s26], [sflag:$0x1] =	stream.indirect.gather [hbm4b:s5+s25], $0x80, s15, s25, $0xb8;
	[tilespmem:$0x1E800] =	vst v63  }
0x55: {  	_ =	swait.ge [sflag:s0], $0x4000  }
0x56: {  	[sflag:s0] =	ssyncset.done $0x0  }
0x57: {  	s12 =	simm.s32 $0x1480;
	[sflag:s0] =	ssyncadd.s32 $0xFFFFC000  }
0x58: {  	[spmem:s1] =	stream.indirect.scatter.add.f32 [tilespmem:s28], [sflag:$0x3], $0x80, s12, s22, $0xb8;
	[tilespmem:$0x1E800] =	vst v63  }
0x59: {  	_ =	swait.ge [sflag:s21], $0x4000  }
0x5a: {  	s10 =	simm.s32 $0x400;
	[sflag:s21] =	ssyncset.done $0x0  }
0x5b: {  	s15 =	simm.s32 $0x180;
	s12 =	simm.s32 $0x1C0;
	[sflag:s21] =	ssyncadd.s32 $0xFFFFC000  }
0x5c: {  	[tilespmem:s28], [sflag:$0x2] =	stream.indirect.gather [hbm4b:s5+s25], $0x80, s15, s25, $0xb8;
	[tilespmem:$0x1E800] =	vst v63  }
.LBB2_6:
0x5d: {  	[tilespmem:s30], [sflag:$0x2] =	stream.indirect.gather [hbm4b:s5+s25], $0x80, s12, s25, $0xb8;
	[tilespmem:$0x1E800] =	vst v63  }
0x5e: {  	s12 =	smov.u32 s10  }
0x5f: {  	p1 =	sne.s32 s10, $0x4800;
	s10 =	sadd.s32 $0x400, s10;
	_ =	swait.ge [sflag:s31], $0x4000  }
0x60: {  	s12 =	sshra.s32 s12, $0x2;
	[sflag:s31] =	ssyncset.done $0x0  }
0x61: {  	s15 =	sadd.s32 $0x1400, s12;
	[sflag:s31] =	ssyncadd.s32 $0xFFFFC000  }
0x62: {  	[spmem:s1] =	stream.indirect.scatter.add.f32 [tilespmem:s20], [sflag:$0x3], $0x80, s15, s22, $0xb8;
	[tilespmem:$0x1E800] =	vst v63  }
0x63: {  	_ =	swait.ge [sflag:s21], $0x4000  }
0x64: {  	[sflag:s21] =	ssyncset.done $0x0  }
0x65: {  	s15 =	sadd.s32 $0x100, s12;
	[sflag:s21] =	ssyncadd.s32 $0xFFFFC000  }
0x66: {  	[tilespmem:s20], [sflag:$0x1] =	stream.indirect.gather [hbm4b:s5+s25], $0x80, s15, s25, $0xb8;
	[tilespmem:$0x1E800] =	vst v63  }
0x67: {  	s15 =	sadd.s32 $0x140, s12  }
0x68: {  	[tilespmem:s26], [sflag:$0x1] =	stream.indirect.gather [hbm4b:s5+s25], $0x80, s15, s25, $0xb8;
	[tilespmem:$0x1E800] =	vst v63  }
0x69: {  	_ =	swait.ge [sflag:s0], $0x4000  }
0x6a: {  	[sflag:s0] =	ssyncset.done $0x0  }
0x6b: {  	s15 =	sadd.s32 $0x1480, s12;
	[sflag:s0] =	ssyncadd.s32 $0xFFFFC000  }
0x6c: {  	[spmem:s1] =	stream.indirect.scatter.add.f32 [tilespmem:s28], [sflag:$0x3], $0x80, s15, s22, $0xb8;
	[tilespmem:$0x1E800] =	vst v63  }
.Ltmp3:
0x6d: {  	_ =	swait.ge [sflag:s21], $0x4000;
	(pc) =	sbr.rel @p1 .LBB2_6-.Ltmp3, $4  }
0x6e: {  	[sflag:s21] =	ssyncset.done $0x0  }
0x6f: {  	s15 =	sadd.s32 $0x180, s12;
	[sflag:s21] =	ssyncadd.s32 $0xFFFFC000  }
0x70: {  	[tilespmem:s28], [sflag:$0x2] =	stream.indirect.gather [hbm4b:s5+s25], $0x80, s15, s25, $0xb8;
	[tilespmem:$0x1E800] =	vst v63  }
0x71: {  	s12 =	sadd.s32 $0x1C0, s12  }
0x72: {  	[tilespmem:s30], [sflag:$0x2] =	stream.indirect.gather [hbm4b:s5+s25], $0x80, s12, s25, $0xb8;
	[tilespmem:$0x1E800] =	vst v63  }
0x73: {  	_ =	swait.ge [sflag:s31], $0x4000  }
0x74: {  	[sflag:s31] =	ssyncset.done $0x0  }
0x75: {  	[sflag:s31] =	ssyncadd.s32 $0xFFFFC000  }
0x76: {  	[spmem:s1] =	stream.indirect.scatter.add.f32 [tilespmem:s20], [sflag:$0x3], $0x80, s3, s22, $0xb8;
	[tilespmem:$0x1E800] =	vst v63  }
0x77: {  	_ =	swait.ge [sflag:s21], $0x4000  }
0x78: {  	[sflag:s21] =	ssyncset.done $0x0  }
0x79: {  	[sflag:s21] =	ssyncadd.s32 $0xFFFFC000  }
0x7a: {  	_ =	swait.ge [sflag:s0], $0x4000  }
0x7b: {  	s11 =	sadd.s32 $0x1, s11;
	[sflag:s0] =	ssyncset.done $0x0  }
0x7c: {  	p1 =	sne.s32 s11, $0x4;
	[sflag:s0] =	ssyncadd.s32 $0xFFFFC000  }
0x7d: {  	[spmem:s1] =	stream.indirect.scatter.add.f32 [tilespmem:s28], [sflag:$0x3], $0x80, s2, s22, $0xb8;
	[tilespmem:$0x1E800] =	vst v63  }
.Ltmp4:
0x7e: {  	_ = 	snop;
	(pc) =	sbr.rel @p1 .LBB2_5-.Ltmp4, $4  }
.Ltmp5:
0x7f: {  	_ = 	snop;
	(pc) =	sbr.rel @!p1 .LBB2_8-.Ltmp5, $4  }
0x80: {  	_ =	swait.ge [sflag:s21], $0x4000  }
0x81: {  	[sflag:s21] =	ssyncset.done $0x0  }
0x82: {  	[sflag:s21] =	ssyncadd.s32 $0xFFFFC000  }
0x83: {  	_ = 	snop  }
.LBB2_2:
0x84: {  	s11 =	smul.u32 $0xA000, s10;
	_ =	sdelay $0x1  }
0x85: {  	s11 =	sadd.s32 s13, s11  }
0x86: {  	s11 =	sshrl.u32 s11, $0x3  }
0x87: {  	s12 =	simm.s32 $0x0;
	s15 =	smul.u32 $0x1400, s10;
	s11 =	sadd.s32 s6, s11  }
0x88: {  	[tilespmem:s12], [sflag:$0x3] =	stream.strided.gather [hbm4b:s11+s22], $0x1400, s23, s22, $0x38;
	[tilespmem:$0x1E800] =	vst v63  }
0x89: {  	s15 =	sadd.s32 s14, s15;
	_ =	swait.ge [sflag:s21], $0x1400  }
0x8a: {  	s11 =	sshrl.u32 s15, $0x3;
	[sflag:s21] =	ssyncset.done $0x0  }
0x8b: {  	s11 =	sadd.s32 s7, s11;
	[sflag:s21] =	ssyncadd.s32 $0xFFFFEC00  }
0x8c: {  	[tilespmem:s24], [sflag:$0x3] =	stream.linear.gather [hbm4b:s11+s12], $0x1400, $0x38;
	[tilespmem:$0x1E800] =	vst v63  }
0x8d: {  	_ =	swait.ge [sflag:s21], $0x1400  }
0x8e: {  	[sflag:s21] =	ssyncset.done $0x0  }
0x8f: {  	[sflag:s21] =	ssyncadd.s32 $0xFFFFEC00  }
0x90: {  	[tilespmem:s20], [sflag:$0x1] =	stream.indirect.gather [hbm4b:s4+s25], $0x80, s12, s25, $0xb8;
	[tilespmem:$0x1E800] =	vst v63  }
0x91: {  	_ = 	snop  }
0x92: {  	[tilespmem:s26], [sflag:$0x1] =	stream.indirect.gather [hbm4b:s4+s25], $0x80, s25, s25, $0xb8;
	[tilespmem:$0x1E800] =	vst v63  }
0x93: {  	_ = 	snop  }
0x94: {  	[tilespmem:s28], [sflag:$0x2] =	stream.indirect.gather [hbm4b:s4+s25], $0x80, s22, s25, $0xb8;
	[tilespmem:$0x1E800] =	vst v63  }
0x95: {  	_ = 	snop  }
0x96: {  	[tilespmem:s30], [sflag:$0x2] =	stream.indirect.gather [hbm4b:s4+s25], $0x80, s29, s25, $0xb8;
	[tilespmem:$0x1E800] =	vst v63  }
0x97: {  	_ =	swait.ge [sflag:s31], $0x4000  }
0x98: {  	[sflag:s31] =	ssyncset.done $0x0  }
0x99: {  	s15 =	simm.s32 $0x1400;
	[sflag:s31] =	ssyncadd.s32 $0xFFFFC000  }
0x9a: {  	[spmem:s1] =	stream.indirect.scatter.add.f32 [tilespmem:s20], [sflag:$0x3], $0x80, s15, s22, $0xb8;
	[tilespmem:$0x1E800] =	vst v63  }
0x9b: {  	_ =	swait.ge [sflag:s21], $0x4000  }
0x9c: {  	[sflag:s21] =	ssyncset.done $0x0  }
0x9d: {  	s12 =	simm.s32 $0x100;
	[sflag:s21] =	ssyncadd.s32 $0xFFFFC000  }
0x9e: {  	[tilespmem:s20], [sflag:$0x1] =	stream.indirect.gather [hbm4b:s4+s25], $0x80, s12, s25, $0xb8;
	[tilespmem:$0x1E800] =	vst v63  }
0x9f: {  	s15 =	simm.s32 $0x140  }
0xa0: {  	[tilespmem:s26], [sflag:$0x1] =	stream.indirect.gather [hbm4b:s4+s25], $0x80, s15, s25, $0xb8;
	[tilespmem:$0x1E800] =	vst v63  }
0xa1: {  	_ =	swait.ge [sflag:s0], $0x4000  }
0xa2: {  	[sflag:s0] =	ssyncset.done $0x0  }
0xa3: {  	s12 =	simm.s32 $0x1480;
	[sflag:s0] =	ssyncadd.s32 $0xFFFFC000  }
0xa4: {  	[spmem:s1] =	stream.indirect.scatter.add.f32 [tilespmem:s28], [sflag:$0x3], $0x80, s12, s22, $0xb8;
	[tilespmem:$0x1E800] =	vst v63  }
0xa5: {  	_ =	swait.ge [sflag:s21], $0x4000  }
0xa6: {  	s11 =	simm.s32 $0x400;
	[sflag:s21] =	ssyncset.done $0x0  }
0xa7: {  	s15 =	simm.s32 $0x180;
	s12 =	simm.s32 $0x1C0;
	[sflag:s21] =	ssyncadd.s32 $0xFFFFC000  }
0xa8: {  	[tilespmem:s28], [sflag:$0x2] =	stream.indirect.gather [hbm4b:s4+s25], $0x80, s15, s25, $0xb8;
	[tilespmem:$0x1E800] =	vst v63  }
.LBB2_3:
0xa9: {  	[tilespmem:s30], [sflag:$0x2] =	stream.indirect.gather [hbm4b:s4+s25], $0x80, s12, s25, $0xb8;
	[tilespmem:$0x1E800] =	vst v63  }
0xaa: {  	s12 =	smov.u32 s11  }
0xab: {  	p1 =	sne.s32 s11, $0x4800;
	s11 =	sadd.s32 $0x400, s11;
	_ =	swait.ge [sflag:s31], $0x4000  }
0xac: {  	s12 =	sshra.s32 s12, $0x2;
	[sflag:s31] =	ssyncset.done $0x0  }
0xad: {  	s15 =	sadd.s32 $0x1400, s12;
	[sflag:s31] =	ssyncadd.s32 $0xFFFFC000  }
0xae: {  	[spmem:s1] =	stream.indirect.scatter.add.f32 [tilespmem:s20], [sflag:$0x3], $0x80, s15, s22, $0xb8;
	[tilespmem:$0x1E800] =	vst v63  }
0xaf: {  	_ =	swait.ge [sflag:s21], $0x4000  }
0xb0: {  	[sflag:s21] =	ssyncset.done $0x0  }
0xb1: {  	s15 =	sadd.s32 $0x100, s12;
	[sflag:s21] =	ssyncadd.s32 $0xFFFFC000  }
0xb2: {  	[tilespmem:s20], [sflag:$0x1] =	stream.indirect.gather [hbm4b:s4+s25], $0x80, s15, s25, $0xb8;
	[tilespmem:$0x1E800] =	vst v63  }
0xb3: {  	s15 =	sadd.s32 $0x140, s12  }
0xb4: {  	[tilespmem:s26], [sflag:$0x1] =	stream.indirect.gather [hbm4b:s4+s25], $0x80, s15, s25, $0xb8;
	[tilespmem:$0x1E800] =	vst v63  }
0xb5: {  	_ =	swait.ge [sflag:s0], $0x4000  }
0xb6: {  	[sflag:s0] =	ssyncset.done $0x0  }
0xb7: {  	s15 =	sadd.s32 $0x1480, s12;
	[sflag:s0] =	ssyncadd.s32 $0xFFFFC000  }
0xb8: {  	[spmem:s1] =	stream.indirect.scatter.add.f32 [tilespmem:s28], [sflag:$0x3], $0x80, s15, s22, $0xb8;
	[tilespmem:$0x1E800] =	vst v63  }
.Ltmp6:
0xb9: {  	_ =	swait.ge [sflag:s21], $0x4000;
	(pc) =	sbr.rel @p1 .LBB2_3-.Ltmp6, $4  }
0xba: {  	[sflag:s21] =	ssyncset.done $0x0  }
0xbb: {  	s15 =	sadd.s32 $0x180, s12;
	[sflag:s21] =	ssyncadd.s32 $0xFFFFC000  }
0xbc: {  	[tilespmem:s28], [sflag:$0x2] =	stream.indirect.gather [hbm4b:s4+s25], $0x80, s15, s25, $0xb8;
	[tilespmem:$0x1E800] =	vst v63  }
0xbd: {  	s12 =	sadd.s32 $0x1C0, s12  }
0xbe: {  	[tilespmem:s30], [sflag:$0x2] =	stream.indirect.gather [hbm4b:s4+s25], $0x80, s12, s25, $0xb8;
	[tilespmem:$0x1E800] =	vst v63  }
0xbf: {  	_ =	swait.ge [sflag:s31], $0x4000  }
0xc0: {  	[sflag:s31] =	ssyncset.done $0x0  }
0xc1: {  	[sflag:s31] =	ssyncadd.s32 $0xFFFFC000  }
0xc2: {  	[spmem:s1] =	stream.indirect.scatter.add.f32 [tilespmem:s20], [sflag:$0x3], $0x80, s3, s22, $0xb8;
	[tilespmem:$0x1E800] =	vst v63  }
0xc3: {  	_ =	swait.ge [sflag:s21], $0x4000  }
0xc4: {  	[sflag:s21] =	ssyncset.done $0x0  }
0xc5: {  	[sflag:s21] =	ssyncadd.s32 $0xFFFFC000  }
0xc6: {  	_ =	swait.ge [sflag:s0], $0x4000  }
0xc7: {  	s10 =	sadd.s32 $0x1, s10;
	[sflag:s0] =	ssyncset.done $0x0  }
0xc8: {  	p1 =	seq.s32 s10, $0x4;
	[sflag:s0] =	ssyncadd.s32 $0xFFFFC000  }
0xc9: {  	[spmem:s1] =	stream.indirect.scatter.add.f32 [tilespmem:s28], [sflag:$0x3], $0x80, s2, s22, $0xb8;
	[tilespmem:$0x1E800] =	vst v63  }
.Ltmp7:
0xca: {  	_ = 	snop;
	(pc) =	sbr.rel @!p1 .LBB2_2-.Ltmp7, $4  }
.Ltmp8:
0xcb: {  	_ = 	snop;
	(pc) =	sbr.rel @p1 .LBB2_8-.Ltmp8, $4  }
0xcc: {  	_ =	swait.ge [sflag:s21], $0x4000  }
0xcd: {  	[sflag:s21] =	ssyncset.done $0x0  }
0xce: {  	[sflag:s21] =	ssyncadd.s32 $0xFFFFC000  }
0xcf: {  	_ = 	snop  }
.LBB2_9:
0xd0: {  	_ =	sfence.sel $0x180000  }
0xd1: {  	[bflag:$0x0] =	sbarrier.arrive $0xFFFF  }
0xd2: {  	_ =	strace $0x9000004D  }
0xd3: {  	s0 =	stileid.u32;
	[bflag:$0x2] =	sbarrier.arrive $0xFFFF  }
0xd4: {  	p0 =	sne.s32 s0, $0x0;
	s0 =	rddreg [dreg:$0x2]  }
0xd5: {  	s0 =	sadd.s32 @!p0 $0x100000, s0  }
0xd6: {  	[sflag:s0] =	ssyncadd.tile.s32 @!p0 $0x1;
	_ =	shalt  }
.Lfunc_end2:
_tile_overlayer_lowered:
.L_overlay_start_2:
0xd7: {  	(tag) =	ssettag $0x2  }
0xd8: {  	s0 =	rddreg [dreg:$0x0];
	s2 =	stileid.u32  }
0xd9: {  	s1 =	rddreg [dreg:$0x1];
	p0 =	sne.s32 s2, $0x0  }
0xda: {  	s3 =	rddreg [dreg:$0x2];
	[bflag:$0x3] =	sbarrier.arrive $0xFFFF;
	s2 =	simm.s32 @!p0 $0x1C03  }
0xdb: {  	[timem:s3], [sflag:s2] =	dma.local @!p0 [hbm:s0], s1  }
0xdc: {  	s0 =	simm.s32 @!p0 $0x3  }
0xdd: {  	_ =	swait.ge @!p0 [sflag:s0], s1  }
0xde: {  	s1 =	ssub.s32 @!p0 $0x0, s1;
	[sflag:s0] =	ssyncset.done @!p0 $0x0  }
0xdf: {  	[sflag:s0] =	ssyncadd.s32 @!p0 s1  }
0xe0: {  	[bflag:$0x3] =	sbarrier.arrive $0xFFFF  }
0xe1: {  	_ =	shalt  }

// kernel: kernel.8.cloned.1.call-start
scs
__scs_entry_jumppad:
0x0: {  	(pc) =	sbr.rel $0x88, $3  }
0x1: {  	(tag) =	ssettag $0x0;
	lr =	simm.s32 $0x1  }
0x2: {  	[smem:$0x3F98] =	sst lr;
	_ =	strace $0xD0000000  }
0x3: {  	_ = 	snop  }
0x4: {  	_ = 	snop  }
0x5: {  	_ = 	snop  }
0x6: {  	_ = 	snop  }
0x7: {  	_ = 	snop  }
__scs_overlays_trampoline_lowered:
0x8: {  	[smem:$0x3FA7] =	sst s0  }
0x9: {  	[smem:$0x3FA8] =	sst s1  }
0xa: {  	[smem:$0x3FA9] =	sst s2  }
0xb: {  	[smem:$0x3FAA] =	sst s3  }
0xc: {  	[smem:$0x3FAB] =	sst s4  }
0xd: {  	[smem:$0x3FAC] =	sst s5  }
0xe: {  	[smem:$0x3FAD] =	sst s6  }
0xf: {  	[smem:$0x3FAE] =	sst s7  }
0x10: {  	[smem:$0x3FAF] =	sst s8  }
0x11: {  	[smem:$0x3FB0] =	sst s9;
	s0 =	simm.s32 @!p0 $0x0  }
0x12: {  	s1 =	sld [smem:$0x3F96];
	s0 =	simm.s32 @p0 $0x1  }
0x13: {  	[smem:$0x3FB1] =	sst s0;
	s0 =	simm.s32 @!p1 $0x0  }
0x14: {  	s2 =	sld [smem:$0x3F95];
	s0 =	simm.s32 @p1 $0x1  }
0x15: {  	[smem:$0x3FB2] =	sst s0;
	s0 =	simm.s32 @!p2 $0x0  }
0x16: {  	s3 =	sld [smem:$0x3FDB];
	s0 =	simm.s32 @p2 $0x1  }
0x17: {  	s4 =	simm.s32 $0x1BF5;
	[smem:$0x3FB4] =	sst s0  }
0x18: {  	s0 =	sld [smem:$0x3F97];
	_ =	swait.ge [sflag:s4], $0x0  }
0x19: {  	s7 =	sld [smem:$0x3F98]  }
0x1a: {  	s8 =	sadd.s32 $0xFFFFE003, lr  }
0x1b: {  	s9 =	sadd.s32 $0xFFFFFEF7, lr;
	s5 =	simm.s32 $0xFFFFFFFF;
	p2 =	slt.u32 s8, $0xFFFFF086  }
0x1c: {  	p1 =	slt.u32 s9, $0xF7A;
	s5 =	simm.s32 @!p2 $0x0  }
0x1d: {  	s5 =	simm.s32 @p1 $0x1;
	p0 =	seq.s32 s7, s2  }
0x1e: {  	s7 =	smul.u32 @!p0 $0xF7A, s2;
	p2 =	seq.s32 @!p0 s5, $0x0  }
0x1f: {  	s9 =	smul.u32 $0xF7A, s1;
	s8 =	simm.s32 @!p0 $0x1BF5;
	p2 =	por !p2, p0  }
0x20: {  	[sflag:s8] =	ssyncset.s32 @!p0 $0xFFFFF086;
	s6 =	sadd.s32 @!p0 s3, s7;
	s7 =	simm.s32 @!p0 $0x108  }
0x21: {  	s3 =	sadd.s32 s3, s9;
	s6 =	sadd.s32 @!p0 $0x88, s6;
	s7 =	simm.s32 @p2 $0x1082  }
0x22: {  	[simem:s7], [sflag:s8] =	dma.local @!p0 [hbm:s6], $0xF7A  }
0x23: {  	s9 =	sor.u32 $0xD0000000, s2;
	s6 =	simm.s32 $0x108;
	_ =	swait.ge @!p0 [sflag:s8], $0x0  }
0x24: {  	s3 =	sadd.s32 $0x88, s3;
	s6 =	simm.s32 @!p1 $0x1082;
	[sflag:s4] =	ssyncset.s32 $0xFFFFF086  }
0x25: {  	[simem:s6], [sflag:s4] =	dma.local [hbm:s3], $0xF7A  }
0x26: {  	[smem:$0x3F98] =	sst s1;
	(tag) =	ssettag s2;
	_ =	strace s9  }
0x27: {  	s1 =	sld [smem:$0x3FA8]  }
0x28: {  	s2 =	sld [smem:$0x3FA9]  }
0x29: {  	s4 =	sld [smem:$0x3FAB]  }
0x2a: {  	p0 =	seq.s32 s5, $0x0;
	s5 =	sld [smem:$0x3FAC]  }
0x2b: {  	s6 =	sld [smem:$0x3FAD]  }
0x2c: {  	s7 =	sld [smem:$0x3FAE]  }
0x2d: {  	s3 =	simm.s32 $0x108;
	s8 =	sld [smem:$0x3FAF]  }
0x2e: {  	s3 =	simm.s32 @!p0 $0x1082;
	s9 =	sld [smem:$0x3FB0]  }
0x2f: {  	lr =	sadd.s32 s0, s3;
	s0 =	sld [smem:$0x3FA7]  }
0x30: {  	s3 =	sld [smem:$0x3FAA]  }
0x31: {  	[smem:$0x3FB3] =	sst s10  }
0x32: {  	s10 =	sld [smem:$0x3FB1];
	_ =	sdelay $0x3  }
0x33: {  	p0 =	seq.s32 s10, $0x1;
	s10 =	sld [smem:$0x3FB3];
	_ =	sdelay $0x3  }
0x34: {  	[smem:$0x3FB3] =	sst s10  }
0x35: {  	s10 =	sld [smem:$0x3FB2];
	_ =	sdelay $0x3  }
0x36: {  	p1 =	seq.s32 s10, $0x1;
	s10 =	sld [smem:$0x3FB3];
	_ =	sdelay $0x3  }
0x37: {  	[smem:$0x3FB3] =	sst s10  }
0x38: {  	s10 =	sld [smem:$0x3FB4]  }
0x39: {  	_ = 	snop;
	(pc) =	sbr.ind lr, $3  }
0x3a: {  	_ = 	snop  }
0x3b: {  	_ = 	snop  }
0x3c: {  	p2 =	seq.s32 s10, $0x1;
	s10 =	sld [smem:$0x3FB3]  }
0x3d: {  	_ =	shalt  }
0x3e: {  	_ =	shalt  }
0x3f: {  	_ =	shalt  }
0x40: {  	_ =	shalt  }
0x41: {  	_ =	shalt  }
0x42: {  	_ =	shalt  }
0x43: {  	_ =	shalt  }
0x44: {  	_ =	shalt  }
0x45: {  	_ =	shalt  }
0x46: {  	_ =	shalt  }
0x47: {  	_ =	shalt  }
0x48: {  	_ =	shalt  }
0x49: {  	_ =	shalt  }
0x4a: {  	_ =	shalt  }
0x4b: {  	_ =	shalt  }
0x4c: {  	_ =	shalt  }
0x4d: {  	_ =	shalt  }
0x4e: {  	_ =	shalt  }
0x4f: {  	_ =	shalt  }
0x50: {  	_ =	shalt  }
0x51: {  	_ =	shalt  }
0x52: {  	_ =	shalt  }
0x53: {  	_ =	shalt  }
0x54: {  	_ =	shalt  }
0x55: {  	_ =	shalt  }
0x56: {  	_ =	shalt  }
0x57: {  	_ =	shalt  }
0x58: {  	_ =	shalt  }
0x59: {  	_ =	shalt  }
0x5a: {  	_ =	shalt  }
0x5b: {  	_ =	shalt  }
0x5c: {  	_ =	shalt  }
0x5d: {  	_ =	shalt  }
0x5e: {  	_ =	shalt  }
0x5f: {  	_ =	shalt  }
0x60: {  	_ =	shalt  }
0x61: {  	_ =	shalt  }
0x62: {  	_ =	shalt  }
0x63: {  	_ =	shalt  }
0x64: {  	_ =	shalt  }
0x65: {  	_ =	shalt  }
0x66: {  	_ =	shalt  }
0x67: {  	_ =	shalt  }
0x68: {  	_ =	shalt  }
0x69: {  	_ =	shalt  }
0x6a: {  	_ =	shalt  }
0x6b: {  	_ =	shalt  }
0x6c: {  	_ =	shalt  }
0x6d: {  	_ =	shalt  }
0x6e: {  	_ =	shalt  }
0x6f: {  	_ =	shalt  }
0x70: {  	_ =	shalt  }
0x71: {  	_ =	shalt  }
0x72: {  	_ =	shalt  }
0x73: {  	_ =	shalt  }
0x74: {  	_ =	shalt  }
0x75: {  	_ =	shalt  }
0x76: {  	_ =	shalt  }
0x77: {  	_ =	shalt  }
0x78: {  	_ =	shalt  }
0x79: {  	_ =	shalt  }
0x7a: {  	_ =	shalt  }
0x7b: {  	_ =	shalt  }
0x7c: {  	_ =	shalt  }
0x7d: {  	_ =	shalt  }
0x7e: {  	_ =	shalt  }
0x7f: {  	_ =	shalt  }
0x80: {  	_ =	shalt  }
0x81: {  	_ =	shalt  }
0x82: {  	_ =	shalt  }
0x83: {  	_ =	shalt  }
0x84: {  	_ =	shalt  }
0x85: {  	_ =	shalt  }
0x86: {  	_ =	shalt  }
0x87: {  	_ =	shalt  }
.Lfunc_end0:
.L_simem_size_0:
called_computation_lowered:
.L_overlay_start_0:
0x88: {  	s2 =	sld [smem:$0x3FD9]  }
0x89: {  	s3 =	sld [smem:$0x3FFE];
	_ =	sdelay $0x1  }
0x8a: {  	s1 =	srdreg.scid  }
0x8b: {  	s0 =	sand.u32 $0x1, s1  }
0x8c: {  	s16 =	sshll.u32 s0, $0xA;
	s2 =	sadd.s32 s3, s2  }
0x8d: {  	s2 =	sadd.s32 s2, s16  }
0x8e: {  	[smem:$0x3FBF] =	sst s2  }
0x8f: {  	_ = 	snop  }
0x90: {  	(tm) =	ssettm $0x1  }
0x91: {  	s17 =	sld [smem:$0x3FFB];
	_ =	sdelay $0x3  }
0x92: {  	_ =	strace s17  }
0x93: {  	s2 =	sld [smem:$0x3FFC];
	_ =	sdelay $0x3  }
0x94: {  	_ =	strace s2  }
0x95: {  	s2 =	sld [smem:$0x3FFD];
	_ =	sdelay $0x3  }
0x96: {  	_ =	strace s2  }
0x97: {  	_ =	strace $0x8FFFFFFF  }
0x98: {  	s18 =	sld [smem:$0x3FDB];
	_ =	sdelay $0x1  }
0x99: {  	s19 =	simm.s32 $_scs_section_size  }
0x9a: {  	s4 =	simm.s32 $_size__tile_overlayer_lowered;
	s5 =	simm.s32 $_tile_overlayer_lowered  }
0x9b: {  	s22 =	simm.s32 $0x1BFF;
	s21 =	sshll.u32 s5, $0x1;
	s2 =	sadd.s32 s19, s18  }
0x9c: {  	s6 =	simm.s32 $0x0;
	s20 =	sshll.u32 s4, $0x1;
	s4 =	sadd.s32 s21, s2  }
0x9d: {  	[timem:s6], [sflag:s22] =	dma.local [hbm:s4], s20  }
0x9e: {  	_ =	swait.ge [sflag:s22], s20  }
0x9f: {  	s3 =	ssub.s32 $0x0, s20;
	[sflag:s22] =	ssyncset.done $0x0  }
0xa0: {  	[sflag:s22] =	ssyncadd.s32 s3;
	_ =	sdelay $0x1  }
0xa1: {  	s23 =	simm.s32 $0x1B8B  }
0xa2: {  	_ =	swait.ge [sflag:s23], $0x1  }
0xa3: {  	[sflag:s23] =	ssyncset.done $0x0  }
0xa4: {  	s25 =	simm.s32 $0x1B8E;
	s24 =	sld [smem:$0x3FFE];
	[sflag:s23] =	ssyncadd.s32 $0xFFFFFFFF  }
0xa5: {  	s26 =	simm.s32 $execute0_lowered;
	[smem:$0x3FD2] =	sst s25  }
0xa6: {  	s4 =	sshll.u32 s26, $0x1;
	_ =	strace $0x80000046;
	[dreg:$0x1] =	wrdreg $0xFFFFFFFF  }
0xa7: {  	s28 =	simm.s32 $_size_execute0_lowered;
	s2 =	sadd.s32 s2, s4;
	[dreg:$0x0] =	wrdreg $0x0  }
0xa8: {  	s4 =	sshll.u32 s28, $0x1;
	[dreg:$0x2] =	wrdreg s2  }
0xa9: {  	[dreg:$0x3] =	wrdreg s4  }
0xaa: {  	[dreg:$0x4] =	wrdreg $0xC0  }
0xab: {  	_ =	task [dreg:s6], $0x5FFFF  }
0xac: {  	[dreg:$0x1] =	wrdreg $0xFFFFFFFF  }
0xad: {  	[dreg:$0x0] =	wrdreg $0x60  }
0xae: {  	[dreg:$0x2] =	wrdreg s24  }
0xaf: {  	[dreg:$0x3] =	wrdreg $0xF2800  }
0xb0: {  	[dreg:$0x4] =	wrdreg $0x9  }
0xb1: {  	_ =	task.clear_ibuf [dreg:s6], $0x5FFFF;
	_ =	strace $0x90000046  }
0xb2: {  	s29 =	simm.s32 $0x9;
	_ =	strace $0x80000048  }
0xb3: {  	_ =	swait.ge [sflag:s29], $0x1  }
0xb4: {  	[sflag:s29] =	ssyncadd.s32 $0xFFFFFFFF  }
0xb5: {  	_ =	strace $0x90000048  }
0xb6: {  	_ =	sfence  }
0xb7: {  	s30 =	sld [smem:$0x0];
	_ =	sdelay $0x2  }
0xb8: {  	s31 =	sshll.u32 s1, $0xD;
	s1 =	sshrl.u32 s1, $0x2  }
0xb9: {  	s3 =	sand.u32 $0x4000, s31;
	s1 =	sadd.s32 s1, s30  }
0xba: {  	s0 =	sor.u32 s3, s0;
	s1 =	sshll.u32 s1, $0x11  }
0xbb: {  	s0 =	sor.u32 s1, s0  }
0xbc: {  	s0 =	sadd.s32 $0x8F2B, s0  }
0xbd: {  	[sflag:s0] =	ssyncadd.remote.s32 $0x1  }
0xbe: {  	_ =	sfence.sel $0xFFFF  }
0xbf: {  	[dreg:$0x0] =	wrdreg $0xFFFFFFFF;
	(pc) =	sbr.abs _section_cstart, $3  }
0xc0: {  	[dreg:$0x1] =	wrdreg $0xFFFFFFFF  }
0xc1: {  	_ =	task.clear_ibuf [dreg:s6], $0x2FFFF;
	_ =	strace $0x9FFFFFFF  }
0xc2: {  	(tm) =	ssettm $0x7FFFFFFF  }
0xc3: {  	_ =	shalt  }
tec
execute0_lowered:
.L_overlay_start_1:
0x0: {  	(tag) =	ssettag $0x1  }
0x1: {  	s0 =	srdreg.scid  }
0x2: {  	s10 =	stileid.u32;
	s1 =	rddreg [dreg:$0x0]  }
0x3: {  	s4 =	rddreg [dreg:$0x1];
	s2 =	simm.s32 $0x0;
	s28 =	simm.s32 $0x80  }
0x4: {  	s29 =	simm.s32 $0x100;
	s31 =	simm.s32 $0x400;
	s3 =	smul.u32 $0xA000, s10  }
0x5: {  	s0 =	sand.u32 $0x1, s0;
	[smem:$0x7FF] =	sst s2;
	s6 =	smul.u32 $0xA00, s10  }
0x6: {  	s7 =	smul.u32 $0x500, s10;
	s8 =	sadd.s32 $0x20C00, s1;
	s21 =	sshrl.u32 s10, $0x3  }
0x7: {  	s9 =	smul.u32 $0x5000, s10;
	s24 =	sshll.u32 s10, $0x7;
	s5 =	sshll.u32 s0, $0x7  }
0x8: {  	_ =	strace $0x80000047;
	[dreg:$0x3] =	wrdreg s8;
	s0 =	ssub.s32 $0x2, s0  }
0x9: {  	s22 =	smul.u32 $0x50000, s21;
	s3 =	sor.u32 s5, s3;
	s6 =	sadd.s32 s6, s1  }
0xa: {  	s5 =	sor.u32 s5, s7;
	s23 =	sshrl.u32 s0, $0x1;
	s26 =	sshrl.u32 s9, $0x2  }
0xb: {  	s3 =	sshrl.u32 s3, $0x3;
	s5 =	sshrl.u32 s5, $0x3;
	s0 =	ssub.s32 s0, s23  }
0xc: {  	s25 =	sshrl.u32 s22, $0x2;
	s6 =	sadd.s32 $0x16C00, s6;
	s3 =	sadd.s32 s3, s1  }
0xd: {  	s1 =	sadd.s32 s5, s1;
	s30 =	sadd.s32 s25, s4;
	s5 =	sadd.s32 s26, s4  }
0xe: {  	s25 =	simm.s32 $0xA000;
	s26 =	simm.s32 $0x1;
	s3 =	sadd.s32 $0x2C00, s3  }
0xf: {  	s8 =	sadd.s32 $0x80, s5;
	s9 =	sadd.s32 $0x100, s5;
	s10 =	sadd.s32 $0x180, s5  }
0x10: {  	s11 =	sadd.s32 $0x200, s5;
	s12 =	sadd.s32 $0x280, s5;
	s13 =	sadd.s32 $0x300, s5  }
0x11: {  	s14 =	sadd.s32 $0x380, s5;
	s15 =	sadd.s32 $0x14000, s5;
	s16 =	sadd.s32 $0x14080, s5  }
0x12: {  	s17 =	sadd.s32 $0x14100, s5;
	s18 =	sadd.s32 $0x14180, s5;
	s19 =	sadd.s32 $0x14200, s5  }
0x13: {  	s20 =	sadd.s32 $0x14280, s5;
	s21 =	sadd.s32 $0x14300, s5;
	s22 =	sadd.s32 $0x14380, s5  }
0x14: {  	s23 =	sadd.s32 $0x21200, s1;
	[dreg:$0x4] =	wrdreg s3;
	s3 =	sand.u32 $0x380, s24  }
0x15: {  	s24 =	smax.u32 s0, $0x1;
	s0 =	simm.s32 $0x0;
	s7 =	sadd.s32 s3, s30  }
.LBB2_1:
0x16: {  	s1 =	rddreg [dreg:$0x3]  }
0x17: {  	[tilespmem:s25], [sflag:$0x1] =	stream.linear.gather [hbm4b:s1+s2], $0x2800, $0x38;
	[tilespmem:$0x11A80] =	vst v63  }
0x18: {  	_ =	swait.ge [sflag:s26], $0x2800  }
0x19: {  	[sflag:s26] =	ssyncset.done $0x0  }
0x1a: {  	s4 =	rddreg [dreg:$0x4];
	[sflag:s26] =	ssyncadd.s32 $0xFFFFD800  }
0x1b: {  	[tilespmem:s2], [sflag:$0x1] =	stream.strided.gather [hbm4b:s4+s28], $0x5000, s29, s28, $0x38;
	[tilespmem:$0x11A80] =	vst v63  }
0x1c: {  	_ =	swait.ge [sflag:s26], $0x5000  }
0x1d: {  	[sflag:s26] =	ssyncset.done $0x0  }
0x1e: {  	s30 =	simm.s32 $0x5000;
	[sflag:s26] =	ssyncadd.s32 $0xFFFFB000  }
0x1f: {  	[tilespmem:s30], [sflag:$0x1] =	stream.linear.gather [hbm4b:s6+s2], $0x5000, $0x38;
	[tilespmem:$0x11A80] =	vst v63  }
0x20: {  	_ =	swait.ge [sflag:s26], $0x5000  }
0x21: {  	[sflag:s26] =	ssyncset.done $0x0  }
0x22: {  	s1 =	simm.s32 $0x0;
	[sflag:s26] =	ssyncadd.s32 $0xFFFFB000  }
.LBB2_2:
0x23: {  	s3 =	sshra.s32 s1, $0x2  }
0x24: {  	v0 =	vld [tilespmem:s3+$0x0];
	_ =	sdelay $0x2  }
0x25: {  	v1 =	vld [tilespmem:s3+$0x5000];
	_ =	sdelay $0x4  }
0x26: {  	[tilespmem:v0+s25+$0x0] =	vst.idx.add.f32.msk $0xffff, v1  }
0x27: {  	v0 =	vld [tilespmem:s3+$0x10];
	_ =	sdelay $0x2  }
0x28: {  	v1 =	vld [tilespmem:s3+$0x5010];
	_ =	sdelay $0x4  }
0x29: {  	[tilespmem:v0+s25+$0x0] =	vst.idx.add.f32.msk $0xffff, v1  }
0x2a: {  	v0 =	vld [tilespmem:s3+$0x20];
	_ =	sdelay $0x2  }
0x2b: {  	v1 =	vld [tilespmem:s3+$0x5020];
	_ =	sdelay $0x4  }
0x2c: {  	[tilespmem:v0+s25+$0x0] =	vst.idx.add.f32.msk $0xffff, v1  }
0x2d: {  	v0 =	vld [tilespmem:s3+$0x30];
	_ =	sdelay $0x2  }
0x2e: {  	v1 =	vld [tilespmem:s3+$0x5030];
	_ =	sdelay $0x4  }
0x2f: {  	[tilespmem:v0+s25+$0x0] =	vst.idx.add.f32.msk $0xffff, v1  }
0x30: {  	v0 =	vld [tilespmem:s3+$0x40];
	_ =	sdelay $0x2  }
0x31: {  	v1 =	vld [tilespmem:s3+$0x5040];
	_ =	sdelay $0x4  }
0x32: {  	[tilespmem:v0+s25+$0x0] =	vst.idx.add.f32.msk $0xffff, v1  }
0x33: {  	v0 =	vld [tilespmem:s3+$0x50];
	_ =	sdelay $0x2  }
0x34: {  	v1 =	vld [tilespmem:s3+$0x5050];
	_ =	sdelay $0x4  }
0x35: {  	[tilespmem:v0+s25+$0x0] =	vst.idx.add.f32.msk $0xffff, v1  }
0x36: {  	v0 =	vld [tilespmem:s3+$0x60];
	_ =	sdelay $0x2  }
0x37: {  	v1 =	vld [tilespmem:s3+$0x5060];
	_ =	sdelay $0x4  }
0x38: {  	[tilespmem:v0+s25+$0x0] =	vst.idx.add.f32.msk $0xffff, v1  }
0x39: {  	v0 =	vld [tilespmem:s3+$0x70];
	_ =	sdelay $0x2  }
0x3a: {  	p0 =	sne.s32 s1, $0x13E00;
	v1 =	vld [tilespmem:s3+$0x5070]  }
.Ltmp0:
0x3b: {  	_ = 	snop;
	(pc) =	sbr.rel @p0 .LBB2_2-.Ltmp0, $2  }
0x3c: {  	_ =	sdelay $0x2  }
0x3d: {  	s1 =	sadd.s32 $0x200, s1;
	[tilespmem:v0+s25+$0x0] =	vst.idx.add.f32.msk $0xffff, v1  }
0x3e: {  	[spmem:s7] =	stream.strided.scatter [tilespmem:s25], [sflag:$0x1], $0x2800, s31, s28, $0x38;
	[tilespmem:$0x11A80] =	vst v63  }
0x3f: {  	_ =	swait.ge [sflag:s26], $0x2800  }
0x40: {  	[sflag:s26] =	ssyncset.done $0x0  }
0x41: {  	[sflag:s26] =	ssyncadd.s32 $0xFFFFD800  }
0x42: {  	s1 =	simm.s32 $0xC800;
	[bflag:$0x0] =	sbarrier.arrive $0xFFFF  }
0x43: {  	[tilespmem:s1], [sflag:$0x1] =	stream.strided.gather [spmem:s5], $0x280, s31, s28, $0x38;
	[tilespmem:$0x11A80] =	vst v63  }
0x44: {  	_ =	swait.ge [sflag:s26], $0x280  }
0x45: {  	[sflag:s26] =	ssyncset.done $0x0  }
0x46: {  	s3 =	simm.s32 $0xCA80;
	[sflag:s26] =	ssyncadd.s32 $0xFFFFFD80  }
0x47: {  	[tilespmem:s3], [sflag:$0x1] =	stream.strided.gather [spmem:s8], $0x280, s31, s28, $0x38;
	[tilespmem:$0x11A80] =	vst v63  }
0x48: {  	_ =	swait.ge [sflag:s26], $0x280  }
0x49: {  	[sflag:s26] =	ssyncset.done $0x0  }
0x4a: {  	s4 =	simm.s32 $0xCD00;
	[sflag:s26] =	ssyncadd.s32 $0xFFFFFD80  }
0x4b: {  	[tilespmem:s4], [sflag:$0x1] =	stream.strided.gather [spmem:s9], $0x280, s31, s28, $0x38;
	[tilespmem:$0x11A80] =	vst v63  }
0x4c: {  	_ =	swait.ge [sflag:s26], $0x280  }
0x4d: {  	[sflag:s26] =	ssyncset.done $0x0  }
0x4e: {  	s4 =	simm.s32 $0xCF80;
	[sflag:s26] =	ssyncadd.s32 $0xFFFFFD80  }
0x4f: {  	[tilespmem:s4], [sflag:$0x1] =	stream.strided.gather [spmem:s10], $0x280, s31, s28, $0x38;
	[tilespmem:$0x11A80] =	vst v63  }
0x50: {  	_ =	swait.ge [sflag:s26], $0x280  }
0x51: {  	[sflag:s26] =	ssyncset.done $0x0  }
0x52: {  	s4 =	simm.s32 $0xD200;
	[sflag:s26] =	ssyncadd.s32 $0xFFFFFD80  }
0x53: {  	[tilespmem:s4], [sflag:$0x1] =	stream.strided.gather [spmem:s11], $0x280, s31, s28, $0x38;
	[tilespmem:$0x11A80] =	vst v63  }
0x54: {  	_ =	swait.ge [sflag:s26], $0x280  }
0x55: {  	[sflag:s26] =	ssyncset.done $0x0  }
0x56: {  	s4 =	simm.s32 $0xD480;
	[sflag:s26] =	ssyncadd.s32 $0xFFFFFD80  }
0x57: {  	[tilespmem:s4], [sflag:$0x1] =	stream.strided.gather [spmem:s12], $0x280, s31, s28, $0x38;
	[tilespmem:$0x11A80] =	vst v63  }
0x58: {  	_ =	swait.ge [sflag:s26], $0x280  }
0x59: {  	[sflag:s26] =	ssyncset.done $0x0  }
0x5a: {  	s4 =	simm.s32 $0xD700;
	[sflag:s26] =	ssyncadd.s32 $0xFFFFFD80  }
0x5b: {  	[tilespmem:s4], [sflag:$0x1] =	stream.strided.gather [spmem:s13], $0x280, s31, s28, $0x38;
	[tilespmem:$0x11A80] =	vst v63  }
0x5c: {  	_ =	swait.ge [sflag:s26], $0x280  }
0x5d: {  	[sflag:s26] =	ssyncset.done $0x0  }
0x5e: {  	s4 =	simm.s32 $0xD980;
	[sflag:s26] =	ssyncadd.s32 $0xFFFFFD80  }
0x5f: {  	[tilespmem:s4], [sflag:$0x1] =	stream.strided.gather [spmem:s14], $0x280, s31, s28, $0x38;
	[tilespmem:$0x11A80] =	vst v63  }
0x60: {  	_ =	swait.ge [sflag:s26], $0x280  }
0x61: {  	[sflag:s26] =	ssyncset.done $0x0  }
0x62: {  	s4 =	simm.s32 $0xDC00;
	[sflag:s26] =	ssyncadd.s32 $0xFFFFFD80  }
0x63: {  	[tilespmem:s4], [sflag:$0x1] =	stream.strided.gather [spmem:s15], $0x280, s31, s28, $0x38;
	[tilespmem:$0x11A80] =	vst v63  }
0x64: {  	_ =	swait.ge [sflag:s26], $0x280  }
0x65: {  	[sflag:s26] =	ssyncset.done $0x0  }
0x66: {  	s4 =	simm.s32 $0xDE80;
	[sflag:s26] =	ssyncadd.s32 $0xFFFFFD80  }
0x67: {  	[tilespmem:s4], [sflag:$0x1] =	stream.strided.gather [spmem:s16], $0x280, s31, s28, $0x38;
	[tilespmem:$0x11A80] =	vst v63  }
0x68: {  	_ =	swait.ge [sflag:s26], $0x280  }
0x69: {  	[sflag:s26] =	ssyncset.done $0x0  }
0x6a: {  	s4 =	simm.s32 $0xE100;
	[sflag:s26] =	ssyncadd.s32 $0xFFFFFD80  }
0x6b: {  	[tilespmem:s4], [sflag:$0x1] =	stream.strided.gather [spmem:s17], $0x280, s31, s28, $0x38;
	[tilespmem:$0x11A80] =	vst v63  }
0x6c: {  	_ =	swait.ge [sflag:s26], $0x280  }
0x6d: {  	[sflag:s26] =	ssyncset.done $0x0  }
0x6e: {  	s4 =	simm.s32 $0xE380;
	[sflag:s26] =	ssyncadd.s32 $0xFFFFFD80  }
0x6f: {  	[tilespmem:s4], [sflag:$0x1] =	stream.strided.gather [spmem:s18], $0x280, s31, s28, $0x38;
	[tilespmem:$0x11A80] =	vst v63  }
0x70: {  	_ =	swait.ge [sflag:s26], $0x280  }
0x71: {  	[sflag:s26] =	ssyncset.done $0x0  }
0x72: {  	s4 =	simm.s32 $0xE600;
	[sflag:s26] =	ssyncadd.s32 $0xFFFFFD80  }
0x73: {  	[tilespmem:s4], [sflag:$0x1] =	stream.strided.gather [spmem:s19], $0x280, s31, s28, $0x38;
	[tilespmem:$0x11A80] =	vst v63  }
0x74: {  	_ =	swait.ge [sflag:s26], $0x280  }
0x75: {  	[sflag:s26] =	ssyncset.done $0x0  }
0x76: {  	s4 =	simm.s32 $0xE880;
	[sflag:s26] =	ssyncadd.s32 $0xFFFFFD80  }
0x77: {  	[tilespmem:s4], [sflag:$0x1] =	stream.strided.gather [spmem:s20], $0x280, s31, s28, $0x38;
	[tilespmem:$0x11A80] =	vst v63  }
0x78: {  	_ =	swait.ge [sflag:s26], $0x280  }
0x79: {  	[sflag:s26] =	ssyncset.done $0x0  }
0x7a: {  	s4 =	simm.s32 $0xEB00;
	[sflag:s26] =	ssyncadd.s32 $0xFFFFFD80  }
0x7b: {  	[tilespmem:s4], [sflag:$0x1] =	stream.strided.gather [spmem:s21], $0x280, s31, s28, $0x38;
	[tilespmem:$0x11A80] =	vst v63  }
0x7c: {  	_ =	swait.ge [sflag:s26], $0x280  }
0x7d: {  	[sflag:s26] =	ssyncset.done $0x0  }
0x7e: {  	s4 =	simm.s32 $0xED80;
	[sflag:s26] =	ssyncadd.s32 $0xFFFFFD80  }
0x7f: {  	[tilespmem:s4], [sflag:$0x1] =	stream.strided.gather [spmem:s22], $0x280, s31, s28, $0x38;
	[tilespmem:$0x11A80] =	vst v63  }
0x80: {  	_ =	swait.ge [sflag:s26], $0x280  }
0x81: {  	s4 =	simm.s32 $0x0;
	[sflag:s26] =	ssyncset.done $0x0  }
0x82: {  	s3 =	sand.u32 $0x3F0, s4;
	[sflag:s26] =	ssyncadd.s32 $0xFFFFFD80  }
0x83: {  	v0 =	vld [tilespmem:s3+$0xCA80]  }
0x84: {  	v1 =	vld [tilespmem:s1+$0x0];
	_ =	sdelay $0x1  }
0x85: {  	v2 =	vld [tilespmem:s3+$0xCD00];
	_ =	sdelay $0x1  }
0x86: {  	v3 =	vld [tilespmem:s3+$0xCF80]  }
0x87: {  	v0 =	vadd.f32 v0, v1  }
0x88: {  	v1 =	vld [tilespmem:s3+$0xD200]  }
0x89: {  	v0 =	vadd.f32 v2, v0  }
0x8a: {  	v2 =	vld [tilespmem:s3+$0xD480]  }
0x8b: {  	v0 =	vadd.f32 v3, v0  }
0x8c: {  	v3 =	vld [tilespmem:s3+$0xD700]  }
0x8d: {  	v0 =	vadd.f32 v1, v0  }
0x8e: {  	v1 =	vld [tilespmem:s3+$0xD980]  }
0x8f: {  	v0 =	vadd.f32 v2, v0  }
0x90: {  	v2 =	vld [tilespmem:s3+$0xDC00]  }
0x91: {  	v0 =	vadd.f32 v3, v0  }
0x92: {  	v3 =	vld [tilespmem:s3+$0xDE80]  }
0x93: {  	v0 =	vadd.f32 v1, v0  }
0x94: {  	v1 =	vld [tilespmem:s3+$0xE100]  }
0x95: {  	v0 =	vadd.f32 v2, v0  }
0x96: {  	v2 =	vld [tilespmem:s3+$0xE380]  }
0x97: {  	v0 =	vadd.f32 v3, v0  }
0x98: {  	v3 =	vld [tilespmem:s3+$0xE600]  }
0x99: {  	v0 =	vadd.f32 v1, v0  }
0x9a: {  	v1 =	vld [tilespmem:s3+$0xE880]  }
0x9b: {  	v0 =	vadd.f32 v2, v0  }
0x9c: {  	v2 =	vld [tilespmem:s3+$0xEB00]  }
0x9d: {  	v0 =	vadd.f32 v3, v0  }
0x9e: {  	v3 =	vld [tilespmem:s3+$0xED80]  }
0x9f: {  	v0 =	vadd.f32 v1, v0;
	_ =	sdelay $0x1  }
0xa0: {  	v0 =	vadd.f32 v2, v0;
	_ =	sdelay $0x1  }
0xa1: {  	v0 =	vadd.f32 v3, v0  }
0xa2: {  	s30 =	simm.s32 $0xF000;
	s4 =	simm.s32 $0x10  }
0xa3: {  	s1 =	sand.u32 $0x3F0, s4;
	[tilespmem:s30+$0x0] =	vst v0  }
0xa4: {  	s4 =	simm.s32 $0x20;
	s3 =	simm.s32 $0xC810;
	v0 =	vld [tilespmem:s1+$0xCA80]  }
.LBB2_4:
0xa5: {  	p0 =	sne.s32 s4, $0x270;
	v1 =	vld [tilespmem:s3+$0x0];
	_ =	sdelay $0x1  }
0xa6: {  	v2 =	vld [tilespmem:s1+$0xCD00];
	_ =	sdelay $0x1  }
0xa7: {  	v3 =	vld [tilespmem:s1+$0xCF80]  }
0xa8: {  	v0 =	vadd.f32 v0, v1  }
0xa9: {  	v1 =	vld [tilespmem:s1+$0xD200]  }
0xaa: {  	v0 =	vadd.f32 v2, v0  }
0xab: {  	v2 =	vld [tilespmem:s1+$0xD480]  }
0xac: {  	v0 =	vadd.f32 v3, v0  }
0xad: {  	v3 =	vld [tilespmem:s1+$0xD700]  }
0xae: {  	v0 =	vadd.f32 v1, v0  }
0xaf: {  	v1 =	vld [tilespmem:s1+$0xD980]  }
0xb0: {  	v0 =	vadd.f32 v2, v0  }
0xb1: {  	v2 =	vld [tilespmem:s1+$0xDC00]  }
0xb2: {  	v0 =	vadd.f32 v3, v0  }
0xb3: {  	v3 =	vld [tilespmem:s1+$0xDE80]  }
0xb4: {  	v0 =	vadd.f32 v1, v0  }
0xb5: {  	v1 =	vld [tilespmem:s1+$0xE100]  }
0xb6: {  	v0 =	vadd.f32 v2, v0  }
0xb7: {  	v2 =	vld [tilespmem:s1+$0xE380]  }
0xb8: {  	v0 =	vadd.f32 v3, v0  }
0xb9: {  	v3 =	vld [tilespmem:s1+$0xE600]  }
0xba: {  	v0 =	vadd.f32 v1, v0  }
0xbb: {  	v1 =	vld [tilespmem:s1+$0xE880]  }
0xbc: {  	v0 =	vadd.f32 v2, v0  }
0xbd: {  	v2 =	vld [tilespmem:s1+$0xEB00]  }
0xbe: {  	v0 =	vadd.f32 v3, v0  }
0xbf: {  	v3 =	vld [tilespmem:s1+$0xED80]  }
0xc0: {  	v0 =	vadd.f32 v1, v0;
	_ =	sdelay $0x1  }
0xc1: {  	v0 =	vadd.f32 v2, v0  }
.Ltmp1:
0xc2: {  	(pc) =	sbr.rel @p0 .LBB2_4-.Ltmp1, $4  }
0xc3: {  	v0 =	vadd.f32 v3, v0  }
0xc4: {  	s30 =	sadd.s32 $0x10, s30  }
0xc5: {  	s1 =	sand.u32 $0x3F0, s4;
	[tilespmem:s30+$0x0] =	vst v0  }
0xc6: {  	s3 =	sadd.s32 $0x10, s3;
	s4 =	sadd.s32 $0x10, s4;
	v0 =	vld [tilespmem:s1+$0xCA80]  }
0xc7: {  	v1 =	vld [tilespmem:s3+$0x0];
	_ =	sdelay $0x1  }
0xc8: {  	v2 =	vld [tilespmem:s1+$0xCD00];
	_ =	sdelay $0x1  }
0xc9: {  	v3 =	vld [tilespmem:s1+$0xCF80]  }
0xca: {  	v0 =	vadd.f32 v0, v1  }
0xcb: {  	v52 =	vld [tilespmem:s1+$0xD200]  }
0xcc: {  	v0 =	vadd.f32 v2, v0  }
0xcd: {  	v53 =	vld [tilespmem:s1+$0xD480]  }
0xce: {  	v0 =	vadd.f32 v3, v0  }
0xcf: {  	v54 =	vld [tilespmem:s1+$0xD700]  }
0xd0: {  	v0 =	vadd.f32 v52, v0  }
0xd1: {  	v55 =	vld [tilespmem:s1+$0xD980]  }
0xd2: {  	v0 =	vadd.f32 v53, v0  }
0xd3: {  	v56 =	vld [tilespmem:s1+$0xDC00]  }
0xd4: {  	v0 =	vadd.f32 v54, v0  }
0xd5: {  	v57 =	vld [tilespmem:s1+$0xDE80]  }
0xd6: {  	v0 =	vadd.f32 v55, v0  }
0xd7: {  	v58 =	vld [tilespmem:s1+$0xE100]  }
0xd8: {  	v0 =	vadd.f32 v56, v0  }
0xd9: {  	v59 =	vld [tilespmem:s1+$0xE380]  }
0xda: {  	v0 =	vadd.f32 v57, v0  }
0xdb: {  	v60 =	vld [tilespmem:s1+$0xE600]  }
0xdc: {  	v0 =	vadd.f32 v58, v0  }
0xdd: {  	v61 =	vld [tilespmem:s1+$0xE880]  }
0xde: {  	v0 =	vadd.f32 v59, v0  }
0xdf: {  	v62 =	vld [tilespmem:s1+$0xEB00]  }
0xe0: {  	v0 =	vadd.f32 v60, v0  }
0xe1: {  	v63 =	vld [tilespmem:s1+$0xED80]  }
0xe2: {  	v0 =	vadd.f32 v61, v0;
	_ =	sdelay $0x1  }
0xe3: {  	v0 =	vadd.f32 v62, v0;
	_ =	sdelay $0x1  }
0xe4: {  	s0 =	sadd.s32 $0x1, s0;
	v0 =	vadd.f32 v63, v0  }
0xe5: {  	s4 =	sadd.s32 $0x10, s30;
	p0 =	sne.s32 s0, s24  }
.Ltmp2:
0xe6: {  	s30 =	simm.s32 $0xF000;
	[tilespmem:s4+$0x0] =	vst v0;
	(pc) =	sbr.rel @p0 .LBB2_1-.Ltmp2, $4  }
0xe7: {  	[hbm4b:s23+s28] =	stream.strided.scatter [tilespmem:s30], [sflag:$0x1], $0x280, s29, s28, $0x38;
	[tilespmem:$0x11A80] =	vst v63  }
0xe8: {  	_ =	swait.ge [sflag:s26], $0x280  }
0xe9: {  	[sflag:s26] =	ssyncset.done $0x0  }
0xea: {  	[sflag:s26] =	ssyncadd.s32 $0xFFFFFD80  }
0xeb: {  	_ =	sfence.sel $0x180000  }
0xec: {  	[bflag:$0x0] =	sbarrier.arrive $0xFFFF  }
0xed: {  	_ =	strace $0x90000047  }
0xee: {  	s0 =	stileid.u32;
	[bflag:$0x2] =	sbarrier.arrive $0xFFFF  }
0xef: {  	p0 =	sne.s32 s0, $0x0;
	s0 =	rddreg [dreg:$0x2]  }
0xf0: {  	s0 =	sadd.s32 @!p0 $0x100000, s0  }
0xf1: {  	[sflag:s0] =	ssyncadd.tile.s32 @!p0 $0x1;
	_ =	shalt  }
.Lfunc_end2:
_tile_overlayer_lowered:
.L_overlay_start_2:
0xf2: {  	(tag) =	ssettag $0x2  }
0xf3: {  	s0 =	rddreg [dreg:$0x0];
	s2 =	stileid.u32  }
0xf4: {  	s1 =	rddreg [dreg:$0x1];
	p0 =	sne.s32 s2, $0x0  }
0xf5: {  	s3 =	rddreg [dreg:$0x2];
	[bflag:$0x3] =	sbarrier.arrive $0xFFFF;
	s2 =	simm.s32 @!p0 $0x1C01  }
0xf6: {  	[timem:s3], [sflag:s2] =	dma.local @!p0 [hbm:s0], s1  }
0xf7: {  	s0 =	simm.s32 @!p0 $0x1  }
0xf8: {  	_ =	swait.ge @!p0 [sflag:s0], s1  }
0xf9: {  	s1 =	ssub.s32 @!p0 $0x0, s1;
	[sflag:s0] =	ssyncset.done @!p0 $0x0  }
0xfa: {  	[sflag:s0] =	ssyncadd.s32 @!p0 s1  }
0xfb: {  	[bflag:$0x3] =	sbarrier.arrive $0xFFFF  }
0xfc: {  	_ =	shalt  }

</sc_bundles>
